<compile_context>
chip_gen: v7x
topology: tpu7x:2x2x1
jax: 0.10.2.dev20260603
libtpu: 0.0.44.dev20260713+nightly
codegen_flags: <defaults>
</compile_context>

<pallas_src>
import functools

import jax
import jax.numpy as jnp
from jax import lax
from jax.experimental import pallas as pl
from jax.experimental.pallas import tpu as pltpu
from jax.experimental.pallas import tpu_sc as plsc

FEATURE_SIZE = 100000
ACCUM = 128
L1 = 32
L2 = 32
B = 4096
M = 50

NC = 2
NS = 16
NW = NC * NS
UNITS = 2 * B
UPT = UNITS // NW
G = 1
CPT = UPT // G
NBUF = 8
LANES = 16
NCH = ACCUM // LANES


def _sc_pool(white, black, ft_weight):
    mesh = plsc.VectorSubcoreMesh(core_axis_name="c", subcore_axis_name="s")

    @functools.partial(
        pl.kernel,
        out_type=jax.ShapeDtypeStruct((UNITS, ACCUM), jnp.float32),
        mesh=mesh,
        scratch_types=[
            pltpu.VMEM((CPT, G * M), jnp.int32),
            [pltpu.VMEM((G * M, ACCUM), jnp.float32) for _ in range(NBUF)],
            pltpu.VMEM((UPT, ACCUM), jnp.float32),
            [pltpu.SemaphoreType.DMA for _ in range(NBUF)],
            pltpu.SemaphoreType.DMA,
        ],
    )
    def pool(white_hbm, black_hbm, table_hbm, out_hbm, idx_v, rows, out_v,
             sems, out_sem):
        wid = lax.axis_index("s") * NC + lax.axis_index("c")
        base = wid * UPT

        @pl.when(wid < NW // 2)
        def _():
            pltpu.sync_copy(white_hbm.at[pl.ds(wid * UPT, UPT), :], idx_v)

        @pl.when(wid >= NW // 2)
        def _():
            pltpu.sync_copy(
                black_hbm.at[pl.ds((wid - NW // 2) * UPT, UPT), :], idx_v)

        for b in range(NBUF):
            pltpu.async_copy(table_hbm.at[idx_v.at[b]], rows[b], sems[b])

        zero = jnp.zeros((LANES,), jnp.float32)

        def accum_unit(b, k):
            @plsc.parallel_loop(0, M, 1, unroll=2, carry=(zero,) * NCH)
            def acc(j, a):
                return tuple(
                    a[c] + rows[b][j, pl.ds(c * LANES, LANES)]
                    for c in range(NCH))

            for c in range(NCH):
                out_v[k, pl.ds(c * LANES, LANES)] = acc[c]

        def body(i, carry):
            k0 = i * NBUF
            for b in range(NBUF):
                k = k0 + b
                pltpu.make_async_copy(
                    table_hbm.at[idx_v.at[k]], rows[b], sems[b]).wait()
                accum_unit(b, k)
                pltpu.async_copy(
                    table_hbm.at[idx_v.at[k + NBUF]], rows[b], sems[b])
            pltpu.async_copy(out_v.at[pl.ds(k0, NBUF), :],
                             out_hbm.at[pl.ds(base + k0, NBUF), :], out_sem)
            return carry

        lax.fori_loop(0, CPT // NBUF - 1, body, 0)
        for b in range(NBUF):
            k = CPT - NBUF + b
            pltpu.make_async_copy(
                table_hbm.at[idx_v.at[k]], rows[b], sems[b]).wait()
            accum_unit(b, k)
        pltpu.async_copy(out_v.at[pl.ds(CPT - NBUF, NBUF), :],
                         out_hbm.at[pl.ds(base + CPT - NBUF, NBUF), :],
                         out_sem)
        pltpu.make_async_copy(out_v, out_hbm.at[pl.ds(base, UPT), :],
                              out_sem).wait()

    return pool(white, black, ft_weight)


def _screlu(x):
    return jnp.square(jnp.clip(x, 0.0, 1.0))


def _dot_t(x, w):
    return lax.dot_general(x, w, (((1,), (1,)), ((), ())),
                           preferred_element_type=jnp.float32)


def _head_body(w_ref, b_ref, stm_ref, bias_ref, l1s_ref, l1n_ref, l1b_ref,
               l2_ref, l2b_ref, ow_ref, ob_ref, out_ref):
    bias = bias_ref[...][None, :]
    wa = _screlu(w_ref[...] + bias)
    ba = _screlu(b_ref[...] + bias)
    m = stm_ref[...]
    stm_acc = jnp.where(m, ba, wa)
    nstm_acc = jnp.where(m, wa, ba)
    h = (_dot_t(stm_acc, l1s_ref[...]) + _dot_t(nstm_acc, l1n_ref[...])
         + l1b_ref[...][None, :])
    h = _screlu(h)
    h = _dot_t(h, l2_ref[...]) + l2b_ref[...][None, :]
    h = _screlu(h)
    out_ref[...] = jnp.sum(h * ow_ref[...], axis=1) + ob_ref[0]


def _tc_head(sums, stm, ft_bias, l1_w, l1_b, l2_w, l2_b, out_w, out_b):
    blk = 4096
    grid = (B // blk,)
    full = lambda shape: pl.BlockSpec(shape, lambda i: (0, 0))
    return pl.pallas_call(
        _head_body,
        grid=grid,
        in_specs=[
            pl.BlockSpec((blk, ACCUM), lambda i: (i, 0)),
            pl.BlockSpec((blk, ACCUM), lambda i: (i + B // blk, 0)),
            pl.BlockSpec((blk, 1), lambda i: (i, 0)),
            pl.BlockSpec((ACCUM,), lambda i: (0,)),
            pl.BlockSpec((L1, ACCUM), lambda i: (0, 0)),
            pl.BlockSpec((L1, ACCUM), lambda i: (0, 1)),
            pl.BlockSpec((L1,), lambda i: (0,)),
            full((L2, L1)),
            pl.BlockSpec((L2,), lambda i: (0,)),
            full((1, L2)),
            pl.BlockSpec((1,), lambda i: (0,)),
        ],
        out_specs=pl.BlockSpec((blk,), lambda i: (i,)),
        out_shape=jax.ShapeDtypeStruct((B,), jnp.float32),
    )(sums, sums, stm[:, None],
      ft_bias, l1_w, l1_w, l1_b, l2_w, l2_b, out_w, out_b)


def kernel(white_features, black_features, stm, ft_weight, ft_bias,
           l1_w, l1_b, l2_w, l2_b, out_w, out_b):
    sums = _sc_pool(white_features, black_features, ft_weight)
    return _tc_head(sums, stm, ft_bias, l1_w, l1_b, l2_w, l2_b, out_w, out_b)

# --- scband reference (transcript-rebuilt; emitter-appended) ---
"""Pipeline reference for scband-game-nnue-71768903516258 (READ-ONLY COPY).

The authoritative reference and input builder live on the scoring server;
editing this copy changes nothing except your own understanding.
"""

import jax, jax.numpy as jnp
import numpy as np

FEATURE_SIZE = 100000
ACCUM = 128
L1 = 32
L2 = 32
B = 4096
M = 50


def screlu(x):
    return jnp.square(jnp.clip(x, 0.0, 1.0))


def _ft_sparse(indices, ft_weight, ft_bias):
    # EmbeddingBag(mode='sum') with per_sample_weights masking out-of-range padding
    valid = (indices < FEATURE_SIZE).astype(jnp.float32)
    clamped = jnp.minimum(indices, FEATURE_SIZE - 1).astype(jnp.int32)
    emb = jnp.take(ft_weight, clamped, axis=0)  # (B, M, ACCUM)
    return jnp.sum(emb * valid[..., None], axis=1) + ft_bias


def setup_inputs(seed: int = 0) -> dict:
    key = jax.random.key(seed)
    ks = jax.random.split(key, 12)
    white_features = jax.random.randint(ks[0], (B, M), 0, FEATURE_SIZE, dtype=jnp.int32)
    black_features = jax.random.randint(ks[1], (B, M), 0, FEATURE_SIZE, dtype=jnp.int32)
    stm = jax.random.randint(ks[2], (B,), 0, 2) == 1
    ft_weight = jax.random.normal(ks[3], (FEATURE_SIZE, ACCUM), dtype=jnp.float32) * 0.02
    ft_bias = jnp.zeros((ACCUM,), dtype=jnp.float32)
    l1_w = jax.random.normal(ks[4], (L1, ACCUM * 2), dtype=jnp.float32) * 0.05
    l1_b = jax.random.normal(ks[5], (L1,), dtype=jnp.float32) * 0.01
    l2_w = jax.random.normal(ks[6], (L2, L1), dtype=jnp.float32) * 0.1
    l2_b = jax.random.normal(ks[7], (L2,), dtype=jnp.float32) * 0.01
    out_w = jax.random.normal(ks[8], (1, L2), dtype=jnp.float32) * 0.1
    out_b = jax.random.normal(ks[9], (1,), dtype=jnp.float32) * 0.01
    return {
        "white_features": white_features,
        "black_features": black_features,
        "stm": stm,
        "ft_weight": ft_weight,
        "ft_bias": ft_bias,
        "l1_w": l1_w,
        "l1_b": l1_b,
        "l2_w": l2_w,
        "l2_b": l2_b,
        "out_w": out_w,
        "out_b": out_b,
    }


def reference(white_features, black_features, stm, ft_weight, ft_bias,
              l1_w, l1_b, l2_w, l2_b, out_w, out_b):
    w_accum = screlu(_ft_sparse(white_features, ft_weight, ft_bias))
    b_accum = screlu(_ft_sparse(black_features, ft_weight, ft_bias))
    stm_mask = stm[:, None]
    stm_accum = jnp.where(stm_mask, b_accum, w_accum)
    nstm_accum = jnp.where(stm_mask, w_accum, b_accum)
    x = jnp.concatenate([stm_accum, nstm_accum], axis=1)
    v = screlu(x @ l1_w.T + l1_b)
    v = screlu(v @ l2_w.T + l2_b)
    value = (v @ out_w.T + out_b)[:, 0]
    return value

if __name__ == "__main__":
    import jax
    _d = setup_inputs()
    print(jax.jit(kernel)(*tuple(_d.values())))

</pallas_src>

<mosaic_0001>
#map = affine_map<(d0, d1) -> (0, 0)>
module attributes {stable_mosaic.version = 14 : i64} {
  func.func @pool(%arg0: i32, %arg1: i32, %arg2: memref<4096x50xi32, #tpu.memory_space<hbm>>, %arg3: memref<4096x50xi32, #tpu.memory_space<hbm>>, %arg4: memref<100000x128xf32, #tpu.memory_space<hbm>>, %arg5: memref<8192x128xf32, #tpu.memory_space<hbm>>, %arg6: memref<256x50xi32, #tpu.memory_space<vmem>>, %arg7: memref<50x128xf32, #tpu.memory_space<vmem>>, %arg8: memref<50x128xf32, #tpu.memory_space<vmem>>, %arg9: memref<50x128xf32, #tpu.memory_space<vmem>>, %arg10: memref<50x128xf32, #tpu.memory_space<vmem>>, %arg11: memref<50x128xf32, #tpu.memory_space<vmem>>, %arg12: memref<50x128xf32, #tpu.memory_space<vmem>>, %arg13: memref<50x128xf32, #tpu.memory_space<vmem>>, %arg14: memref<50x128xf32, #tpu.memory_space<vmem>>, %arg15: memref<256x128xf32, #tpu.memory_space<vmem>>, %arg16: memref<!tpu.dma_semaphore, #tpu.memory_space<semaphore_mem>>, %arg17: memref<!tpu.dma_semaphore, #tpu.memory_space<semaphore_mem>>, %arg18: memref<!tpu.dma_semaphore, #tpu.memory_space<semaphore_mem>>, %arg19: memref<!tpu.dma_semaphore, #tpu.memory_space<semaphore_mem>>, %arg20: memref<!tpu.dma_semaphore, #tpu.memory_space<semaphore_mem>>, %arg21: memref<!tpu.dma_semaphore, #tpu.memory_space<semaphore_mem>>, %arg22: memref<!tpu.dma_semaphore, #tpu.memory_space<semaphore_mem>>, %arg23: memref<!tpu.dma_semaphore, #tpu.memory_space<semaphore_mem>>, %arg24: memref<!tpu.dma_semaphore, #tpu.memory_space<semaphore_mem>>) attributes {dimension_semantics = [#tpu.dimension_semantics<core_parallel>, #tpu.dimension_semantics<subcore_parallel>], iteration_bounds = array<i64: 2, 16>, scalar_prefetch = 0 : i64, scratch_operands = 19 : i64, tpu.core_type = #tpu.core_type<sc_vector_subcore>, window_params = [{transform_indices = #map}, {transform_indices = #map}, {transform_indices = #map}, {transform_indices = #map}]} {
    %mul3A = arith.constant 2 : i32
    %mul3A_0 = arith.muli %arg1, %mul3A : i32
    %add3A = arith.addi %mul3A_0, %arg0 : i32
    %mul3A_1 = arith.constant 256 : i32
    %mul3A_2 = arith.muli %add3A, %mul3A_1 : i32
    %lt3A = arith.constant 16 : i32
    %lt3A_3 = arith.cmpi slt, %add3A, %lt3A : i32
    %convert_element_type3A = arith.extui %lt3A_3 : i1 to i32
    %cond3A = arith.constant 0 : i32
    %cond3A_4 = arith.cmpi ne, %convert_element_type3A, %cond3A : i32
    scf.if %cond3A_4 {
      %mul3A_556 = arith.constant 256 : i32
      %mul3A_557 = arith.muli %add3A, %mul3A_556 : i32
      "tpu.region"() ({
        %run_scoped3A = tpu.sem_alloc : memref<!tpu.dma_semaphore, #tpu.memory_space<semaphore_mem>>
        %dma_start3A_558 = arith.constant 0 : i32
        %dma_start3A_559 = tpu.memref_slice %arg2[%mul3A_557, %dma_start3A_558] : memref<4096x50xi32, #tpu.memory_space<hbm>> -> memref<256x50xi32, #tpu.memory_space<hbm>>
        %dma_start3A_560 = arith.constant 0 : i32
        %dma_start3A_561 = tpu.memref_slice %arg2[%mul3A_557, %dma_start3A_560] : memref<4096x50xi32, #tpu.memory_space<hbm>> -> memref<256x50xi32, #tpu.memory_space<hbm>>
        tpu.enqueue_dma source(%dma_start3A_561 : memref<256x50xi32, #tpu.memory_space<hbm>>) target(%arg6 : memref<256x50xi32, #tpu.memory_space<vmem>>) target_semaphore(%run_scoped3A : memref<!tpu.dma_semaphore, #tpu.memory_space<semaphore_mem>>)
        %dma_wait3A_562 = arith.constant 0 : i32
        %dma_wait3A_563 = tpu.memref_slice %arg2[%mul3A_557, %dma_wait3A_562] : memref<4096x50xi32, #tpu.memory_space<hbm>> -> memref<256x50xi32, #tpu.memory_space<hbm>>
        %dma_wait3A_564 = arith.constant 0 : i32
        %dma_wait3A_565 = tpu.memref_slice %arg2[%mul3A_557, %dma_wait3A_564] : memref<4096x50xi32, #tpu.memory_space<hbm>> -> memref<256x50xi32, #tpu.memory_space<hbm>>
        tpu.wait_dma2 semaphore(%run_scoped3A : memref<!tpu.dma_semaphore, #tpu.memory_space<semaphore_mem>>) src(%dma_wait3A_565 : memref<256x50xi32, #tpu.memory_space<hbm>>) dst(%arg6 : memref<256x50xi32, #tpu.memory_space<vmem>>)
        tpu.yield
      }) : () -> ()
    } else {
    }
    %ge3A = arith.constant 16 : i32
    %ge3A_5 = arith.cmpi sge, %add3A, %ge3A : i32
    %convert_element_type3A_6 = arith.extui %ge3A_5 : i1 to i32
    %cond3A_7 = arith.constant 0 : i32
    %cond3A_8 = arith.cmpi ne, %convert_element_type3A_6, %cond3A_7 : i32
    scf.if %cond3A_8 {
      %sub3A_556 = arith.constant 16 : i32
      %sub3A_557 = arith.subi %add3A, %sub3A_556 : i32
      %mul3A_558 = arith.constant 256 : i32
      %mul3A_559 = arith.muli %sub3A_557, %mul3A_558 : i32
      "tpu.region"() ({
        %run_scoped3A = tpu.sem_alloc : memref<!tpu.dma_semaphore, #tpu.memory_space<semaphore_mem>>
        %dma_start3A_560 = arith.constant 0 : i32
        %dma_start3A_561 = tpu.memref_slice %arg3[%mul3A_559, %dma_start3A_560] : memref<4096x50xi32, #tpu.memory_space<hbm>> -> memref<256x50xi32, #tpu.memory_space<hbm>>
        %dma_start3A_562 = arith.constant 0 : i32
        %dma_start3A_563 = tpu.memref_slice %arg3[%mul3A_559, %dma_start3A_562] : memref<4096x50xi32, #tpu.memory_space<hbm>> -> memref<256x50xi32, #tpu.memory_space<hbm>>
        tpu.enqueue_dma source(%dma_start3A_563 : memref<256x50xi32, #tpu.memory_space<hbm>>) target(%arg6 : memref<256x50xi32, #tpu.memory_space<vmem>>) target_semaphore(%run_scoped3A : memref<!tpu.dma_semaphore, #tpu.memory_space<semaphore_mem>>)
        %dma_wait3A_564 = arith.constant 0 : i32
        %dma_wait3A_565 = tpu.memref_slice %arg3[%mul3A_559, %dma_wait3A_564] : memref<4096x50xi32, #tpu.memory_space<hbm>> -> memref<256x50xi32, #tpu.memory_space<hbm>>
        %dma_wait3A_566 = arith.constant 0 : i32
        %dma_wait3A_567 = tpu.memref_slice %arg3[%mul3A_559, %dma_wait3A_566] : memref<4096x50xi32, #tpu.memory_space<hbm>> -> memref<256x50xi32, #tpu.memory_space<hbm>>
        tpu.wait_dma2 semaphore(%run_scoped3A : memref<!tpu.dma_semaphore, #tpu.memory_space<semaphore_mem>>) src(%dma_wait3A_567 : memref<256x50xi32, #tpu.memory_space<hbm>>) dst(%arg6 : memref<256x50xi32, #tpu.memory_space<vmem>>)
        tpu.yield
      }) : () -> ()
    } else {
    }
    %dma_start3A = arith.constant 0 : i32
    %dma_start3A_9 = arith.constant 0 : i32
    %dma_start3A_10 = tpu.memref_slice %arg6[%dma_start3A, %dma_start3A_9] : memref<256x50xi32, #tpu.memory_space<vmem>> -> memref<1x50xi32, #tpu.memory_space<vmem>>
    %dma_start3A_11 = tpu.memref_squeeze %dma_start3A_10 : memref<1x50xi32, #tpu.memory_space<vmem>> -> memref<50xi32, #tpu.memory_space<vmem>>
    %dma_start3A_12 = arith.constant 0 : i32
    %dma_start3A_13 = arith.constant 0 : i32
    %dma_start3A_14 = tpu.memref_slice %arg4[%dma_start3A_12, %dma_start3A_13] : memref<100000x128xf32, #tpu.memory_space<hbm>> -> memref<100000x128xf32, #tpu.memory_space<hbm>>
    tpu.enqueue_indirect_dma source(%dma_start3A_14 : memref<100000x128xf32, #tpu.memory_space<hbm>>) target(%arg7 : memref<50x128xf32, #tpu.memory_space<vmem>>) offsets(%dma_start3A_11 : memref<50xi32, #tpu.memory_space<vmem>>) semaphore(%arg16 : memref<!tpu.dma_semaphore, #tpu.memory_space<semaphore_mem>>)
    %dma_start3A_15 = arith.constant 1 : i32
    %dma_start3A_16 = arith.constant 0 : i32
    %dma_start3A_17 = tpu.memref_slice %arg6[%dma_start3A_15, %dma_start3A_16] : memref<256x50xi32, #tpu.memory_space<vmem>> -> memref<1x50xi32, #tpu.memory_space<vmem>>
    %dma_start3A_18 = tpu.memref_squeeze %dma_start3A_17 : memref<1x50xi32, #tpu.memory_space<vmem>> -> memref<50xi32, #tpu.memory_space<vmem>>
    %dma_start3A_19 = arith.constant 0 : i32
    %dma_start3A_20 = arith.constant 0 : i32
    %dma_start3A_21 = tpu.memref_slice %arg4[%dma_start3A_19, %dma_start3A_20] : memref<100000x128xf32, #tpu.memory_space<hbm>> -> memref<100000x128xf32, #tpu.memory_space<hbm>>
    tpu.enqueue_indirect_dma source(%dma_start3A_21 : memref<100000x128xf32, #tpu.memory_space<hbm>>) target(%arg8 : memref<50x128xf32, #tpu.memory_space<vmem>>) offsets(%dma_start3A_18 : memref<50xi32, #tpu.memory_space<vmem>>) semaphore(%arg17 : memref<!tpu.dma_semaphore, #tpu.memory_space<semaphore_mem>>)
    %dma_start3A_22 = arith.constant 2 : i32
    %dma_start3A_23 = arith.constant 0 : i32
    %dma_start3A_24 = tpu.memref_slice %arg6[%dma_start3A_22, %dma_start3A_23] : memref<256x50xi32, #tpu.memory_space<vmem>> -> memref<1x50xi32, #tpu.memory_space<vmem>>
    %dma_start3A_25 = tpu.memref_squeeze %dma_start3A_24 : memref<1x50xi32, #tpu.memory_space<vmem>> -> memref<50xi32, #tpu.memory_space<vmem>>
    %dma_start3A_26 = arith.constant 0 : i32
    %dma_start3A_27 = arith.constant 0 : i32
    %dma_start3A_28 = tpu.memref_slice %arg4[%dma_start3A_26, %dma_start3A_27] : memref<100000x128xf32, #tpu.memory_space<hbm>> -> memref<100000x128xf32, #tpu.memory_space<hbm>>
    tpu.enqueue_indirect_dma source(%dma_start3A_28 : memref<100000x128xf32, #tpu.memory_space<hbm>>) target(%arg9 : memref<50x128xf32, #tpu.memory_space<vmem>>) offsets(%dma_start3A_25 : memref<50xi32, #tpu.memory_space<vmem>>) semaphore(%arg18 : memref<!tpu.dma_semaphore, #tpu.memory_space<semaphore_mem>>)
    %dma_start3A_29 = arith.constant 3 : i32
    %dma_start3A_30 = arith.constant 0 : i32
    %dma_start3A_31 = tpu.memref_slice %arg6[%dma_start3A_29, %dma_start3A_30] : memref<256x50xi32, #tpu.memory_space<vmem>> -> memref<1x50xi32, #tpu.memory_space<vmem>>
    %dma_start3A_32 = tpu.memref_squeeze %dma_start3A_31 : memref<1x50xi32, #tpu.memory_space<vmem>> -> memref<50xi32, #tpu.memory_space<vmem>>
    %dma_start3A_33 = arith.constant 0 : i32
    %dma_start3A_34 = arith.constant 0 : i32
    %dma_start3A_35 = tpu.memref_slice %arg4[%dma_start3A_33, %dma_start3A_34] : memref<100000x128xf32, #tpu.memory_space<hbm>> -> memref<100000x128xf32, #tpu.memory_space<hbm>>
    tpu.enqueue_indirect_dma source(%dma_start3A_35 : memref<100000x128xf32, #tpu.memory_space<hbm>>) target(%arg10 : memref<50x128xf32, #tpu.memory_space<vmem>>) offsets(%dma_start3A_32 : memref<50xi32, #tpu.memory_space<vmem>>) semaphore(%arg19 : memref<!tpu.dma_semaphore, #tpu.memory_space<semaphore_mem>>)
    %dma_start3A_36 = arith.constant 4 : i32
    %dma_start3A_37 = arith.constant 0 : i32
    %dma_start3A_38 = tpu.memref_slice %arg6[%dma_start3A_36, %dma_start3A_37] : memref<256x50xi32, #tpu.memory_space<vmem>> -> memref<1x50xi32, #tpu.memory_space<vmem>>
    %dma_start3A_39 = tpu.memref_squeeze %dma_start3A_38 : memref<1x50xi32, #tpu.memory_space<vmem>> -> memref<50xi32, #tpu.memory_space<vmem>>
    %dma_start3A_40 = arith.constant 0 : i32
    %dma_start3A_41 = arith.constant 0 : i32
    %dma_start3A_42 = tpu.memref_slice %arg4[%dma_start3A_40, %dma_start3A_41] : memref<100000x128xf32, #tpu.memory_space<hbm>> -> memref<100000x128xf32, #tpu.memory_space<hbm>>
    tpu.enqueue_indirect_dma source(%dma_start3A_42 : memref<100000x128xf32, #tpu.memory_space<hbm>>) target(%arg11 : memref<50x128xf32, #tpu.memory_space<vmem>>) offsets(%dma_start3A_39 : memref<50xi32, #tpu.memory_space<vmem>>) semaphore(%arg20 : memref<!tpu.dma_semaphore, #tpu.memory_space<semaphore_mem>>)
    %dma_start3A_43 = arith.constant 5 : i32
    %dma_start3A_44 = arith.constant 0 : i32
    %dma_start3A_45 = tpu.memref_slice %arg6[%dma_start3A_43, %dma_start3A_44] : memref<256x50xi32, #tpu.memory_space<vmem>> -> memref<1x50xi32, #tpu.memory_space<vmem>>
    %dma_start3A_46 = tpu.memref_squeeze %dma_start3A_45 : memref<1x50xi32, #tpu.memory_space<vmem>> -> memref<50xi32, #tpu.memory_space<vmem>>
    %dma_start3A_47 = arith.constant 0 : i32
    %dma_start3A_48 = arith.constant 0 : i32
    %dma_start3A_49 = tpu.memref_slice %arg4[%dma_start3A_47, %dma_start3A_48] : memref<100000x128xf32, #tpu.memory_space<hbm>> -> memref<100000x128xf32, #tpu.memory_space<hbm>>
    tpu.enqueue_indirect_dma source(%dma_start3A_49 : memref<100000x128xf32, #tpu.memory_space<hbm>>) target(%arg12 : memref<50x128xf32, #tpu.memory_space<vmem>>) offsets(%dma_start3A_46 : memref<50xi32, #tpu.memory_space<vmem>>) semaphore(%arg21 : memref<!tpu.dma_semaphore, #tpu.memory_space<semaphore_mem>>)
    %dma_start3A_50 = arith.constant 6 : i32
    %dma_start3A_51 = arith.constant 0 : i32
    %dma_start3A_52 = tpu.memref_slice %arg6[%dma_start3A_50, %dma_start3A_51] : memref<256x50xi32, #tpu.memory_space<vmem>> -> memref<1x50xi32, #tpu.memory_space<vmem>>
    %dma_start3A_53 = tpu.memref_squeeze %dma_start3A_52 : memref<1x50xi32, #tpu.memory_space<vmem>> -> memref<50xi32, #tpu.memory_space<vmem>>
    %dma_start3A_54 = arith.constant 0 : i32
    %dma_start3A_55 = arith.constant 0 : i32
    %dma_start3A_56 = tpu.memref_slice %arg4[%dma_start3A_54, %dma_start3A_55] : memref<100000x128xf32, #tpu.memory_space<hbm>> -> memref<100000x128xf32, #tpu.memory_space<hbm>>
    tpu.enqueue_indirect_dma source(%dma_start3A_56 : memref<100000x128xf32, #tpu.memory_space<hbm>>) target(%arg13 : memref<50x128xf32, #tpu.memory_space<vmem>>) offsets(%dma_start3A_53 : memref<50xi32, #tpu.memory_space<vmem>>) semaphore(%arg22 : memref<!tpu.dma_semaphore, #tpu.memory_space<semaphore_mem>>)
    %dma_start3A_57 = arith.constant 7 : i32
    %dma_start3A_58 = arith.constant 0 : i32
    %dma_start3A_59 = tpu.memref_slice %arg6[%dma_start3A_57, %dma_start3A_58] : memref<256x50xi32, #tpu.memory_space<vmem>> -> memref<1x50xi32, #tpu.memory_space<vmem>>
    %dma_start3A_60 = tpu.memref_squeeze %dma_start3A_59 : memref<1x50xi32, #tpu.memory_space<vmem>> -> memref<50xi32, #tpu.memory_space<vmem>>
    %dma_start3A_61 = arith.constant 0 : i32
    %dma_start3A_62 = arith.constant 0 : i32
    %dma_start3A_63 = tpu.memref_slice %arg4[%dma_start3A_61, %dma_start3A_62] : memref<100000x128xf32, #tpu.memory_space<hbm>> -> memref<100000x128xf32, #tpu.memory_space<hbm>>
    tpu.enqueue_indirect_dma source(%dma_start3A_63 : memref<100000x128xf32, #tpu.memory_space<hbm>>) target(%arg14 : memref<50x128xf32, #tpu.memory_space<vmem>>) offsets(%dma_start3A_60 : memref<50xi32, #tpu.memory_space<vmem>>) semaphore(%arg23 : memref<!tpu.dma_semaphore, #tpu.memory_space<semaphore_mem>>)
    %broadcast_in_dim3A = arith.constant 0.000000e+00 : f32
    %broadcast_in_dim3A_64 = vector.broadcast %broadcast_in_dim3A : f32 to vector<16xf32>
    %scan3A = arith.constant 0 : i32
    %scan3A_65 = arith.constant 0 : i32
    %scan3A_66 = arith.constant 31 : i32
    %scan3A_67 = arith.addi %scan3A_65, %scan3A_66 : i32
    %scan3A_68 = arith.constant 1 : i32
    scf.for %scan3A_556 = %scan3A_65 to %scan3A_67 step %scan3A_68  : i32 {
      %mul3A_557 = arith.constant 8 : i32
      %mul3A_558 = arith.muli %scan3A_556, %mul3A_557 : i32
      %add3A_559 = arith.constant 0 : i32
      %add3A_560 = arith.addi %mul3A_558, %add3A_559 : i32
      %dma_wait3A_561 = arith.constant 0 : i32
      %dma_wait3A_562 = tpu.memref_slice %arg6[%add3A_560, %dma_wait3A_561] : memref<256x50xi32, #tpu.memory_space<vmem>> -> memref<1x50xi32, #tpu.memory_space<vmem>>
      %dma_wait3A_563 = tpu.memref_squeeze %dma_wait3A_562 : memref<1x50xi32, #tpu.memory_space<vmem>> -> memref<50xi32, #tpu.memory_space<vmem>>
      %dma_wait3A_564 = arith.constant 0 : i32
      %dma_wait3A_565 = arith.constant 0 : i32
      %dma_wait3A_566 = tpu.memref_slice %arg4[%dma_wait3A_564, %dma_wait3A_565] : memref<100000x128xf32, #tpu.memory_space<hbm>> -> memref<100000x128xf32, #tpu.memory_space<hbm>>
      tpu.wait_indirect_dma semaphore(%arg16 : memref<!tpu.dma_semaphore, #tpu.memory_space<semaphore_mem>>) src(%dma_wait3A_566 : memref<100000x128xf32, #tpu.memory_space<hbm>>) dst(%arg7 : memref<50x128xf32, #tpu.memory_space<vmem>>)
      %parallel_loop3A_567 = arith.constant 0 : i32
      %parallel_loop3A_568 = arith.constant 50 : i32
      %parallel_loop3A_569 = arith.constant 1 : i32
      %parallel_loop3A_570:8 = scf.for %parallel_loop3A_1048 = %parallel_loop3A_567 to %parallel_loop3A_568 step %parallel_loop3A_569 iter_args(%parallel_loop3A_1049 = %broadcast_in_dim3A_64, %parallel_loop3A_1050 = %broadcast_in_dim3A_64, %parallel_loop3A_1051 = %broadcast_in_dim3A_64, %parallel_loop3A_1052 = %broadcast_in_dim3A_64, %parallel_loop3A_1053 = %broadcast_in_dim3A_64, %parallel_loop3A_1054 = %broadcast_in_dim3A_64, %parallel_loop3A_1055 = %broadcast_in_dim3A_64, %parallel_loop3A_1056 = %broadcast_in_dim3A_64) -> (vector<16xf32>, vector<16xf32>, vector<16xf32>, vector<16xf32>, vector<16xf32>, vector<16xf32>, vector<16xf32>, vector<16xf32>)  : i32 {
        %parallel_loop3A_1057 = arith.index_cast %parallel_loop3A_1048 : i32 to index
        %parallel_loop3A_1058 = arith.constant 0 : index
        %parallel_loop3A_1059 = tpu.vector_load %arg7[%parallel_loop3A_1057, %parallel_loop3A_1058] {strides = array<i32>} : memref<50x128xf32, #tpu.memory_space<vmem>>, vector<1x16xf32>,
        %parallel_loop3A_1060 = vector.shape_cast %parallel_loop3A_1059 : vector<1x16xf32> to vector<16xf32>
        %parallel_loop3A_1061 = arith.addf %parallel_loop3A_1049, %parallel_loop3A_1060 : vector<16xf32>
        %parallel_loop3A_1062 = arith.index_cast %parallel_loop3A_1048 : i32 to index
        %parallel_loop3A_1063 = arith.constant 16 : index
        %parallel_loop3A_1064 = tpu.vector_load %arg7[%parallel_loop3A_1062, %parallel_loop3A_1063] {strides = array<i32>} : memref<50x128xf32, #tpu.memory_space<vmem>>, vector<1x16xf32>,
        %parallel_loop3A_1065 = vector.shape_cast %parallel_loop3A_1064 : vector<1x16xf32> to vector<16xf32>
        %parallel_loop3A_1066 = arith.addf %parallel_loop3A_1050, %parallel_loop3A_1065 : vector<16xf32>
        %parallel_loop3A_1067 = arith.index_cast %parallel_loop3A_1048 : i32 to index
        %parallel_loop3A_1068 = arith.constant 32 : index
        %parallel_loop3A_1069 = tpu.vector_load %arg7[%parallel_loop3A_1067, %parallel_loop3A_1068] {strides = array<i32>} : memref<50x128xf32, #tpu.memory_space<vmem>>, vector<1x16xf32>,
        %parallel_loop3A_1070 = vector.shape_cast %parallel_loop3A_1069 : vector<1x16xf32> to vector<16xf32>
        %parallel_loop3A_1071 = arith.addf %parallel_loop3A_1051, %parallel_loop3A_1070 : vector<16xf32>
        %parallel_loop3A_1072 = arith.index_cast %parallel_loop3A_1048 : i32 to index
        %parallel_loop3A_1073 = arith.constant 48 : index
        %parallel_loop3A_1074 = tpu.vector_load %arg7[%parallel_loop3A_1072, %parallel_loop3A_1073] {strides = array<i32>} : memref<50x128xf32, #tpu.memory_space<vmem>>, vector<1x16xf32>,
        %parallel_loop3A_1075 = vector.shape_cast %parallel_loop3A_1074 : vector<1x16xf32> to vector<16xf32>
        %parallel_loop3A_1076 = arith.addf %parallel_loop3A_1052, %parallel_loop3A_1075 : vector<16xf32>
        %parallel_loop3A_1077 = arith.index_cast %parallel_loop3A_1048 : i32 to index
        %parallel_loop3A_1078 = arith.constant 64 : index
        %parallel_loop3A_1079 = tpu.vector_load %arg7[%parallel_loop3A_1077, %parallel_loop3A_1078] {strides = array<i32>} : memref<50x128xf32, #tpu.memory_space<vmem>>, vector<1x16xf32>,
        %parallel_loop3A_1080 = vector.shape_cast %parallel_loop3A_1079 : vector<1x16xf32> to vector<16xf32>
        %parallel_loop3A_1081 = arith.addf %parallel_loop3A_1053, %parallel_loop3A_1080 : vector<16xf32>
        %parallel_loop3A_1082 = arith.index_cast %parallel_loop3A_1048 : i32 to index
        %parallel_loop3A_1083 = arith.constant 80 : index
        %parallel_loop3A_1084 = tpu.vector_load %arg7[%parallel_loop3A_1082, %parallel_loop3A_1083] {strides = array<i32>} : memref<50x128xf32, #tpu.memory_space<vmem>>, vector<1x16xf32>,
        %parallel_loop3A_1085 = vector.shape_cast %parallel_loop3A_1084 : vector<1x16xf32> to vector<16xf32>
        %parallel_loop3A_1086 = arith.addf %parallel_loop3A_1054, %parallel_loop3A_1085 : vector<16xf32>
        %parallel_loop3A_1087 = arith.index_cast %parallel_loop3A_1048 : i32 to index
        %parallel_loop3A_1088 = arith.constant 96 : index
        %parallel_loop3A_1089 = tpu.vector_load %arg7[%parallel_loop3A_1087, %parallel_loop3A_1088] {strides = array<i32>} : memref<50x128xf32, #tpu.memory_space<vmem>>, vector<1x16xf32>,
        %parallel_loop3A_1090 = vector.shape_cast %parallel_loop3A_1089 : vector<1x16xf32> to vector<16xf32>
        %parallel_loop3A_1091 = arith.addf %parallel_loop3A_1055, %parallel_loop3A_1090 : vector<16xf32>
        %parallel_loop3A_1092 = arith.index_cast %parallel_loop3A_1048 : i32 to index
        %parallel_loop3A_1093 = arith.constant 112 : index
        %parallel_loop3A_1094 = tpu.vector_load %arg7[%parallel_loop3A_1092, %parallel_loop3A_1093] {strides = array<i32>} : memref<50x128xf32, #tpu.memory_space<vmem>>, vector<1x16xf32>,
        %parallel_loop3A_1095 = vector.shape_cast %parallel_loop3A_1094 : vector<1x16xf32> to vector<16xf32>
        %parallel_loop3A_1096 = arith.addf %parallel_loop3A_1056, %parallel_loop3A_1095 : vector<16xf32>
        scf.yield %parallel_loop3A_1061, %parallel_loop3A_1066, %parallel_loop3A_1071, %parallel_loop3A_1076, %parallel_loop3A_1081, %parallel_loop3A_1086, %parallel_loop3A_1091, %parallel_loop3A_1096 : vector<16xf32>, vector<16xf32>, vector<16xf32>, vector<16xf32>, vector<16xf32>, vector<16xf32>, vector<16xf32>, vector<16xf32>
      } {sc.loop_unroll_factor = 2 : i64, sc.parallel_access}
      %swap3A_571 = arith.index_cast %add3A_560 : i32 to index
      %swap3A_572 = arith.constant 0 : index
      %swap3A_573 = tpu.vector_load %arg15[%swap3A_571, %swap3A_572] {strides = array<i32>} : memref<256x128xf32, #tpu.memory_space<vmem>>, vector<1x16xf32>,
      %swap3A_574 = vector.shape_cast %swap3A_573 : vector<1x16xf32> to vector<16xf32>
      %swap3A_575 = vector.shape_cast %parallel_loop3A_570#0 : vector<16xf32> to vector<1x16xf32>
      tpu.vector_store %arg15[%swap3A_571, %swap3A_572], %swap3A_575 {strides = array<i32>} : memref<256x128xf32, #tpu.memory_space<vmem>>, vector<1x16xf32>,
      %swap3A_576 = arith.index_cast %add3A_560 : i32 to index
      %swap3A_577 = arith.constant 16 : index
      %swap3A_578 = tpu.vector_load %arg15[%swap3A_576, %swap3A_577] {strides = array<i32>} : memref<256x128xf32, #tpu.memory_space<vmem>>, vector<1x16xf32>,
      %swap3A_579 = vector.shape_cast %swap3A_578 : vector<1x16xf32> to vector<16xf32>
      %swap3A_580 = vector.shape_cast %parallel_loop3A_570#1 : vector<16xf32> to vector<1x16xf32>
      tpu.vector_store %arg15[%swap3A_576, %swap3A_577], %swap3A_580 {strides = array<i32>} : memref<256x128xf32, #tpu.memory_space<vmem>>, vector<1x16xf32>,
      %swap3A_581 = arith.index_cast %add3A_560 : i32 to index
      %swap3A_582 = arith.constant 32 : index
      %swap3A_583 = tpu.vector_load %arg15[%swap3A_581, %swap3A_582] {strides = array<i32>} : memref<256x128xf32, #tpu.memory_space<vmem>>, vector<1x16xf32>,
      %swap3A_584 = vector.shape_cast %swap3A_583 : vector<1x16xf32> to vector<16xf32>
      %swap3A_585 = vector.shape_cast %parallel_loop3A_570#2 : vector<16xf32> to vector<1x16xf32>
      tpu.vector_store %arg15[%swap3A_581, %swap3A_582], %swap3A_585 {strides = array<i32>} : memref<256x128xf32, #tpu.memory_space<vmem>>, vector<1x16xf32>,
      %swap3A_586 = arith.index_cast %add3A_560 : i32 to index
      %swap3A_587 = arith.constant 48 : index
      %swap3A_588 = tpu.vector_load %arg15[%swap3A_586, %swap3A_587] {strides = array<i32>} : memref<256x128xf32, #tpu.memory_space<vmem>>, vector<1x16xf32>,
      %swap3A_589 = vector.shape_cast %swap3A_588 : vector<1x16xf32> to vector<16xf32>
      %swap3A_590 = vector.shape_cast %parallel_loop3A_570#3 : vector<16xf32> to vector<1x16xf32>
      tpu.vector_store %arg15[%swap3A_586, %swap3A_587], %swap3A_590 {strides = array<i32>} : memref<256x128xf32, #tpu.memory_space<vmem>>, vector<1x16xf32>,
      %swap3A_591 = arith.index_cast %add3A_560 : i32 to index
      %swap3A_592 = arith.constant 64 : index
      %swap3A_593 = tpu.vector_load %arg15[%swap3A_591, %swap3A_592] {strides = array<i32>} : memref<256x128xf32, #tpu.memory_space<vmem>>, vector<1x16xf32>,
      %swap3A_594 = vector.shape_cast %swap3A_593 : vector<1x16xf32> to vector<16xf32>
      %swap3A_595 = vector.shape_cast %parallel_loop3A_570#4 : vector<16xf32> to vector<1x16xf32>
      tpu.vector_store %arg15[%swap3A_591, %swap3A_592], %swap3A_595 {strides = array<i32>} : memref<256x128xf32, #tpu.memory_space<vmem>>, vector<1x16xf32>,
      %swap3A_596 = arith.index_cast %add3A_560 : i32 to index
      %swap3A_597 = arith.constant 80 : index
      %swap3A_598 = tpu.vector_load %arg15[%swap3A_596, %swap3A_597] {strides = array<i32>} : memref<256x128xf32, #tpu.memory_space<vmem>>, vector<1x16xf32>,
      %swap3A_599 = vector.shape_cast %swap3A_598 : vector<1x16xf32> to vector<16xf32>
      %swap3A_600 = vector.shape_cast %parallel_loop3A_570#5 : vector<16xf32> to vector<1x16xf32>
      tpu.vector_store %arg15[%swap3A_596, %swap3A_597], %swap3A_600 {strides = array<i32>} : memref<256x128xf32, #tpu.memory_space<vmem>>, vector<1x16xf32>,
      %swap3A_601 = arith.index_cast %add3A_560 : i32 to index
      %swap3A_602 = arith.constant 96 : index
      %swap3A_603 = tpu.vector_load %arg15[%swap3A_601, %swap3A_602] {strides = array<i32>} : memref<256x128xf32, #tpu.memory_space<vmem>>, vector<1x16xf32>,
      %swap3A_604 = vector.shape_cast %swap3A_603 : vector<1x16xf32> to vector<16xf32>
      %swap3A_605 = vector.shape_cast %parallel_loop3A_570#6 : vector<16xf32> to vector<1x16xf32>
      tpu.vector_store %arg15[%swap3A_601, %swap3A_602], %swap3A_605 {strides = array<i32>} : memref<256x128xf32, #tpu.memory_space<vmem>>, vector<1x16xf32>,
      %swap3A_606 = arith.index_cast %add3A_560 : i32 to index
      %swap3A_607 = arith.constant 112 : index
      %swap3A_608 = tpu.vector_load %arg15[%swap3A_606, %swap3A_607] {strides = array<i32>} : memref<256x128xf32, #tpu.memory_space<vmem>>, vector<1x16xf32>,
      %swap3A_609 = vector.shape_cast %swap3A_608 : vector<1x16xf32> to vector<16xf32>
      %swap3A_610 = vector.shape_cast %parallel_loop3A_570#7 : vector<16xf32> to vector<1x16xf32>
      tpu.vector_store %arg15[%swap3A_606, %swap3A_607], %swap3A_610 {strides = array<i32>} : memref<256x128xf32, #tpu.memory_space<vmem>>, vector<1x16xf32>,
      %add3A_611 = arith.constant 8 : i32
      %add3A_612 = arith.addi %add3A_560, %add3A_611 : i32
      %dma_start3A_613 = arith.constant 0 : i32
      %dma_start3A_614 = tpu.memref_slice %arg6[%add3A_612, %dma_start3A_613] : memref<256x50xi32, #tpu.memory_space<vmem>> -> memref<1x50xi32, #tpu.memory_space<vmem>>
      %dma_start3A_615 = tpu.memref_squeeze %dma_start3A_614 : memref<1x50xi32, #tpu.memory_space<vmem>> -> memref<50xi32, #tpu.memory_space<vmem>>
      %dma_start3A_616 = arith.constant 0 : i32
      %dma_start3A_617 = arith.constant 0 : i32
      %dma_start3A_618 = tpu.memref_slice %arg4[%dma_start3A_616, %dma_start3A_617] : memref<100000x128xf32, #tpu.memory_space<hbm>> -> memref<100000x128xf32, #tpu.memory_space<hbm>>
      tpu.enqueue_indirect_dma source(%dma_start3A_618 : memref<100000x128xf32, #tpu.memory_space<hbm>>) target(%arg7 : memref<50x128xf32, #tpu.memory_space<vmem>>) offsets(%dma_start3A_615 : memref<50xi32, #tpu.memory_space<vmem>>) semaphore(%arg16 : memref<!tpu.dma_semaphore, #tpu.memory_space<semaphore_mem>>)
      %add3A_619 = arith.constant 1 : i32
      %add3A_620 = arith.addi %mul3A_558, %add3A_619 : i32
      %dma_wait3A_621 = arith.constant 0 : i32
      %dma_wait3A_622 = tpu.memref_slice %arg6[%add3A_620, %dma_wait3A_621] : memref<256x50xi32, #tpu.memory_space<vmem>> -> memref<1x50xi32, #tpu.memory_space<vmem>>
      %dma_wait3A_623 = tpu.memref_squeeze %dma_wait3A_622 : memref<1x50xi32, #tpu.memory_space<vmem>> -> memref<50xi32, #tpu.memory_space<vmem>>
      %dma_wait3A_624 = arith.constant 0 : i32
      %dma_wait3A_625 = arith.constant 0 : i32
      %dma_wait3A_626 = tpu.memref_slice %arg4[%dma_wait3A_624, %dma_wait3A_625] : memref<100000x128xf32, #tpu.memory_space<hbm>> -> memref<100000x128xf32, #tpu.memory_space<hbm>>
      tpu.wait_indirect_dma semaphore(%arg17 : memref<!tpu.dma_semaphore, #tpu.memory_space<semaphore_mem>>) src(%dma_wait3A_626 : memref<100000x128xf32, #tpu.memory_space<hbm>>) dst(%arg8 : memref<50x128xf32, #tpu.memory_space<vmem>>)
      %parallel_loop3A_627 = arith.constant 0 : i32
      %parallel_loop3A_628 = arith.constant 50 : i32
      %parallel_loop3A_629 = arith.constant 1 : i32
      %parallel_loop3A_630:8 = scf.for %parallel_loop3A_1048 = %parallel_loop3A_627 to %parallel_loop3A_628 step %parallel_loop3A_629 iter_args(%parallel_loop3A_1049 = %broadcast_in_dim3A_64, %parallel_loop3A_1050 = %broadcast_in_dim3A_64, %parallel_loop3A_1051 = %broadcast_in_dim3A_64, %parallel_loop3A_1052 = %broadcast_in_dim3A_64, %parallel_loop3A_1053 = %broadcast_in_dim3A_64, %parallel_loop3A_1054 = %broadcast_in_dim3A_64, %parallel_loop3A_1055 = %broadcast_in_dim3A_64, %parallel_loop3A_1056 = %broadcast_in_dim3A_64) -> (vector<16xf32>, vector<16xf32>, vector<16xf32>, vector<16xf32>, vector<16xf32>, vector<16xf32>, vector<16xf32>, vector<16xf32>)  : i32 {
        %parallel_loop3A_1057 = arith.index_cast %parallel_loop3A_1048 : i32 to index
        %parallel_loop3A_1058 = arith.constant 0 : index
        %parallel_loop3A_1059 = tpu.vector_load %arg8[%parallel_loop3A_1057, %parallel_loop3A_1058] {strides = array<i32>} : memref<50x128xf32, #tpu.memory_space<vmem>>, vector<1x16xf32>,
        %parallel_loop3A_1060 = vector.shape_cast %parallel_loop3A_1059 : vector<1x16xf32> to vector<16xf32>
        %parallel_loop3A_1061 = arith.addf %parallel_loop3A_1049, %parallel_loop3A_1060 : vector<16xf32>
        %parallel_loop3A_1062 = arith.index_cast %parallel_loop3A_1048 : i32 to index
        %parallel_loop3A_1063 = arith.constant 16 : index
        %parallel_loop3A_1064 = tpu.vector_load %arg8[%parallel_loop3A_1062, %parallel_loop3A_1063] {strides = array<i32>} : memref<50x128xf32, #tpu.memory_space<vmem>>, vector<1x16xf32>,
        %parallel_loop3A_1065 = vector.shape_cast %parallel_loop3A_1064 : vector<1x16xf32> to vector<16xf32>
        %parallel_loop3A_1066 = arith.addf %parallel_loop3A_1050, %parallel_loop3A_1065 : vector<16xf32>
        %parallel_loop3A_1067 = arith.index_cast %parallel_loop3A_1048 : i32 to index
        %parallel_loop3A_1068 = arith.constant 32 : index
        %parallel_loop3A_1069 = tpu.vector_load %arg8[%parallel_loop3A_1067, %parallel_loop3A_1068] {strides = array<i32>} : memref<50x128xf32, #tpu.memory_space<vmem>>, vector<1x16xf32>,
        %parallel_loop3A_1070 = vector.shape_cast %parallel_loop3A_1069 : vector<1x16xf32> to vector<16xf32>
        %parallel_loop3A_1071 = arith.addf %parallel_loop3A_1051, %parallel_loop3A_1070 : vector<16xf32>
        %parallel_loop3A_1072 = arith.index_cast %parallel_loop3A_1048 : i32 to index
        %parallel_loop3A_1073 = arith.constant 48 : index
        %parallel_loop3A_1074 = tpu.vector_load %arg8[%parallel_loop3A_1072, %parallel_loop3A_1073] {strides = array<i32>} : memref<50x128xf32, #tpu.memory_space<vmem>>, vector<1x16xf32>,
        %parallel_loop3A_1075 = vector.shape_cast %parallel_loop3A_1074 : vector<1x16xf32> to vector<16xf32>
        %parallel_loop3A_1076 = arith.addf %parallel_loop3A_1052, %parallel_loop3A_1075 : vector<16xf32>
        %parallel_loop3A_1077 = arith.index_cast %parallel_loop3A_1048 : i32 to index
        %parallel_loop3A_1078 = arith.constant 64 : index
        %parallel_loop3A_1079 = tpu.vector_load %arg8[%parallel_loop3A_1077, %parallel_loop3A_1078] {strides = array<i32>} : memref<50x128xf32, #tpu.memory_space<vmem>>, vector<1x16xf32>,
        %parallel_loop3A_1080 = vector.shape_cast %parallel_loop3A_1079 : vector<1x16xf32> to vector<16xf32>
        %parallel_loop3A_1081 = arith.addf %parallel_loop3A_1053, %parallel_loop3A_1080 : vector<16xf32>
        %parallel_loop3A_1082 = arith.index_cast %parallel_loop3A_1048 : i32 to index
        %parallel_loop3A_1083 = arith.constant 80 : index
        %parallel_loop3A_1084 = tpu.vector_load %arg8[%parallel_loop3A_1082, %parallel_loop3A_1083] {strides = array<i32>} : memref<50x128xf32, #tpu.memory_space<vmem>>, vector<1x16xf32>,
        %parallel_loop3A_1085 = vector.shape_cast %parallel_loop3A_1084 : vector<1x16xf32> to vector<16xf32>
        %parallel_loop3A_1086 = arith.addf %parallel_loop3A_1054, %parallel_loop3A_1085 : vector<16xf32>
        %parallel_loop3A_1087 = arith.index_cast %parallel_loop3A_1048 : i32 to index
        %parallel_loop3A_1088 = arith.constant 96 : index
        %parallel_loop3A_1089 = tpu.vector_load %arg8[%parallel_loop3A_1087, %parallel_loop3A_1088] {strides = array<i32>} : memref<50x128xf32, #tpu.memory_space<vmem>>, vector<1x16xf32>,
        %parallel_loop3A_1090 = vector.shape_cast %parallel_loop3A_1089 : vector<1x16xf32> to vector<16xf32>
        %parallel_loop3A_1091 = arith.addf %parallel_loop3A_1055, %parallel_loop3A_1090 : vector<16xf32>
        %parallel_loop3A_1092 = arith.index_cast %parallel_loop3A_1048 : i32 to index
        %parallel_loop3A_1093 = arith.constant 112 : index
        %parallel_loop3A_1094 = tpu.vector_load %arg8[%parallel_loop3A_1092, %parallel_loop3A_1093] {strides = array<i32>} : memref<50x128xf32, #tpu.memory_space<vmem>>, vector<1x16xf32>,
        %parallel_loop3A_1095 = vector.shape_cast %parallel_loop3A_1094 : vector<1x16xf32> to vector<16xf32>
        %parallel_loop3A_1096 = arith.addf %parallel_loop3A_1056, %parallel_loop3A_1095 : vector<16xf32>
        scf.yield %parallel_loop3A_1061, %parallel_loop3A_1066, %parallel_loop3A_1071, %parallel_loop3A_1076, %parallel_loop3A_1081, %parallel_loop3A_1086, %parallel_loop3A_1091, %parallel_loop3A_1096 : vector<16xf32>, vector<16xf32>, vector<16xf32>, vector<16xf32>, vector<16xf32>, vector<16xf32>, vector<16xf32>, vector<16xf32>
      } {sc.loop_unroll_factor = 2 : i64, sc.parallel_access}
      %swap3A_631 = arith.index_cast %add3A_620 : i32 to index
      %swap3A_632 = arith.constant 0 : index
      %swap3A_633 = tpu.vector_load %arg15[%swap3A_631, %swap3A_632] {strides = array<i32>} : memref<256x128xf32, #tpu.memory_space<vmem>>, vector<1x16xf32>,
      %swap3A_634 = vector.shape_cast %swap3A_633 : vector<1x16xf32> to vector<16xf32>
      %swap3A_635 = vector.shape_cast %parallel_loop3A_630#0 : vector<16xf32> to vector<1x16xf32>
      tpu.vector_store %arg15[%swap3A_631, %swap3A_632], %swap3A_635 {strides = array<i32>} : memref<256x128xf32, #tpu.memory_space<vmem>>, vector<1x16xf32>,
      %swap3A_636 = arith.index_cast %add3A_620 : i32 to index
      %swap3A_637 = arith.constant 16 : index
      %swap3A_638 = tpu.vector_load %arg15[%swap3A_636, %swap3A_637] {strides = array<i32>} : memref<256x128xf32, #tpu.memory_space<vmem>>, vector<1x16xf32>,
      %swap3A_639 = vector.shape_cast %swap3A_638 : vector<1x16xf32> to vector<16xf32>
      %swap3A_640 = vector.shape_cast %parallel_loop3A_630#1 : vector<16xf32> to vector<1x16xf32>
      tpu.vector_store %arg15[%swap3A_636, %swap3A_637], %swap3A_640 {strides = array<i32>} : memref<256x128xf32, #tpu.memory_space<vmem>>, vector<1x16xf32>,
      %swap3A_641 = arith.index_cast %add3A_620 : i32 to index
      %swap3A_642 = arith.constant 32 : index
      %swap3A_643 = tpu.vector_load %arg15[%swap3A_641, %swap3A_642] {strides = array<i32>} : memref<256x128xf32, #tpu.memory_space<vmem>>, vector<1x16xf32>,
      %swap3A_644 = vector.shape_cast %swap3A_643 : vector<1x16xf32> to vector<16xf32>
      %swap3A_645 = vector.shape_cast %parallel_loop3A_630#2 : vector<16xf32> to vector<1x16xf32>
      tpu.vector_store %arg15[%swap3A_641, %swap3A_642], %swap3A_645 {strides = array<i32>} : memref<256x128xf32, #tpu.memory_space<vmem>>, vector<1x16xf32>,
      %swap3A_646 = arith.index_cast %add3A_620 : i32 to index
      %swap3A_647 = arith.constant 48 : index
      %swap3A_648 = tpu.vector_load %arg15[%swap3A_646, %swap3A_647] {strides = array<i32>} : memref<256x128xf32, #tpu.memory_space<vmem>>, vector<1x16xf32>,
      %swap3A_649 = vector.shape_cast %swap3A_648 : vector<1x16xf32> to vector<16xf32>
      %swap3A_650 = vector.shape_cast %parallel_loop3A_630#3 : vector<16xf32> to vector<1x16xf32>
      tpu.vector_store %arg15[%swap3A_646, %swap3A_647], %swap3A_650 {strides = array<i32>} : memref<256x128xf32, #tpu.memory_space<vmem>>, vector<1x16xf32>,
      %swap3A_651 = arith.index_cast %add3A_620 : i32 to index
      %swap3A_652 = arith.constant 64 : index
      %swap3A_653 = tpu.vector_load %arg15[%swap3A_651, %swap3A_652] {strides = array<i32>} : memref<256x128xf32, #tpu.memory_space<vmem>>, vector<1x16xf32>,
      %swap3A_654 = vector.shape_cast %swap3A_653 : vector<1x16xf32> to vector<16xf32>
      %swap3A_655 = vector.shape_cast %parallel_loop3A_630#4 : vector<16xf32> to vector<1x16xf32>
      tpu.vector_store %arg15[%swap3A_651, %swap3A_652], %swap3A_655 {strides = array<i32>} : memref<256x128xf32, #tpu.memory_space<vmem>>, vector<1x16xf32>,
      %swap3A_656 = arith.index_cast %add3A_620 : i32 to index
      %swap3A_657 = arith.constant 80 : index
      %swap3A_658 = tpu.vector_load %arg15[%swap3A_656, %swap3A_657] {strides = array<i32>} : memref<256x128xf32, #tpu.memory_space<vmem>>, vector<1x16xf32>,
      %swap3A_659 = vector.shape_cast %swap3A_658 : vector<1x16xf32> to vector<16xf32>
      %swap3A_660 = vector.shape_cast %parallel_loop3A_630#5 : vector<16xf32> to vector<1x16xf32>
      tpu.vector_store %arg15[%swap3A_656, %swap3A_657], %swap3A_660 {strides = array<i32>} : memref<256x128xf32, #tpu.memory_space<vmem>>, vector<1x16xf32>,
      %swap3A_661 = arith.index_cast %add3A_620 : i32 to index
      %swap3A_662 = arith.constant 96 : index
      %swap3A_663 = tpu.vector_load %arg15[%swap3A_661, %swap3A_662] {strides = array<i32>} : memref<256x128xf32, #tpu.memory_space<vmem>>, vector<1x16xf32>,
      %swap3A_664 = vector.shape_cast %swap3A_663 : vector<1x16xf32> to vector<16xf32>
      %swap3A_665 = vector.shape_cast %parallel_loop3A_630#6 : vector<16xf32> to vector<1x16xf32>
      tpu.vector_store %arg15[%swap3A_661, %swap3A_662], %swap3A_665 {strides = array<i32>} : memref<256x128xf32, #tpu.memory_space<vmem>>, vector<1x16xf32>,
      %swap3A_666 = arith.index_cast %add3A_620 : i32 to index
      %swap3A_667 = arith.constant 112 : index
      %swap3A_668 = tpu.vector_load %arg15[%swap3A_666, %swap3A_667] {strides = array<i32>} : memref<256x128xf32, #tpu.memory_space<vmem>>, vector<1x16xf32>,
      %swap3A_669 = vector.shape_cast %swap3A_668 : vector<1x16xf32> to vector<16xf32>
      %swap3A_670 = vector.shape_cast %parallel_loop3A_630#7 : vector<16xf32> to vector<1x16xf32>
      tpu.vector_store %arg15[%swap3A_666, %swap3A_667], %swap3A_670 {strides = array<i32>} : memref<256x128xf32, #tpu.memory_space<vmem>>, vector<1x16xf32>,
      %add3A_671 = arith.constant 8 : i32
      %add3A_672 = arith.addi %add3A_620, %add3A_671 : i32
      %dma_start3A_673 = arith.constant 0 : i32
      %dma_start3A_674 = tpu.memref_slice %arg6[%add3A_672, %dma_start3A_673] : memref<256x50xi32, #tpu.memory_space<vmem>> -> memref<1x50xi32, #tpu.memory_space<vmem>>
      %dma_start3A_675 = tpu.memref_squeeze %dma_start3A_674 : memref<1x50xi32, #tpu.memory_space<vmem>> -> memref<50xi32, #tpu.memory_space<vmem>>
      %dma_start3A_676 = arith.constant 0 : i32
      %dma_start3A_677 = arith.constant 0 : i32
      %dma_start3A_678 = tpu.memref_slice %arg4[%dma_start3A_676, %dma_start3A_677] : memref<100000x128xf32, #tpu.memory_space<hbm>> -> memref<100000x128xf32, #tpu.memory_space<hbm>>
      tpu.enqueue_indirect_dma source(%dma_start3A_678 : memref<100000x128xf32, #tpu.memory_space<hbm>>) target(%arg8 : memref<50x128xf32, #tpu.memory_space<vmem>>) offsets(%dma_start3A_675 : memref<50xi32, #tpu.memory_space<vmem>>) semaphore(%arg17 : memref<!tpu.dma_semaphore, #tpu.memory_space<semaphore_mem>>)
      %add3A_679 = arith.constant 2 : i32
      %add3A_680 = arith.addi %mul3A_558, %add3A_679 : i32
      %dma_wait3A_681 = arith.constant 0 : i32
      %dma_wait3A_682 = tpu.memref_slice %arg6[%add3A_680, %dma_wait3A_681] : memref<256x50xi32, #tpu.memory_space<vmem>> -> memref<1x50xi32, #tpu.memory_space<vmem>>
      %dma_wait3A_683 = tpu.memref_squeeze %dma_wait3A_682 : memref<1x50xi32, #tpu.memory_space<vmem>> -> memref<50xi32, #tpu.memory_space<vmem>>
      %dma_wait3A_684 = arith.constant 0 : i32
      %dma_wait3A_685 = arith.constant 0 : i32
      %dma_wait3A_686 = tpu.memref_slice %arg4[%dma_wait3A_684, %dma_wait3A_685] : memref<100000x128xf32, #tpu.memory_space<hbm>> -> memref<100000x128xf32, #tpu.memory_space<hbm>>
      tpu.wait_indirect_dma semaphore(%arg18 : memref<!tpu.dma_semaphore, #tpu.memory_space<semaphore_mem>>) src(%dma_wait3A_686 : memref<100000x128xf32, #tpu.memory_space<hbm>>) dst(%arg9 : memref<50x128xf32, #tpu.memory_space<vmem>>)
      %parallel_loop3A_687 = arith.constant 0 : i32
      %parallel_loop3A_688 = arith.constant 50 : i32
      %parallel_loop3A_689 = arith.constant 1 : i32
      %parallel_loop3A_690:8 = scf.for %parallel_loop3A_1048 = %parallel_loop3A_687 to %parallel_loop3A_688 step %parallel_loop3A_689 iter_args(%parallel_loop3A_1049 = %broadcast_in_dim3A_64, %parallel_loop3A_1050 = %broadcast_in_dim3A_64, %parallel_loop3A_1051 = %broadcast_in_dim3A_64, %parallel_loop3A_1052 = %broadcast_in_dim3A_64, %parallel_loop3A_1053 = %broadcast_in_dim3A_64, %parallel_loop3A_1054 = %broadcast_in_dim3A_64, %parallel_loop3A_1055 = %broadcast_in_dim3A_64, %parallel_loop3A_1056 = %broadcast_in_dim3A_64) -> (vector<16xf32>, vector<16xf32>, vector<16xf32>, vector<16xf32>, vector<16xf32>, vector<16xf32>, vector<16xf32>, vector<16xf32>)  : i32 {
        %parallel_loop3A_1057 = arith.index_cast %parallel_loop3A_1048 : i32 to index
        %parallel_loop3A_1058 = arith.constant 0 : index
        %parallel_loop3A_1059 = tpu.vector_load %arg9[%parallel_loop3A_1057, %parallel_loop3A_1058] {strides = array<i32>} : memref<50x128xf32, #tpu.memory_space<vmem>>, vector<1x16xf32>,
        %parallel_loop3A_1060 = vector.shape_cast %parallel_loop3A_1059 : vector<1x16xf32> to vector<16xf32>
        %parallel_loop3A_1061 = arith.addf %parallel_loop3A_1049, %parallel_loop3A_1060 : vector<16xf32>
        %parallel_loop3A_1062 = arith.index_cast %parallel_loop3A_1048 : i32 to index
        %parallel_loop3A_1063 = arith.constant 16 : index
        %parallel_loop3A_1064 = tpu.vector_load %arg9[%parallel_loop3A_1062, %parallel_loop3A_1063] {strides = array<i32>} : memref<50x128xf32, #tpu.memory_space<vmem>>, vector<1x16xf32>,
        %parallel_loop3A_1065 = vector.shape_cast %parallel_loop3A_1064 : vector<1x16xf32> to vector<16xf32>
        %parallel_loop3A_1066 = arith.addf %parallel_loop3A_1050, %parallel_loop3A_1065 : vector<16xf32>
        %parallel_loop3A_1067 = arith.index_cast %parallel_loop3A_1048 : i32 to index
        %parallel_loop3A_1068 = arith.constant 32 : index
        %parallel_loop3A_1069 = tpu.vector_load %arg9[%parallel_loop3A_1067, %parallel_loop3A_1068] {strides = array<i32>} : memref<50x128xf32, #tpu.memory_space<vmem>>, vector<1x16xf32>,
        %parallel_loop3A_1070 = vector.shape_cast %parallel_loop3A_1069 : vector<1x16xf32> to vector<16xf32>
        %parallel_loop3A_1071 = arith.addf %parallel_loop3A_1051, %parallel_loop3A_1070 : vector<16xf32>
        %parallel_loop3A_1072 = arith.index_cast %parallel_loop3A_1048 : i32 to index
        %parallel_loop3A_1073 = arith.constant 48 : index
        %parallel_loop3A_1074 = tpu.vector_load %arg9[%parallel_loop3A_1072, %parallel_loop3A_1073] {strides = array<i32>} : memref<50x128xf32, #tpu.memory_space<vmem>>, vector<1x16xf32>,
        %parallel_loop3A_1075 = vector.shape_cast %parallel_loop3A_1074 : vector<1x16xf32> to vector<16xf32>
        %parallel_loop3A_1076 = arith.addf %parallel_loop3A_1052, %parallel_loop3A_1075 : vector<16xf32>
        %parallel_loop3A_1077 = arith.index_cast %parallel_loop3A_1048 : i32 to index
        %parallel_loop3A_1078 = arith.constant 64 : index
        %parallel_loop3A_1079 = tpu.vector_load %arg9[%parallel_loop3A_1077, %parallel_loop3A_1078] {strides = array<i32>} : memref<50x128xf32, #tpu.memory_space<vmem>>, vector<1x16xf32>,
        %parallel_loop3A_1080 = vector.shape_cast %parallel_loop3A_1079 : vector<1x16xf32> to vector<16xf32>
        %parallel_loop3A_1081 = arith.addf %parallel_loop3A_1053, %parallel_loop3A_1080 : vector<16xf32>
        %parallel_loop3A_1082 = arith.index_cast %parallel_loop3A_1048 : i32 to index
        %parallel_loop3A_1083 = arith.constant 80 : index
        %parallel_loop3A_1084 = tpu.vector_load %arg9[%parallel_loop3A_1082, %parallel_loop3A_1083] {strides = array<i32>} : memref<50x128xf32, #tpu.memory_space<vmem>>, vector<1x16xf32>,
        %parallel_loop3A_1085 = vector.shape_cast %parallel_loop3A_1084 : vector<1x16xf32> to vector<16xf32>
        %parallel_loop3A_1086 = arith.addf %parallel_loop3A_1054, %parallel_loop3A_1085 : vector<16xf32>
        %parallel_loop3A_1087 = arith.index_cast %parallel_loop3A_1048 : i32 to index
        %parallel_loop3A_1088 = arith.constant 96 : index
        %parallel_loop3A_1089 = tpu.vector_load %arg9[%parallel_loop3A_1087, %parallel_loop3A_1088] {strides = array<i32>} : memref<50x128xf32, #tpu.memory_space<vmem>>, vector<1x16xf32>,
        %parallel_loop3A_1090 = vector.shape_cast %parallel_loop3A_1089 : vector<1x16xf32> to vector<16xf32>
        %parallel_loop3A_1091 = arith.addf %parallel_loop3A_1055, %parallel_loop3A_1090 : vector<16xf32>
        %parallel_loop3A_1092 = arith.index_cast %parallel_loop3A_1048 : i32 to index
        %parallel_loop3A_1093 = arith.constant 112 : index
        %parallel_loop3A_1094 = tpu.vector_load %arg9[%parallel_loop3A_1092, %parallel_loop3A_1093] {strides = array<i32>} : memref<50x128xf32, #tpu.memory_space<vmem>>, vector<1x16xf32>,
        %parallel_loop3A_1095 = vector.shape_cast %parallel_loop3A_1094 : vector<1x16xf32> to vector<16xf32>
        %parallel_loop3A_1096 = arith.addf %parallel_loop3A_1056, %parallel_loop3A_1095 : vector<16xf32>
        scf.yield %parallel_loop3A_1061, %parallel_loop3A_1066, %parallel_loop3A_1071, %parallel_loop3A_1076, %parallel_loop3A_1081, %parallel_loop3A_1086, %parallel_loop3A_1091, %parallel_loop3A_1096 : vector<16xf32>, vector<16xf32>, vector<16xf32>, vector<16xf32>, vector<16xf32>, vector<16xf32>, vector<16xf32>, vector<16xf32>
      } {sc.loop_unroll_factor = 2 : i64, sc.parallel_access}
      %swap3A_691 = arith.index_cast %add3A_680 : i32 to index
      %swap3A_692 = arith.constant 0 : index
      %swap3A_693 = tpu.vector_load %arg15[%swap3A_691, %swap3A_692] {strides = array<i32>} : memref<256x128xf32, #tpu.memory_space<vmem>>, vector<1x16xf32>,
      %swap3A_694 = vector.shape_cast %swap3A_693 : vector<1x16xf32> to vector<16xf32>
      %swap3A_695 = vector.shape_cast %parallel_loop3A_690#0 : vector<16xf32> to vector<1x16xf32>
      tpu.vector_store %arg15[%swap3A_691, %swap3A_692], %swap3A_695 {strides = array<i32>} : memref<256x128xf32, #tpu.memory_space<vmem>>, vector<1x16xf32>,
      %swap3A_696 = arith.index_cast %add3A_680 : i32 to index
      %swap3A_697 = arith.constant 16 : index
      %swap3A_698 = tpu.vector_load %arg15[%swap3A_696, %swap3A_697] {strides = array<i32>} : memref<256x128xf32, #tpu.memory_space<vmem>>, vector<1x16xf32>,
      %swap3A_699 = vector.shape_cast %swap3A_698 : vector<1x16xf32> to vector<16xf32>
      %swap3A_700 = vector.shape_cast %parallel_loop3A_690#1 : vector<16xf32> to vector<1x16xf32>
      tpu.vector_store %arg15[%swap3A_696, %swap3A_697], %swap3A_700 {strides = array<i32>} : memref<256x128xf32, #tpu.memory_space<vmem>>, vector<1x16xf32>,
      %swap3A_701 = arith.index_cast %add3A_680 : i32 to index
      %swap3A_702 = arith.constant 32 : index
      %swap3A_703 = tpu.vector_load %arg15[%swap3A_701, %swap3A_702] {strides = array<i32>} : memref<256x128xf32, #tpu.memory_space<vmem>>, vector<1x16xf32>,
      %swap3A_704 = vector.shape_cast %swap3A_703 : vector<1x16xf32> to vector<16xf32>
      %swap3A_705 = vector.shape_cast %parallel_loop3A_690#2 : vector<16xf32> to vector<1x16xf32>
      tpu.vector_store %arg15[%swap3A_701, %swap3A_702], %swap3A_705 {strides = array<i32>} : memref<256x128xf32, #tpu.memory_space<vmem>>, vector<1x16xf32>,
      %swap3A_706 = arith.index_cast %add3A_680 : i32 to index
      %swap3A_707 = arith.constant 48 : index
      %swap3A_708 = tpu.vector_load %arg15[%swap3A_706, %swap3A_707] {strides = array<i32>} : memref<256x128xf32, #tpu.memory_space<vmem>>, vector<1x16xf32>,
      %swap3A_709 = vector.shape_cast %swap3A_708 : vector<1x16xf32> to vector<16xf32>
      %swap3A_710 = vector.shape_cast %parallel_loop3A_690#3 : vector<16xf32> to vector<1x16xf32>
      tpu.vector_store %arg15[%swap3A_706, %swap3A_707], %swap3A_710 {strides = array<i32>} : memref<256x128xf32, #tpu.memory_space<vmem>>, vector<1x16xf32>,
      %swap3A_711 = arith.index_cast %add3A_680 : i32 to index
      %swap3A_712 = arith.constant 64 : index
      %swap3A_713 = tpu.vector_load %arg15[%swap3A_711, %swap3A_712] {strides = array<i32>} : memref<256x128xf32, #tpu.memory_space<vmem>>, vector<1x16xf32>,
      %swap3A_714 = vector.shape_cast %swap3A_713 : vector<1x16xf32> to vector<16xf32>
      %swap3A_715 = vector.shape_cast %parallel_loop3A_690#4 : vector<16xf32> to vector<1x16xf32>
      tpu.vector_store %arg15[%swap3A_711, %swap3A_712], %swap3A_715 {strides = array<i32>} : memref<256x128xf32, #tpu.memory_space<vmem>>, vector<1x16xf32>,
      %swap3A_716 = arith.index_cast %add3A_680 : i32 to index
      %swap3A_717 = arith.constant 80 : index
      %swap3A_718 = tpu.vector_load %arg15[%swap3A_716, %swap3A_717] {strides = array<i32>} : memref<256x128xf32, #tpu.memory_space<vmem>>, vector<1x16xf32>,
      %swap3A_719 = vector.shape_cast %swap3A_718 : vector<1x16xf32> to vector<16xf32>
      %swap3A_720 = vector.shape_cast %parallel_loop3A_690#5 : vector<16xf32> to vector<1x16xf32>
      tpu.vector_store %arg15[%swap3A_716, %swap3A_717], %swap3A_720 {strides = array<i32>} : memref<256x128xf32, #tpu.memory_space<vmem>>, vector<1x16xf32>,
      %swap3A_721 = arith.index_cast %add3A_680 : i32 to index
      %swap3A_722 = arith.constant 96 : index
      %swap3A_723 = tpu.vector_load %arg15[%swap3A_721, %swap3A_722] {strides = array<i32>} : memref<256x128xf32, #tpu.memory_space<vmem>>, vector<1x16xf32>,
      %swap3A_724 = vector.shape_cast %swap3A_723 : vector<1x16xf32> to vector<16xf32>
      %swap3A_725 = vector.shape_cast %parallel_loop3A_690#6 : vector<16xf32> to vector<1x16xf32>
      tpu.vector_store %arg15[%swap3A_721, %swap3A_722], %swap3A_725 {strides = array<i32>} : memref<256x128xf32, #tpu.memory_space<vmem>>, vector<1x16xf32>,
      %swap3A_726 = arith.index_cast %add3A_680 : i32 to index
      %swap3A_727 = arith.constant 112 : index
      %swap3A_728 = tpu.vector_load %arg15[%swap3A_726, %swap3A_727] {strides = array<i32>} : memref<256x128xf32, #tpu.memory_space<vmem>>, vector<1x16xf32>,
      %swap3A_729 = vector.shape_cast %swap3A_728 : vector<1x16xf32> to vector<16xf32>
      %swap3A_730 = vector.shape_cast %parallel_loop3A_690#7 : vector<16xf32> to vector<1x16xf32>
      tpu.vector_store %arg15[%swap3A_726, %swap3A_727], %swap3A_730 {strides = array<i32>} : memref<256x128xf32, #tpu.memory_space<vmem>>, vector<1x16xf32>,
      %add3A_731 = arith.constant 8 : i32
      %add3A_732 = arith.addi %add3A_680, %add3A_731 : i32
      %dma_start3A_733 = arith.constant 0 : i32
      %dma_start3A_734 = tpu.memref_slice %arg6[%add3A_732, %dma_start3A_733] : memref<256x50xi32, #tpu.memory_space<vmem>> -> memref<1x50xi32, #tpu.memory_space<vmem>>
      %dma_start3A_735 = tpu.memref_squeeze %dma_start3A_734 : memref<1x50xi32, #tpu.memory_space<vmem>> -> memref<50xi32, #tpu.memory_space<vmem>>
      %dma_start3A_736 = arith.constant 0 : i32
      %dma_start3A_737 = arith.constant 0 : i32
      %dma_start3A_738 = tpu.memref_slice %arg4[%dma_start3A_736, %dma_start3A_737] : memref<100000x128xf32, #tpu.memory_space<hbm>> -> memref<100000x128xf32, #tpu.memory_space<hbm>>
      tpu.enqueue_indirect_dma source(%dma_start3A_738 : memref<100000x128xf32, #tpu.memory_space<hbm>>) target(%arg9 : memref<50x128xf32, #tpu.memory_space<vmem>>) offsets(%dma_start3A_735 : memref<50xi32, #tpu.memory_space<vmem>>) semaphore(%arg18 : memref<!tpu.dma_semaphore, #tpu.memory_space<semaphore_mem>>)
      %add3A_739 = arith.constant 3 : i32
      %add3A_740 = arith.addi %mul3A_558, %add3A_739 : i32
      %dma_wait3A_741 = arith.constant 0 : i32
      %dma_wait3A_742 = tpu.memref_slice %arg6[%add3A_740, %dma_wait3A_741] : memref<256x50xi32, #tpu.memory_space<vmem>> -> memref<1x50xi32, #tpu.memory_space<vmem>>
      %dma_wait3A_743 = tpu.memref_squeeze %dma_wait3A_742 : memref<1x50xi32, #tpu.memory_space<vmem>> -> memref<50xi32, #tpu.memory_space<vmem>>
      %dma_wait3A_744 = arith.constant 0 : i32
      %dma_wait3A_745 = arith.constant 0 : i32
      %dma_wait3A_746 = tpu.memref_slice %arg4[%dma_wait3A_744, %dma_wait3A_745] : memref<100000x128xf32, #tpu.memory_space<hbm>> -> memref<100000x128xf32, #tpu.memory_space<hbm>>
      tpu.wait_indirect_dma semaphore(%arg19 : memref<!tpu.dma_semaphore, #tpu.memory_space<semaphore_mem>>) src(%dma_wait3A_746 : memref<100000x128xf32, #tpu.memory_space<hbm>>) dst(%arg10 : memref<50x128xf32, #tpu.memory_space<vmem>>)
      %parallel_loop3A_747 = arith.constant 0 : i32
      %parallel_loop3A_748 = arith.constant 50 : i32
      %parallel_loop3A_749 = arith.constant 1 : i32
      %parallel_loop3A_750:8 = scf.for %parallel_loop3A_1048 = %parallel_loop3A_747 to %parallel_loop3A_748 step %parallel_loop3A_749 iter_args(%parallel_loop3A_1049 = %broadcast_in_dim3A_64, %parallel_loop3A_1050 = %broadcast_in_dim3A_64, %parallel_loop3A_1051 = %broadcast_in_dim3A_64, %parallel_loop3A_1052 = %broadcast_in_dim3A_64, %parallel_loop3A_1053 = %broadcast_in_dim3A_64, %parallel_loop3A_1054 = %broadcast_in_dim3A_64, %parallel_loop3A_1055 = %broadcast_in_dim3A_64, %parallel_loop3A_1056 = %broadcast_in_dim3A_64) -> (vector<16xf32>, vector<16xf32>, vector<16xf32>, vector<16xf32>, vector<16xf32>, vector<16xf32>, vector<16xf32>, vector<16xf32>)  : i32 {
        %parallel_loop3A_1057 = arith.index_cast %parallel_loop3A_1048 : i32 to index
        %parallel_loop3A_1058 = arith.constant 0 : index
        %parallel_loop3A_1059 = tpu.vector_load %arg10[%parallel_loop3A_1057, %parallel_loop3A_1058] {strides = array<i32>} : memref<50x128xf32, #tpu.memory_space<vmem>>, vector<1x16xf32>,
        %parallel_loop3A_1060 = vector.shape_cast %parallel_loop3A_1059 : vector<1x16xf32> to vector<16xf32>
        %parallel_loop3A_1061 = arith.addf %parallel_loop3A_1049, %parallel_loop3A_1060 : vector<16xf32>
        %parallel_loop3A_1062 = arith.index_cast %parallel_loop3A_1048 : i32 to index
        %parallel_loop3A_1063 = arith.constant 16 : index
        %parallel_loop3A_1064 = tpu.vector_load %arg10[%parallel_loop3A_1062, %parallel_loop3A_1063] {strides = array<i32>} : memref<50x128xf32, #tpu.memory_space<vmem>>, vector<1x16xf32>,
        %parallel_loop3A_1065 = vector.shape_cast %parallel_loop3A_1064 : vector<1x16xf32> to vector<16xf32>
        %parallel_loop3A_1066 = arith.addf %parallel_loop3A_1050, %parallel_loop3A_1065 : vector<16xf32>
        %parallel_loop3A_1067 = arith.index_cast %parallel_loop3A_1048 : i32 to index
        %parallel_loop3A_1068 = arith.constant 32 : index
        %parallel_loop3A_1069 = tpu.vector_load %arg10[%parallel_loop3A_1067, %parallel_loop3A_1068] {strides = array<i32>} : memref<50x128xf32, #tpu.memory_space<vmem>>, vector<1x16xf32>,
        %parallel_loop3A_1070 = vector.shape_cast %parallel_loop3A_1069 : vector<1x16xf32> to vector<16xf32>
        %parallel_loop3A_1071 = arith.addf %parallel_loop3A_1051, %parallel_loop3A_1070 : vector<16xf32>
        %parallel_loop3A_1072 = arith.index_cast %parallel_loop3A_1048 : i32 to index
        %parallel_loop3A_1073 = arith.constant 48 : index
        %parallel_loop3A_1074 = tpu.vector_load %arg10[%parallel_loop3A_1072, %parallel_loop3A_1073] {strides = array<i32>} : memref<50x128xf32, #tpu.memory_space<vmem>>, vector<1x16xf32>,
        %parallel_loop3A_1075 = vector.shape_cast %parallel_loop3A_1074 : vector<1x16xf32> to vector<16xf32>
        %parallel_loop3A_1076 = arith.addf %parallel_loop3A_1052, %parallel_loop3A_1075 : vector<16xf32>
        %parallel_loop3A_1077 = arith.index_cast %parallel_loop3A_1048 : i32 to index
        %parallel_loop3A_1078 = arith.constant 64 : index
        %parallel_loop3A_1079 = tpu.vector_load %arg10[%parallel_loop3A_1077, %parallel_loop3A_1078] {strides = array<i32>} : memref<50x128xf32, #tpu.memory_space<vmem>>, vector<1x16xf32>,
        %parallel_loop3A_1080 = vector.shape_cast %parallel_loop3A_1079 : vector<1x16xf32> to vector<16xf32>
        %parallel_loop3A_1081 = arith.addf %parallel_loop3A_1053, %parallel_loop3A_1080 : vector<16xf32>
        %parallel_loop3A_1082 = arith.index_cast %parallel_loop3A_1048 : i32 to index
        %parallel_loop3A_1083 = arith.constant 80 : index
        %parallel_loop3A_1084 = tpu.vector_load %arg10[%parallel_loop3A_1082, %parallel_loop3A_1083] {strides = array<i32>} : memref<50x128xf32, #tpu.memory_space<vmem>>, vector<1x16xf32>,
        %parallel_loop3A_1085 = vector.shape_cast %parallel_loop3A_1084 : vector<1x16xf32> to vector<16xf32>
        %parallel_loop3A_1086 = arith.addf %parallel_loop3A_1054, %parallel_loop3A_1085 : vector<16xf32>
        %parallel_loop3A_1087 = arith.index_cast %parallel_loop3A_1048 : i32 to index
        %parallel_loop3A_1088 = arith.constant 96 : index
        %parallel_loop3A_1089 = tpu.vector_load %arg10[%parallel_loop3A_1087, %parallel_loop3A_1088] {strides = array<i32>} : memref<50x128xf32, #tpu.memory_space<vmem>>, vector<1x16xf32>,
        %parallel_loop3A_1090 = vector.shape_cast %parallel_loop3A_1089 : vector<1x16xf32> to vector<16xf32>
        %parallel_loop3A_1091 = arith.addf %parallel_loop3A_1055, %parallel_loop3A_1090 : vector<16xf32>
        %parallel_loop3A_1092 = arith.index_cast %parallel_loop3A_1048 : i32 to index
        %parallel_loop3A_1093 = arith.constant 112 : index
        %parallel_loop3A_1094 = tpu.vector_load %arg10[%parallel_loop3A_1092, %parallel_loop3A_1093] {strides = array<i32>} : memref<50x128xf32, #tpu.memory_space<vmem>>, vector<1x16xf32>,
        %parallel_loop3A_1095 = vector.shape_cast %parallel_loop3A_1094 : vector<1x16xf32> to vector<16xf32>
        %parallel_loop3A_1096 = arith.addf %parallel_loop3A_1056, %parallel_loop3A_1095 : vector<16xf32>
        scf.yield %parallel_loop3A_1061, %parallel_loop3A_1066, %parallel_loop3A_1071, %parallel_loop3A_1076, %parallel_loop3A_1081, %parallel_loop3A_1086, %parallel_loop3A_1091, %parallel_loop3A_1096 : vector<16xf32>, vector<16xf32>, vector<16xf32>, vector<16xf32>, vector<16xf32>, vector<16xf32>, vector<16xf32>, vector<16xf32>
      } {sc.loop_unroll_factor = 2 : i64, sc.parallel_access}
      %swap3A_751 = arith.index_cast %add3A_740 : i32 to index
      %swap3A_752 = arith.constant 0 : index
      %swap3A_753 = tpu.vector_load %arg15[%swap3A_751, %swap3A_752] {strides = array<i32>} : memref<256x128xf32, #tpu.memory_space<vmem>>, vector<1x16xf32>,
      %swap3A_754 = vector.shape_cast %swap3A_753 : vector<1x16xf32> to vector<16xf32>
      %swap3A_755 = vector.shape_cast %parallel_loop3A_750#0 : vector<16xf32> to vector<1x16xf32>
      tpu.vector_store %arg15[%swap3A_751, %swap3A_752], %swap3A_755 {strides = array<i32>} : memref<256x128xf32, #tpu.memory_space<vmem>>, vector<1x16xf32>,
      %swap3A_756 = arith.index_cast %add3A_740 : i32 to index
      %swap3A_757 = arith.constant 16 : index
      %swap3A_758 = tpu.vector_load %arg15[%swap3A_756, %swap3A_757] {strides = array<i32>} : memref<256x128xf32, #tpu.memory_space<vmem>>, vector<1x16xf32>,
      %swap3A_759 = vector.shape_cast %swap3A_758 : vector<1x16xf32> to vector<16xf32>
      %swap3A_760 = vector.shape_cast %parallel_loop3A_750#1 : vector<16xf32> to vector<1x16xf32>
      tpu.vector_store %arg15[%swap3A_756, %swap3A_757], %swap3A_760 {strides = array<i32>} : memref<256x128xf32, #tpu.memory_space<vmem>>, vector<1x16xf32>,
      %swap3A_761 = arith.index_cast %add3A_740 : i32 to index
      %swap3A_762 = arith.constant 32 : index
      %swap3A_763 = tpu.vector_load %arg15[%swap3A_761, %swap3A_762] {strides = array<i32>} : memref<256x128xf32, #tpu.memory_space<vmem>>, vector<1x16xf32>,
      %swap3A_764 = vector.shape_cast %swap3A_763 : vector<1x16xf32> to vector<16xf32>
      %swap3A_765 = vector.shape_cast %parallel_loop3A_750#2 : vector<16xf32> to vector<1x16xf32>
      tpu.vector_store %arg15[%swap3A_761, %swap3A_762], %swap3A_765 {strides = array<i32>} : memref<256x128xf32, #tpu.memory_space<vmem>>, vector<1x16xf32>,
      %swap3A_766 = arith.index_cast %add3A_740 : i32 to index
      %swap3A_767 = arith.constant 48 : index
      %swap3A_768 = tpu.vector_load %arg15[%swap3A_766, %swap3A_767] {strides = array<i32>} : memref<256x128xf32, #tpu.memory_space<vmem>>, vector<1x16xf32>,
      %swap3A_769 = vector.shape_cast %swap3A_768 : vector<1x16xf32> to vector<16xf32>
      %swap3A_770 = vector.shape_cast %parallel_loop3A_750#3 : vector<16xf32> to vector<1x16xf32>
      tpu.vector_store %arg15[%swap3A_766, %swap3A_767], %swap3A_770 {strides = array<i32>} : memref<256x128xf32, #tpu.memory_space<vmem>>, vector<1x16xf32>,
      %swap3A_771 = arith.index_cast %add3A_740 : i32 to index
      %swap3A_772 = arith.constant 64 : index
      %swap3A_773 = tpu.vector_load %arg15[%swap3A_771, %swap3A_772] {strides = array<i32>} : memref<256x128xf32, #tpu.memory_space<vmem>>, vector<1x16xf32>,
      %swap3A_774 = vector.shape_cast %swap3A_773 : vector<1x16xf32> to vector<16xf32>
      %swap3A_775 = vector.shape_cast %parallel_loop3A_750#4 : vector<16xf32> to vector<1x16xf32>
      tpu.vector_store %arg15[%swap3A_771, %swap3A_772], %swap3A_775 {strides = array<i32>} : memref<256x128xf32, #tpu.memory_space<vmem>>, vector<1x16xf32>,
      %swap3A_776 = arith.index_cast %add3A_740 : i32 to index
      %swap3A_777 = arith.constant 80 : index
      %swap3A_778 = tpu.vector_load %arg15[%swap3A_776, %swap3A_777] {strides = array<i32>} : memref<256x128xf32, #tpu.memory_space<vmem>>, vector<1x16xf32>,
      %swap3A_779 = vector.shape_cast %swap3A_778 : vector<1x16xf32> to vector<16xf32>
      %swap3A_780 = vector.shape_cast %parallel_loop3A_750#5 : vector<16xf32> to vector<1x16xf32>
      tpu.vector_store %arg15[%swap3A_776, %swap3A_777], %swap3A_780 {strides = array<i32>} : memref<256x128xf32, #tpu.memory_space<vmem>>, vector<1x16xf32>,
      %swap3A_781 = arith.index_cast %add3A_740 : i32 to index
      %swap3A_782 = arith.constant 96 : index
      %swap3A_783 = tpu.vector_load %arg15[%swap3A_781, %swap3A_782] {strides = array<i32>} : memref<256x128xf32, #tpu.memory_space<vmem>>, vector<1x16xf32>,
      %swap3A_784 = vector.shape_cast %swap3A_783 : vector<1x16xf32> to vector<16xf32>
      %swap3A_785 = vector.shape_cast %parallel_loop3A_750#6 : vector<16xf32> to vector<1x16xf32>
      tpu.vector_store %arg15[%swap3A_781, %swap3A_782], %swap3A_785 {strides = array<i32>} : memref<256x128xf32, #tpu.memory_space<vmem>>, vector<1x16xf32>,
      %swap3A_786 = arith.index_cast %add3A_740 : i32 to index
      %swap3A_787 = arith.constant 112 : index
      %swap3A_788 = tpu.vector_load %arg15[%swap3A_786, %swap3A_787] {strides = array<i32>} : memref<256x128xf32, #tpu.memory_space<vmem>>, vector<1x16xf32>,
      %swap3A_789 = vector.shape_cast %swap3A_788 : vector<1x16xf32> to vector<16xf32>
      %swap3A_790 = vector.shape_cast %parallel_loop3A_750#7 : vector<16xf32> to vector<1x16xf32>
      tpu.vector_store %arg15[%swap3A_786, %swap3A_787], %swap3A_790 {strides = array<i32>} : memref<256x128xf32, #tpu.memory_space<vmem>>, vector<1x16xf32>,
      %add3A_791 = arith.constant 8 : i32
      %add3A_792 = arith.addi %add3A_740, %add3A_791 : i32
      %dma_start3A_793 = arith.constant 0 : i32
      %dma_start3A_794 = tpu.memref_slice %arg6[%add3A_792, %dma_start3A_793] : memref<256x50xi32, #tpu.memory_space<vmem>> -> memref<1x50xi32, #tpu.memory_space<vmem>>
      %dma_start3A_795 = tpu.memref_squeeze %dma_start3A_794 : memref<1x50xi32, #tpu.memory_space<vmem>> -> memref<50xi32, #tpu.memory_space<vmem>>
      %dma_start3A_796 = arith.constant 0 : i32
      %dma_start3A_797 = arith.constant 0 : i32
      %dma_start3A_798 = tpu.memref_slice %arg4[%dma_start3A_796, %dma_start3A_797] : memref<100000x128xf32, #tpu.memory_space<hbm>> -> memref<100000x128xf32, #tpu.memory_space<hbm>>
      tpu.enqueue_indirect_dma source(%dma_start3A_798 : memref<100000x128xf32, #tpu.memory_space<hbm>>) target(%arg10 : memref<50x128xf32, #tpu.memory_space<vmem>>) offsets(%dma_start3A_795 : memref<50xi32, #tpu.memory_space<vmem>>) semaphore(%arg19 : memref<!tpu.dma_semaphore, #tpu.memory_space<semaphore_mem>>)
      %add3A_799 = arith.constant 4 : i32
      %add3A_800 = arith.addi %mul3A_558, %add3A_799 : i32
      %dma_wait3A_801 = arith.constant 0 : i32
      %dma_wait3A_802 = tpu.memref_slice %arg6[%add3A_800, %dma_wait3A_801] : memref<256x50xi32, #tpu.memory_space<vmem>> -> memref<1x50xi32, #tpu.memory_space<vmem>>
      %dma_wait3A_803 = tpu.memref_squeeze %dma_wait3A_802 : memref<1x50xi32, #tpu.memory_space<vmem>> -> memref<50xi32, #tpu.memory_space<vmem>>
      %dma_wait3A_804 = arith.constant 0 : i32
      %dma_wait3A_805 = arith.constant 0 : i32
      %dma_wait3A_806 = tpu.memref_slice %arg4[%dma_wait3A_804, %dma_wait3A_805] : memref<100000x128xf32, #tpu.memory_space<hbm>> -> memref<100000x128xf32, #tpu.memory_space<hbm>>
      tpu.wait_indirect_dma semaphore(%arg20 : memref<!tpu.dma_semaphore, #tpu.memory_space<semaphore_mem>>) src(%dma_wait3A_806 : memref<100000x128xf32, #tpu.memory_space<hbm>>) dst(%arg11 : memref<50x128xf32, #tpu.memory_space<vmem>>)
      %parallel_loop3A_807 = arith.constant 0 : i32
      %parallel_loop3A_808 = arith.constant 50 : i32
      %parallel_loop3A_809 = arith.constant 1 : i32
      %parallel_loop3A_810:8 = scf.for %parallel_loop3A_1048 = %parallel_loop3A_807 to %parallel_loop3A_808 step %parallel_loop3A_809 iter_args(%parallel_loop3A_1049 = %broadcast_in_dim3A_64, %parallel_loop3A_1050 = %broadcast_in_dim3A_64, %parallel_loop3A_1051 = %broadcast_in_dim3A_64, %parallel_loop3A_1052 = %broadcast_in_dim3A_64, %parallel_loop3A_1053 = %broadcast_in_dim3A_64, %parallel_loop3A_1054 = %broadcast_in_dim3A_64, %parallel_loop3A_1055 = %broadcast_in_dim3A_64, %parallel_loop3A_1056 = %broadcast_in_dim3A_64) -> (vector<16xf32>, vector<16xf32>, vector<16xf32>, vector<16xf32>, vector<16xf32>, vector<16xf32>, vector<16xf32>, vector<16xf32>)  : i32 {
        %parallel_loop3A_1057 = arith.index_cast %parallel_loop3A_1048 : i32 to index
        %parallel_loop3A_1058 = arith.constant 0 : index
        %parallel_loop3A_1059 = tpu.vector_load %arg11[%parallel_loop3A_1057, %parallel_loop3A_1058] {strides = array<i32>} : memref<50x128xf32, #tpu.memory_space<vmem>>, vector<1x16xf32>,
        %parallel_loop3A_1060 = vector.shape_cast %parallel_loop3A_1059 : vector<1x16xf32> to vector<16xf32>
        %parallel_loop3A_1061 = arith.addf %parallel_loop3A_1049, %parallel_loop3A_1060 : vector<16xf32>
        %parallel_loop3A_1062 = arith.index_cast %parallel_loop3A_1048 : i32 to index
        %parallel_loop3A_1063 = arith.constant 16 : index
        %parallel_loop3A_1064 = tpu.vector_load %arg11[%parallel_loop3A_1062, %parallel_loop3A_1063] {strides = array<i32>} : memref<50x128xf32, #tpu.memory_space<vmem>>, vector<1x16xf32>,
        %parallel_loop3A_1065 = vector.shape_cast %parallel_loop3A_1064 : vector<1x16xf32> to vector<16xf32>
        %parallel_loop3A_1066 = arith.addf %parallel_loop3A_1050, %parallel_loop3A_1065 : vector<16xf32>
        %parallel_loop3A_1067 = arith.index_cast %parallel_loop3A_1048 : i32 to index
        %parallel_loop3A_1068 = arith.constant 32 : index
        %parallel_loop3A_1069 = tpu.vector_load %arg11[%parallel_loop3A_1067, %parallel_loop3A_1068] {strides = array<i32>} : memref<50x128xf32, #tpu.memory_space<vmem>>, vector<1x16xf32>,
        %parallel_loop3A_1070 = vector.shape_cast %parallel_loop3A_1069 : vector<1x16xf32> to vector<16xf32>
        %parallel_loop3A_1071 = arith.addf %parallel_loop3A_1051, %parallel_loop3A_1070 : vector<16xf32>
        %parallel_loop3A_1072 = arith.index_cast %parallel_loop3A_1048 : i32 to index
        %parallel_loop3A_1073 = arith.constant 48 : index
        %parallel_loop3A_1074 = tpu.vector_load %arg11[%parallel_loop3A_1072, %parallel_loop3A_1073] {strides = array<i32>} : memref<50x128xf32, #tpu.memory_space<vmem>>, vector<1x16xf32>,
        %parallel_loop3A_1075 = vector.shape_cast %parallel_loop3A_1074 : vector<1x16xf32> to vector<16xf32>
        %parallel_loop3A_1076 = arith.addf %parallel_loop3A_1052, %parallel_loop3A_1075 : vector<16xf32>
        %parallel_loop3A_1077 = arith.index_cast %parallel_loop3A_1048 : i32 to index
        %parallel_loop3A_1078 = arith.constant 64 : index
        %parallel_loop3A_1079 = tpu.vector_load %arg11[%parallel_loop3A_1077, %parallel_loop3A_1078] {strides = array<i32>} : memref<50x128xf32, #tpu.memory_space<vmem>>, vector<1x16xf32>,
        %parallel_loop3A_1080 = vector.shape_cast %parallel_loop3A_1079 : vector<1x16xf32> to vector<16xf32>
        %parallel_loop3A_1081 = arith.addf %parallel_loop3A_1053, %parallel_loop3A_1080 : vector<16xf32>
        %parallel_loop3A_1082 = arith.index_cast %parallel_loop3A_1048 : i32 to index
        %parallel_loop3A_1083 = arith.constant 80 : index
        %parallel_loop3A_1084 = tpu.vector_load %arg11[%parallel_loop3A_1082, %parallel_loop3A_1083] {strides = array<i32>} : memref<50x128xf32, #tpu.memory_space<vmem>>, vector<1x16xf32>,
        %parallel_loop3A_1085 = vector.shape_cast %parallel_loop3A_1084 : vector<1x16xf32> to vector<16xf32>
        %parallel_loop3A_1086 = arith.addf %parallel_loop3A_1054, %parallel_loop3A_1085 : vector<16xf32>
        %parallel_loop3A_1087 = arith.index_cast %parallel_loop3A_1048 : i32 to index
        %parallel_loop3A_1088 = arith.constant 96 : index
        %parallel_loop3A_1089 = tpu.vector_load %arg11[%parallel_loop3A_1087, %parallel_loop3A_1088] {strides = array<i32>} : memref<50x128xf32, #tpu.memory_space<vmem>>, vector<1x16xf32>,
        %parallel_loop3A_1090 = vector.shape_cast %parallel_loop3A_1089 : vector<1x16xf32> to vector<16xf32>
        %parallel_loop3A_1091 = arith.addf %parallel_loop3A_1055, %parallel_loop3A_1090 : vector<16xf32>
        %parallel_loop3A_1092 = arith.index_cast %parallel_loop3A_1048 : i32 to index
        %parallel_loop3A_1093 = arith.constant 112 : index
        %parallel_loop3A_1094 = tpu.vector_load %arg11[%parallel_loop3A_1092, %parallel_loop3A_1093] {strides = array<i32>} : memref<50x128xf32, #tpu.memory_space<vmem>>, vector<1x16xf32>,
        %parallel_loop3A_1095 = vector.shape_cast %parallel_loop3A_1094 : vector<1x16xf32> to vector<16xf32>
        %parallel_loop3A_1096 = arith.addf %parallel_loop3A_1056, %parallel_loop3A_1095 : vector<16xf32>
        scf.yield %parallel_loop3A_1061, %parallel_loop3A_1066, %parallel_loop3A_1071, %parallel_loop3A_1076, %parallel_loop3A_1081, %parallel_loop3A_1086, %parallel_loop3A_1091, %parallel_loop3A_1096 : vector<16xf32>, vector<16xf32>, vector<16xf32>, vector<16xf32>, vector<16xf32>, vector<16xf32>, vector<16xf32>, vector<16xf32>
      } {sc.loop_unroll_factor = 2 : i64, sc.parallel_access}
      %swap3A_811 = arith.index_cast %add3A_800 : i32 to index
      %swap3A_812 = arith.constant 0 : index
      %swap3A_813 = tpu.vector_load %arg15[%swap3A_811, %swap3A_812] {strides = array<i32>} : memref<256x128xf32, #tpu.memory_space<vmem>>, vector<1x16xf32>,
      %swap3A_814 = vector.shape_cast %swap3A_813 : vector<1x16xf32> to vector<16xf32>
      %swap3A_815 = vector.shape_cast %parallel_loop3A_810#0 : vector<16xf32> to vector<1x16xf32>
      tpu.vector_store %arg15[%swap3A_811, %swap3A_812], %swap3A_815 {strides = array<i32>} : memref<256x128xf32, #tpu.memory_space<vmem>>, vector<1x16xf32>,
      %swap3A_816 = arith.index_cast %add3A_800 : i32 to index
      %swap3A_817 = arith.constant 16 : index
      %swap3A_818 = tpu.vector_load %arg15[%swap3A_816, %swap3A_817] {strides = array<i32>} : memref<256x128xf32, #tpu.memory_space<vmem>>, vector<1x16xf32>,
      %swap3A_819 = vector.shape_cast %swap3A_818 : vector<1x16xf32> to vector<16xf32>
      %swap3A_820 = vector.shape_cast %parallel_loop3A_810#1 : vector<16xf32> to vector<1x16xf32>
      tpu.vector_store %arg15[%swap3A_816, %swap3A_817], %swap3A_820 {strides = array<i32>} : memref<256x128xf32, #tpu.memory_space<vmem>>, vector<1x16xf32>,
      %swap3A_821 = arith.index_cast %add3A_800 : i32 to index
      %swap3A_822 = arith.constant 32 : index
      %swap3A_823 = tpu.vector_load %arg15[%swap3A_821, %swap3A_822] {strides = array<i32>} : memref<256x128xf32, #tpu.memory_space<vmem>>, vector<1x16xf32>,
      %swap3A_824 = vector.shape_cast %swap3A_823 : vector<1x16xf32> to vector<16xf32>
      %swap3A_825 = vector.shape_cast %parallel_loop3A_810#2 : vector<16xf32> to vector<1x16xf32>
      tpu.vector_store %arg15[%swap3A_821, %swap3A_822], %swap3A_825 {strides = array<i32>} : memref<256x128xf32, #tpu.memory_space<vmem>>, vector<1x16xf32>,
      %swap3A_826 = arith.index_cast %add3A_800 : i32 to index
      %swap3A_827 = arith.constant 48 : index
      %swap3A_828 = tpu.vector_load %arg15[%swap3A_826, %swap3A_827] {strides = array<i32>} : memref<256x128xf32, #tpu.memory_space<vmem>>, vector<1x16xf32>,
      %swap3A_829 = vector.shape_cast %swap3A_828 : vector<1x16xf32> to vector<16xf32>
      %swap3A_830 = vector.shape_cast %parallel_loop3A_810#3 : vector<16xf32> to vector<1x16xf32>
      tpu.vector_store %arg15[%swap3A_826, %swap3A_827], %swap3A_830 {strides = array<i32>} : memref<256x128xf32, #tpu.memory_space<vmem>>, vector<1x16xf32>,
      %swap3A_831 = arith.index_cast %add3A_800 : i32 to index
      %swap3A_832 = arith.constant 64 : index
      %swap3A_833 = tpu.vector_load %arg15[%swap3A_831, %swap3A_832] {strides = array<i32>} : memref<256x128xf32, #tpu.memory_space<vmem>>, vector<1x16xf32>,
      %swap3A_834 = vector.shape_cast %swap3A_833 : vector<1x16xf32> to vector<16xf32>
      %swap3A_835 = vector.shape_cast %parallel_loop3A_810#4 : vector<16xf32> to vector<1x16xf32>
      tpu.vector_store %arg15[%swap3A_831, %swap3A_832], %swap3A_835 {strides = array<i32>} : memref<256x128xf32, #tpu.memory_space<vmem>>, vector<1x16xf32>,
      %swap3A_836 = arith.index_cast %add3A_800 : i32 to index
      %swap3A_837 = arith.constant 80 : index
      %swap3A_838 = tpu.vector_load %arg15[%swap3A_836, %swap3A_837] {strides = array<i32>} : memref<256x128xf32, #tpu.memory_space<vmem>>, vector<1x16xf32>,
      %swap3A_839 = vector.shape_cast %swap3A_838 : vector<1x16xf32> to vector<16xf32>
      %swap3A_840 = vector.shape_cast %parallel_loop3A_810#5 : vector<16xf32> to vector<1x16xf32>
      tpu.vector_store %arg15[%swap3A_836, %swap3A_837], %swap3A_840 {strides = array<i32>} : memref<256x128xf32, #tpu.memory_space<vmem>>, vector<1x16xf32>,
      %swap3A_841 = arith.index_cast %add3A_800 : i32 to index
      %swap3A_842 = arith.constant 96 : index
      %swap3A_843 = tpu.vector_load %arg15[%swap3A_841, %swap3A_842] {strides = array<i32>} : memref<256x128xf32, #tpu.memory_space<vmem>>, vector<1x16xf32>,
      %swap3A_844 = vector.shape_cast %swap3A_843 : vector<1x16xf32> to vector<16xf32>
      %swap3A_845 = vector.shape_cast %parallel_loop3A_810#6 : vector<16xf32> to vector<1x16xf32>
      tpu.vector_store %arg15[%swap3A_841, %swap3A_842], %swap3A_845 {strides = array<i32>} : memref<256x128xf32, #tpu.memory_space<vmem>>, vector<1x16xf32>,
      %swap3A_846 = arith.index_cast %add3A_800 : i32 to index
      %swap3A_847 = arith.constant 112 : index
      %swap3A_848 = tpu.vector_load %arg15[%swap3A_846, %swap3A_847] {strides = array<i32>} : memref<256x128xf32, #tpu.memory_space<vmem>>, vector<1x16xf32>,
      %swap3A_849 = vector.shape_cast %swap3A_848 : vector<1x16xf32> to vector<16xf32>
      %swap3A_850 = vector.shape_cast %parallel_loop3A_810#7 : vector<16xf32> to vector<1x16xf32>
      tpu.vector_store %arg15[%swap3A_846, %swap3A_847], %swap3A_850 {strides = array<i32>} : memref<256x128xf32, #tpu.memory_space<vmem>>, vector<1x16xf32>,
      %add3A_851 = arith.constant 8 : i32
      %add3A_852 = arith.addi %add3A_800, %add3A_851 : i32
      %dma_start3A_853 = arith.constant 0 : i32
      %dma_start3A_854 = tpu.memref_slice %arg6[%add3A_852, %dma_start3A_853] : memref<256x50xi32, #tpu.memory_space<vmem>> -> memref<1x50xi32, #tpu.memory_space<vmem>>
      %dma_start3A_855 = tpu.memref_squeeze %dma_start3A_854 : memref<1x50xi32, #tpu.memory_space<vmem>> -> memref<50xi32, #tpu.memory_space<vmem>>
      %dma_start3A_856 = arith.constant 0 : i32
      %dma_start3A_857 = arith.constant 0 : i32
      %dma_start3A_858 = tpu.memref_slice %arg4[%dma_start3A_856, %dma_start3A_857] : memref<100000x128xf32, #tpu.memory_space<hbm>> -> memref<100000x128xf32, #tpu.memory_space<hbm>>
      tpu.enqueue_indirect_dma source(%dma_start3A_858 : memref<100000x128xf32, #tpu.memory_space<hbm>>) target(%arg11 : memref<50x128xf32, #tpu.memory_space<vmem>>) offsets(%dma_start3A_855 : memref<50xi32, #tpu.memory_space<vmem>>) semaphore(%arg20 : memref<!tpu.dma_semaphore, #tpu.memory_space<semaphore_mem>>)
      %add3A_859 = arith.constant 5 : i32
      %add3A_860 = arith.addi %mul3A_558, %add3A_859 : i32
      %dma_wait3A_861 = arith.constant 0 : i32
      %dma_wait3A_862 = tpu.memref_slice %arg6[%add3A_860, %dma_wait3A_861] : memref<256x50xi32, #tpu.memory_space<vmem>> -> memref<1x50xi32, #tpu.memory_space<vmem>>
      %dma_wait3A_863 = tpu.memref_squeeze %dma_wait3A_862 : memref<1x50xi32, #tpu.memory_space<vmem>> -> memref<50xi32, #tpu.memory_space<vmem>>
      %dma_wait3A_864 = arith.constant 0 : i32
      %dma_wait3A_865 = arith.constant 0 : i32
      %dma_wait3A_866 = tpu.memref_slice %arg4[%dma_wait3A_864, %dma_wait3A_865] : memref<100000x128xf32, #tpu.memory_space<hbm>> -> memref<100000x128xf32, #tpu.memory_space<hbm>>
      tpu.wait_indirect_dma semaphore(%arg21 : memref<!tpu.dma_semaphore, #tpu.memory_space<semaphore_mem>>) src(%dma_wait3A_866 : memref<100000x128xf32, #tpu.memory_space<hbm>>) dst(%arg12 : memref<50x128xf32, #tpu.memory_space<vmem>>)
      %parallel_loop3A_867 = arith.constant 0 : i32
      %parallel_loop3A_868 = arith.constant 50 : i32
      %parallel_loop3A_869 = arith.constant 1 : i32
      %parallel_loop3A_870:8 = scf.for %parallel_loop3A_1048 = %parallel_loop3A_867 to %parallel_loop3A_868 step %parallel_loop3A_869 iter_args(%parallel_loop3A_1049 = %broadcast_in_dim3A_64, %parallel_loop3A_1050 = %broadcast_in_dim3A_64, %parallel_loop3A_1051 = %broadcast_in_dim3A_64, %parallel_loop3A_1052 = %broadcast_in_dim3A_64, %parallel_loop3A_1053 = %broadcast_in_dim3A_64, %parallel_loop3A_1054 = %broadcast_in_dim3A_64, %parallel_loop3A_1055 = %broadcast_in_dim3A_64, %parallel_loop3A_1056 = %broadcast_in_dim3A_64) -> (vector<16xf32>, vector<16xf32>, vector<16xf32>, vector<16xf32>, vector<16xf32>, vector<16xf32>, vector<16xf32>, vector<16xf32>)  : i32 {
        %parallel_loop3A_1057 = arith.index_cast %parallel_loop3A_1048 : i32 to index
        %parallel_loop3A_1058 = arith.constant 0 : index
        %parallel_loop3A_1059 = tpu.vector_load %arg12[%parallel_loop3A_1057, %parallel_loop3A_1058] {strides = array<i32>} : memref<50x128xf32, #tpu.memory_space<vmem>>, vector<1x16xf32>,
        %parallel_loop3A_1060 = vector.shape_cast %parallel_loop3A_1059 : vector<1x16xf32> to vector<16xf32>
        %parallel_loop3A_1061 = arith.addf %parallel_loop3A_1049, %parallel_loop3A_1060 : vector<16xf32>
        %parallel_loop3A_1062 = arith.index_cast %parallel_loop3A_1048 : i32 to index
        %parallel_loop3A_1063 = arith.constant 16 : index
        %parallel_loop3A_1064 = tpu.vector_load %arg12[%parallel_loop3A_1062, %parallel_loop3A_1063] {strides = array<i32>} : memref<50x128xf32, #tpu.memory_space<vmem>>, vector<1x16xf32>,
        %parallel_loop3A_1065 = vector.shape_cast %parallel_loop3A_1064 : vector<1x16xf32> to vector<16xf32>
        %parallel_loop3A_1066 = arith.addf %parallel_loop3A_1050, %parallel_loop3A_1065 : vector<16xf32>
        %parallel_loop3A_1067 = arith.index_cast %parallel_loop3A_1048 : i32 to index
        %parallel_loop3A_1068 = arith.constant 32 : index
        %parallel_loop3A_1069 = tpu.vector_load %arg12[%parallel_loop3A_1067, %parallel_loop3A_1068] {strides = array<i32>} : memref<50x128xf32, #tpu.memory_space<vmem>>, vector<1x16xf32>,
        %parallel_loop3A_1070 = vector.shape_cast %parallel_loop3A_1069 : vector<1x16xf32> to vector<16xf32>
        %parallel_loop3A_1071 = arith.addf %parallel_loop3A_1051, %parallel_loop3A_1070 : vector<16xf32>
        %parallel_loop3A_1072 = arith.index_cast %parallel_loop3A_1048 : i32 to index
        %parallel_loop3A_1073 = arith.constant 48 : index
        %parallel_loop3A_1074 = tpu.vector_load %arg12[%parallel_loop3A_1072, %parallel_loop3A_1073] {strides = array<i32>} : memref<50x128xf32, #tpu.memory_space<vmem>>, vector<1x16xf32>,
        %parallel_loop3A_1075 = vector.shape_cast %parallel_loop3A_1074 : vector<1x16xf32> to vector<16xf32>
        %parallel_loop3A_1076 = arith.addf %parallel_loop3A_1052, %parallel_loop3A_1075 : vector<16xf32>
        %parallel_loop3A_1077 = arith.index_cast %parallel_loop3A_1048 : i32 to index
        %parallel_loop3A_1078 = arith.constant 64 : index
        %parallel_loop3A_1079 = tpu.vector_load %arg12[%parallel_loop3A_1077, %parallel_loop3A_1078] {strides = array<i32>} : memref<50x128xf32, #tpu.memory_space<vmem>>, vector<1x16xf32>,
        %parallel_loop3A_1080 = vector.shape_cast %parallel_loop3A_1079 : vector<1x16xf32> to vector<16xf32>
        %parallel_loop3A_1081 = arith.addf %parallel_loop3A_1053, %parallel_loop3A_1080 : vector<16xf32>
        %parallel_loop3A_1082 = arith.index_cast %parallel_loop3A_1048 : i32 to index
        %parallel_loop3A_1083 = arith.constant 80 : index
        %parallel_loop3A_1084 = tpu.vector_load %arg12[%parallel_loop3A_1082, %parallel_loop3A_1083] {strides = array<i32>} : memref<50x128xf32, #tpu.memory_space<vmem>>, vector<1x16xf32>,
        %parallel_loop3A_1085 = vector.shape_cast %parallel_loop3A_1084 : vector<1x16xf32> to vector<16xf32>
        %parallel_loop3A_1086 = arith.addf %parallel_loop3A_1054, %parallel_loop3A_1085 : vector<16xf32>
        %parallel_loop3A_1087 = arith.index_cast %parallel_loop3A_1048 : i32 to index
        %parallel_loop3A_1088 = arith.constant 96 : index
        %parallel_loop3A_1089 = tpu.vector_load %arg12[%parallel_loop3A_1087, %parallel_loop3A_1088] {strides = array<i32>} : memref<50x128xf32, #tpu.memory_space<vmem>>, vector<1x16xf32>,
        %parallel_loop3A_1090 = vector.shape_cast %parallel_loop3A_1089 : vector<1x16xf32> to vector<16xf32>
        %parallel_loop3A_1091 = arith.addf %parallel_loop3A_1055, %parallel_loop3A_1090 : vector<16xf32>
        %parallel_loop3A_1092 = arith.index_cast %parallel_loop3A_1048 : i32 to index
        %parallel_loop3A_1093 = arith.constant 112 : index
        %parallel_loop3A_1094 = tpu.vector_load %arg12[%parallel_loop3A_1092, %parallel_loop3A_1093] {strides = array<i32>} : memref<50x128xf32, #tpu.memory_space<vmem>>, vector<1x16xf32>,
        %parallel_loop3A_1095 = vector.shape_cast %parallel_loop3A_1094 : vector<1x16xf32> to vector<16xf32>
        %parallel_loop3A_1096 = arith.addf %parallel_loop3A_1056, %parallel_loop3A_1095 : vector<16xf32>
        scf.yield %parallel_loop3A_1061, %parallel_loop3A_1066, %parallel_loop3A_1071, %parallel_loop3A_1076, %parallel_loop3A_1081, %parallel_loop3A_1086, %parallel_loop3A_1091, %parallel_loop3A_1096 : vector<16xf32>, vector<16xf32>, vector<16xf32>, vector<16xf32>, vector<16xf32>, vector<16xf32>, vector<16xf32>, vector<16xf32>
      } {sc.loop_unroll_factor = 2 : i64, sc.parallel_access}
      %swap3A_871 = arith.index_cast %add3A_860 : i32 to index
      %swap3A_872 = arith.constant 0 : index
      %swap3A_873 = tpu.vector_load %arg15[%swap3A_871, %swap3A_872] {strides = array<i32>} : memref<256x128xf32, #tpu.memory_space<vmem>>, vector<1x16xf32>,
      %swap3A_874 = vector.shape_cast %swap3A_873 : vector<1x16xf32> to vector<16xf32>
      %swap3A_875 = vector.shape_cast %parallel_loop3A_870#0 : vector<16xf32> to vector<1x16xf32>
      tpu.vector_store %arg15[%swap3A_871, %swap3A_872], %swap3A_875 {strides = array<i32>} : memref<256x128xf32, #tpu.memory_space<vmem>>, vector<1x16xf32>,
      %swap3A_876 = arith.index_cast %add3A_860 : i32 to index
      %swap3A_877 = arith.constant 16 : index
      %swap3A_878 = tpu.vector_load %arg15[%swap3A_876, %swap3A_877] {strides = array<i32>} : memref<256x128xf32, #tpu.memory_space<vmem>>, vector<1x16xf32>,
      %swap3A_879 = vector.shape_cast %swap3A_878 : vector<1x16xf32> to vector<16xf32>
      %swap3A_880 = vector.shape_cast %parallel_loop3A_870#1 : vector<16xf32> to vector<1x16xf32>
      tpu.vector_store %arg15[%swap3A_876, %swap3A_877], %swap3A_880 {strides = array<i32>} : memref<256x128xf32, #tpu.memory_space<vmem>>, vector<1x16xf32>,
      %swap3A_881 = arith.index_cast %add3A_860 : i32 to index
      %swap3A_882 = arith.constant 32 : index
      %swap3A_883 = tpu.vector_load %arg15[%swap3A_881, %swap3A_882] {strides = array<i32>} : memref<256x128xf32, #tpu.memory_space<vmem>>, vector<1x16xf32>,
      %swap3A_884 = vector.shape_cast %swap3A_883 : vector<1x16xf32> to vector<16xf32>
      %swap3A_885 = vector.shape_cast %parallel_loop3A_870#2 : vector<16xf32> to vector<1x16xf32>
      tpu.vector_store %arg15[%swap3A_881, %swap3A_882], %swap3A_885 {strides = array<i32>} : memref<256x128xf32, #tpu.memory_space<vmem>>, vector<1x16xf32>,
      %swap3A_886 = arith.index_cast %add3A_860 : i32 to index
      %swap3A_887 = arith.constant 48 : index
      %swap3A_888 = tpu.vector_load %arg15[%swap3A_886, %swap3A_887] {strides = array<i32>} : memref<256x128xf32, #tpu.memory_space<vmem>>, vector<1x16xf32>,
      %swap3A_889 = vector.shape_cast %swap3A_888 : vector<1x16xf32> to vector<16xf32>
      %swap3A_890 = vector.shape_cast %parallel_loop3A_870#3 : vector<16xf32> to vector<1x16xf32>
      tpu.vector_store %arg15[%swap3A_886, %swap3A_887], %swap3A_890 {strides = array<i32>} : memref<256x128xf32, #tpu.memory_space<vmem>>, vector<1x16xf32>,
      %swap3A_891 = arith.index_cast %add3A_860 : i32 to index
      %swap3A_892 = arith.constant 64 : index
      %swap3A_893 = tpu.vector_load %arg15[%swap3A_891, %swap3A_892] {strides = array<i32>} : memref<256x128xf32, #tpu.memory_space<vmem>>, vector<1x16xf32>,
      %swap3A_894 = vector.shape_cast %swap3A_893 : vector<1x16xf32> to vector<16xf32>
      %swap3A_895 = vector.shape_cast %parallel_loop3A_870#4 : vector<16xf32> to vector<1x16xf32>
      tpu.vector_store %arg15[%swap3A_891, %swap3A_892], %swap3A_895 {strides = array<i32>} : memref<256x128xf32, #tpu.memory_space<vmem>>, vector<1x16xf32>,
      %swap3A_896 = arith.index_cast %add3A_860 : i32 to index
      %swap3A_897 = arith.constant 80 : index
      %swap3A_898 = tpu.vector_load %arg15[%swap3A_896, %swap3A_897] {strides = array<i32>} : memref<256x128xf32, #tpu.memory_space<vmem>>, vector<1x16xf32>,
      %swap3A_899 = vector.shape_cast %swap3A_898 : vector<1x16xf32> to vector<16xf32>
      %swap3A_900 = vector.shape_cast %parallel_loop3A_870#5 : vector<16xf32> to vector<1x16xf32>
      tpu.vector_store %arg15[%swap3A_896, %swap3A_897], %swap3A_900 {strides = array<i32>} : memref<256x128xf32, #tpu.memory_space<vmem>>, vector<1x16xf32>,
      %swap3A_901 = arith.index_cast %add3A_860 : i32 to index
      %swap3A_902 = arith.constant 96 : index
      %swap3A_903 = tpu.vector_load %arg15[%swap3A_901, %swap3A_902] {strides = array<i32>} : memref<256x128xf32, #tpu.memory_space<vmem>>, vector<1x16xf32>,
      %swap3A_904 = vector.shape_cast %swap3A_903 : vector<1x16xf32> to vector<16xf32>
      %swap3A_905 = vector.shape_cast %parallel_loop3A_870#6 : vector<16xf32> to vector<1x16xf32>
      tpu.vector_store %arg15[%swap3A_901, %swap3A_902], %swap3A_905 {strides = array<i32>} : memref<256x128xf32, #tpu.memory_space<vmem>>, vector<1x16xf32>,
      %swap3A_906 = arith.index_cast %add3A_860 : i32 to index
      %swap3A_907 = arith.constant 112 : index
      %swap3A_908 = tpu.vector_load %arg15[%swap3A_906, %swap3A_907] {strides = array<i32>} : memref<256x128xf32, #tpu.memory_space<vmem>>, vector<1x16xf32>,
      %swap3A_909 = vector.shape_cast %swap3A_908 : vector<1x16xf32> to vector<16xf32>
      %swap3A_910 = vector.shape_cast %parallel_loop3A_870#7 : vector<16xf32> to vector<1x16xf32>
      tpu.vector_store %arg15[%swap3A_906, %swap3A_907], %swap3A_910 {strides = array<i32>} : memref<256x128xf32, #tpu.memory_space<vmem>>, vector<1x16xf32>,
      %add3A_911 = arith.constant 8 : i32
      %add3A_912 = arith.addi %add3A_860, %add3A_911 : i32
      %dma_start3A_913 = arith.constant 0 : i32
      %dma_start3A_914 = tpu.memref_slice %arg6[%add3A_912, %dma_start3A_913] : memref<256x50xi32, #tpu.memory_space<vmem>> -> memref<1x50xi32, #tpu.memory_space<vmem>>
      %dma_start3A_915 = tpu.memref_squeeze %dma_start3A_914 : memref<1x50xi32, #tpu.memory_space<vmem>> -> memref<50xi32, #tpu.memory_space<vmem>>
      %dma_start3A_916 = arith.constant 0 : i32
      %dma_start3A_917 = arith.constant 0 : i32
      %dma_start3A_918 = tpu.memref_slice %arg4[%dma_start3A_916, %dma_start3A_917] : memref<100000x128xf32, #tpu.memory_space<hbm>> -> memref<100000x128xf32, #tpu.memory_space<hbm>>
      tpu.enqueue_indirect_dma source(%dma_start3A_918 : memref<100000x128xf32, #tpu.memory_space<hbm>>) target(%arg12 : memref<50x128xf32, #tpu.memory_space<vmem>>) offsets(%dma_start3A_915 : memref<50xi32, #tpu.memory_space<vmem>>) semaphore(%arg21 : memref<!tpu.dma_semaphore, #tpu.memory_space<semaphore_mem>>)
      %add3A_919 = arith.constant 6 : i32
      %add3A_920 = arith.addi %mul3A_558, %add3A_919 : i32
      %dma_wait3A_921 = arith.constant 0 : i32
      %dma_wait3A_922 = tpu.memref_slice %arg6[%add3A_920, %dma_wait3A_921] : memref<256x50xi32, #tpu.memory_space<vmem>> -> memref<1x50xi32, #tpu.memory_space<vmem>>
      %dma_wait3A_923 = tpu.memref_squeeze %dma_wait3A_922 : memref<1x50xi32, #tpu.memory_space<vmem>> -> memref<50xi32, #tpu.memory_space<vmem>>
      %dma_wait3A_924 = arith.constant 0 : i32
      %dma_wait3A_925 = arith.constant 0 : i32
      %dma_wait3A_926 = tpu.memref_slice %arg4[%dma_wait3A_924, %dma_wait3A_925] : memref<100000x128xf32, #tpu.memory_space<hbm>> -> memref<100000x128xf32, #tpu.memory_space<hbm>>
      tpu.wait_indirect_dma semaphore(%arg22 : memref<!tpu.dma_semaphore, #tpu.memory_space<semaphore_mem>>) src(%dma_wait3A_926 : memref<100000x128xf32, #tpu.memory_space<hbm>>) dst(%arg13 : memref<50x128xf32, #tpu.memory_space<vmem>>)
      %parallel_loop3A_927 = arith.constant 0 : i32
      %parallel_loop3A_928 = arith.constant 50 : i32
      %parallel_loop3A_929 = arith.constant 1 : i32
      %parallel_loop3A_930:8 = scf.for %parallel_loop3A_1048 = %parallel_loop3A_927 to %parallel_loop3A_928 step %parallel_loop3A_929 iter_args(%parallel_loop3A_1049 = %broadcast_in_dim3A_64, %parallel_loop3A_1050 = %broadcast_in_dim3A_64, %parallel_loop3A_1051 = %broadcast_in_dim3A_64, %parallel_loop3A_1052 = %broadcast_in_dim3A_64, %parallel_loop3A_1053 = %broadcast_in_dim3A_64, %parallel_loop3A_1054 = %broadcast_in_dim3A_64, %parallel_loop3A_1055 = %broadcast_in_dim3A_64, %parallel_loop3A_1056 = %broadcast_in_dim3A_64) -> (vector<16xf32>, vector<16xf32>, vector<16xf32>, vector<16xf32>, vector<16xf32>, vector<16xf32>, vector<16xf32>, vector<16xf32>)  : i32 {
        %parallel_loop3A_1057 = arith.index_cast %parallel_loop3A_1048 : i32 to index
        %parallel_loop3A_1058 = arith.constant 0 : index
        %parallel_loop3A_1059 = tpu.vector_load %arg13[%parallel_loop3A_1057, %parallel_loop3A_1058] {strides = array<i32>} : memref<50x128xf32, #tpu.memory_space<vmem>>, vector<1x16xf32>,
        %parallel_loop3A_1060 = vector.shape_cast %parallel_loop3A_1059 : vector<1x16xf32> to vector<16xf32>
        %parallel_loop3A_1061 = arith.addf %parallel_loop3A_1049, %parallel_loop3A_1060 : vector<16xf32>
        %parallel_loop3A_1062 = arith.index_cast %parallel_loop3A_1048 : i32 to index
        %parallel_loop3A_1063 = arith.constant 16 : index
        %parallel_loop3A_1064 = tpu.vector_load %arg13[%parallel_loop3A_1062, %parallel_loop3A_1063] {strides = array<i32>} : memref<50x128xf32, #tpu.memory_space<vmem>>, vector<1x16xf32>,
        %parallel_loop3A_1065 = vector.shape_cast %parallel_loop3A_1064 : vector<1x16xf32> to vector<16xf32>
        %parallel_loop3A_1066 = arith.addf %parallel_loop3A_1050, %parallel_loop3A_1065 : vector<16xf32>
        %parallel_loop3A_1067 = arith.index_cast %parallel_loop3A_1048 : i32 to index
        %parallel_loop3A_1068 = arith.constant 32 : index
        %parallel_loop3A_1069 = tpu.vector_load %arg13[%parallel_loop3A_1067, %parallel_loop3A_1068] {strides = array<i32>} : memref<50x128xf32, #tpu.memory_space<vmem>>, vector<1x16xf32>,
        %parallel_loop3A_1070 = vector.shape_cast %parallel_loop3A_1069 : vector<1x16xf32> to vector<16xf32>
        %parallel_loop3A_1071 = arith.addf %parallel_loop3A_1051, %parallel_loop3A_1070 : vector<16xf32>
        %parallel_loop3A_1072 = arith.index_cast %parallel_loop3A_1048 : i32 to index
        %parallel_loop3A_1073 = arith.constant 48 : index
        %parallel_loop3A_1074 = tpu.vector_load %arg13[%parallel_loop3A_1072, %parallel_loop3A_1073] {strides = array<i32>} : memref<50x128xf32, #tpu.memory_space<vmem>>, vector<1x16xf32>,
        %parallel_loop3A_1075 = vector.shape_cast %parallel_loop3A_1074 : vector<1x16xf32> to vector<16xf32>
        %parallel_loop3A_1076 = arith.addf %parallel_loop3A_1052, %parallel_loop3A_1075 : vector<16xf32>
        %parallel_loop3A_1077 = arith.index_cast %parallel_loop3A_1048 : i32 to index
        %parallel_loop3A_1078 = arith.constant 64 : index
        %parallel_loop3A_1079 = tpu.vector_load %arg13[%parallel_loop3A_1077, %parallel_loop3A_1078] {strides = array<i32>} : memref<50x128xf32, #tpu.memory_space<vmem>>, vector<1x16xf32>,
        %parallel_loop3A_1080 = vector.shape_cast %parallel_loop3A_1079 : vector<1x16xf32> to vector<16xf32>
        %parallel_loop3A_1081 = arith.addf %parallel_loop3A_1053, %parallel_loop3A_1080 : vector<16xf32>
        %parallel_loop3A_1082 = arith.index_cast %parallel_loop3A_1048 : i32 to index
        %parallel_loop3A_1083 = arith.constant 80 : index
        %parallel_loop3A_1084 = tpu.vector_load %arg13[%parallel_loop3A_1082, %parallel_loop3A_1083] {strides = array<i32>} : memref<50x128xf32, #tpu.memory_space<vmem>>, vector<1x16xf32>,
        %parallel_loop3A_1085 = vector.shape_cast %parallel_loop3A_1084 : vector<1x16xf32> to vector<16xf32>
        %parallel_loop3A_1086 = arith.addf %parallel_loop3A_1054, %parallel_loop3A_1085 : vector<16xf32>
        %parallel_loop3A_1087 = arith.index_cast %parallel_loop3A_1048 : i32 to index
        %parallel_loop3A_1088 = arith.constant 96 : index
        %parallel_loop3A_1089 = tpu.vector_load %arg13[%parallel_loop3A_1087, %parallel_loop3A_1088] {strides = array<i32>} : memref<50x128xf32, #tpu.memory_space<vmem>>, vector<1x16xf32>,
        %parallel_loop3A_1090 = vector.shape_cast %parallel_loop3A_1089 : vector<1x16xf32> to vector<16xf32>
        %parallel_loop3A_1091 = arith.addf %parallel_loop3A_1055, %parallel_loop3A_1090 : vector<16xf32>
        %parallel_loop3A_1092 = arith.index_cast %parallel_loop3A_1048 : i32 to index
        %parallel_loop3A_1093 = arith.constant 112 : index
        %parallel_loop3A_1094 = tpu.vector_load %arg13[%parallel_loop3A_1092, %parallel_loop3A_1093] {strides = array<i32>} : memref<50x128xf32, #tpu.memory_space<vmem>>, vector<1x16xf32>,
        %parallel_loop3A_1095 = vector.shape_cast %parallel_loop3A_1094 : vector<1x16xf32> to vector<16xf32>
        %parallel_loop3A_1096 = arith.addf %parallel_loop3A_1056, %parallel_loop3A_1095 : vector<16xf32>
        scf.yield %parallel_loop3A_1061, %parallel_loop3A_1066, %parallel_loop3A_1071, %parallel_loop3A_1076, %parallel_loop3A_1081, %parallel_loop3A_1086, %parallel_loop3A_1091, %parallel_loop3A_1096 : vector<16xf32>, vector<16xf32>, vector<16xf32>, vector<16xf32>, vector<16xf32>, vector<16xf32>, vector<16xf32>, vector<16xf32>
      } {sc.loop_unroll_factor = 2 : i64, sc.parallel_access}
      %swap3A_931 = arith.index_cast %add3A_920 : i32 to index
      %swap3A_932 = arith.constant 0 : index
      %swap3A_933 = tpu.vector_load %arg15[%swap3A_931, %swap3A_932] {strides = array<i32>} : memref<256x128xf32, #tpu.memory_space<vmem>>, vector<1x16xf32>,
      %swap3A_934 = vector.shape_cast %swap3A_933 : vector<1x16xf32> to vector<16xf32>
      %swap3A_935 = vector.shape_cast %parallel_loop3A_930#0 : vector<16xf32> to vector<1x16xf32>
      tpu.vector_store %arg15[%swap3A_931, %swap3A_932], %swap3A_935 {strides = array<i32>} : memref<256x128xf32, #tpu.memory_space<vmem>>, vector<1x16xf32>,
      %swap3A_936 = arith.index_cast %add3A_920 : i32 to index
      %swap3A_937 = arith.constant 16 : index
      %swap3A_938 = tpu.vector_load %arg15[%swap3A_936, %swap3A_937] {strides = array<i32>} : memref<256x128xf32, #tpu.memory_space<vmem>>, vector<1x16xf32>,
      %swap3A_939 = vector.shape_cast %swap3A_938 : vector<1x16xf32> to vector<16xf32>
      %swap3A_940 = vector.shape_cast %parallel_loop3A_930#1 : vector<16xf32> to vector<1x16xf32>
      tpu.vector_store %arg15[%swap3A_936, %swap3A_937], %swap3A_940 {strides = array<i32>} : memref<256x128xf32, #tpu.memory_space<vmem>>, vector<1x16xf32>,
      %swap3A_941 = arith.index_cast %add3A_920 : i32 to index
      %swap3A_942 = arith.constant 32 : index
      %swap3A_943 = tpu.vector_load %arg15[%swap3A_941, %swap3A_942] {strides = array<i32>} : memref<256x128xf32, #tpu.memory_space<vmem>>, vector<1x16xf32>,
      %swap3A_944 = vector.shape_cast %swap3A_943 : vector<1x16xf32> to vector<16xf32>
      %swap3A_945 = vector.shape_cast %parallel_loop3A_930#2 : vector<16xf32> to vector<1x16xf32>
      tpu.vector_store %arg15[%swap3A_941, %swap3A_942], %swap3A_945 {strides = array<i32>} : memref<256x128xf32, #tpu.memory_space<vmem>>, vector<1x16xf32>,
      %swap3A_946 = arith.index_cast %add3A_920 : i32 to index
      %swap3A_947 = arith.constant 48 : index
      %swap3A_948 = tpu.vector_load %arg15[%swap3A_946, %swap3A_947] {strides = array<i32>} : memref<256x128xf32, #tpu.memory_space<vmem>>, vector<1x16xf32>,
      %swap3A_949 = vector.shape_cast %swap3A_948 : vector<1x16xf32> to vector<16xf32>
      %swap3A_950 = vector.shape_cast %parallel_loop3A_930#3 : vector<16xf32> to vector<1x16xf32>
      tpu.vector_store %arg15[%swap3A_946, %swap3A_947], %swap3A_950 {strides = array<i32>} : memref<256x128xf32, #tpu.memory_space<vmem>>, vector<1x16xf32>,
      %swap3A_951 = arith.index_cast %add3A_920 : i32 to index
      %swap3A_952 = arith.constant 64 : index
      %swap3A_953 = tpu.vector_load %arg15[%swap3A_951, %swap3A_952] {strides = array<i32>} : memref<256x128xf32, #tpu.memory_space<vmem>>, vector<1x16xf32>,
      %swap3A_954 = vector.shape_cast %swap3A_953 : vector<1x16xf32> to vector<16xf32>
      %swap3A_955 = vector.shape_cast %parallel_loop3A_930#4 : vector<16xf32> to vector<1x16xf32>
      tpu.vector_store %arg15[%swap3A_951, %swap3A_952], %swap3A_955 {strides = array<i32>} : memref<256x128xf32, #tpu.memory_space<vmem>>, vector<1x16xf32>,
      %swap3A_956 = arith.index_cast %add3A_920 : i32 to index
      %swap3A_957 = arith.constant 80 : index
      %swap3A_958 = tpu.vector_load %arg15[%swap3A_956, %swap3A_957] {strides = array<i32>} : memref<256x128xf32, #tpu.memory_space<vmem>>, vector<1x16xf32>,
      %swap3A_959 = vector.shape_cast %swap3A_958 : vector<1x16xf32> to vector<16xf32>
      %swap3A_960 = vector.shape_cast %parallel_loop3A_930#5 : vector<16xf32> to vector<1x16xf32>
      tpu.vector_store %arg15[%swap3A_956, %swap3A_957], %swap3A_960 {strides = array<i32>} : memref<256x128xf32, #tpu.memory_space<vmem>>, vector<1x16xf32>,
      %swap3A_961 = arith.index_cast %add3A_920 : i32 to index
      %swap3A_962 = arith.constant 96 : index
      %swap3A_963 = tpu.vector_load %arg15[%swap3A_961, %swap3A_962] {strides = array<i32>} : memref<256x128xf32, #tpu.memory_space<vmem>>, vector<1x16xf32>,
      %swap3A_964 = vector.shape_cast %swap3A_963 : vector<1x16xf32> to vector<16xf32>
      %swap3A_965 = vector.shape_cast %parallel_loop3A_930#6 : vector<16xf32> to vector<1x16xf32>
      tpu.vector_store %arg15[%swap3A_961, %swap3A_962], %swap3A_965 {strides = array<i32>} : memref<256x128xf32, #tpu.memory_space<vmem>>, vector<1x16xf32>,
      %swap3A_966 = arith.index_cast %add3A_920 : i32 to index
      %swap3A_967 = arith.constant 112 : index
      %swap3A_968 = tpu.vector_load %arg15[%swap3A_966, %swap3A_967] {strides = array<i32>} : memref<256x128xf32, #tpu.memory_space<vmem>>, vector<1x16xf32>,
      %swap3A_969 = vector.shape_cast %swap3A_968 : vector<1x16xf32> to vector<16xf32>
      %swap3A_970 = vector.shape_cast %parallel_loop3A_930#7 : vector<16xf32> to vector<1x16xf32>
      tpu.vector_store %arg15[%swap3A_966, %swap3A_967], %swap3A_970 {strides = array<i32>} : memref<256x128xf32, #tpu.memory_space<vmem>>, vector<1x16xf32>,
      %add3A_971 = arith.constant 8 : i32
      %add3A_972 = arith.addi %add3A_920, %add3A_971 : i32
      %dma_start3A_973 = arith.constant 0 : i32
      %dma_start3A_974 = tpu.memref_slice %arg6[%add3A_972, %dma_start3A_973] : memref<256x50xi32, #tpu.memory_space<vmem>> -> memref<1x50xi32, #tpu.memory_space<vmem>>
      %dma_start3A_975 = tpu.memref_squeeze %dma_start3A_974 : memref<1x50xi32, #tpu.memory_space<vmem>> -> memref<50xi32, #tpu.memory_space<vmem>>
      %dma_start3A_976 = arith.constant 0 : i32
      %dma_start3A_977 = arith.constant 0 : i32
      %dma_start3A_978 = tpu.memref_slice %arg4[%dma_start3A_976, %dma_start3A_977] : memref<100000x128xf32, #tpu.memory_space<hbm>> -> memref<100000x128xf32, #tpu.memory_space<hbm>>
      tpu.enqueue_indirect_dma source(%dma_start3A_978 : memref<100000x128xf32, #tpu.memory_space<hbm>>) target(%arg13 : memref<50x128xf32, #tpu.memory_space<vmem>>) offsets(%dma_start3A_975 : memref<50xi32, #tpu.memory_space<vmem>>) semaphore(%arg22 : memref<!tpu.dma_semaphore, #tpu.memory_space<semaphore_mem>>)
      %add3A_979 = arith.constant 7 : i32
      %add3A_980 = arith.addi %mul3A_558, %add3A_979 : i32
      %dma_wait3A_981 = arith.constant 0 : i32
      %dma_wait3A_982 = tpu.memref_slice %arg6[%add3A_980, %dma_wait3A_981] : memref<256x50xi32, #tpu.memory_space<vmem>> -> memref<1x50xi32, #tpu.memory_space<vmem>>
      %dma_wait3A_983 = tpu.memref_squeeze %dma_wait3A_982 : memref<1x50xi32, #tpu.memory_space<vmem>> -> memref<50xi32, #tpu.memory_space<vmem>>
      %dma_wait3A_984 = arith.constant 0 : i32
      %dma_wait3A_985 = arith.constant 0 : i32
      %dma_wait3A_986 = tpu.memref_slice %arg4[%dma_wait3A_984, %dma_wait3A_985] : memref<100000x128xf32, #tpu.memory_space<hbm>> -> memref<100000x128xf32, #tpu.memory_space<hbm>>
      tpu.wait_indirect_dma semaphore(%arg23 : memref<!tpu.dma_semaphore, #tpu.memory_space<semaphore_mem>>) src(%dma_wait3A_986 : memref<100000x128xf32, #tpu.memory_space<hbm>>) dst(%arg14 : memref<50x128xf32, #tpu.memory_space<vmem>>)
      %parallel_loop3A_987 = arith.constant 0 : i32
      %parallel_loop3A_988 = arith.constant 50 : i32
      %parallel_loop3A_989 = arith.constant 1 : i32
      %parallel_loop3A_990:8 = scf.for %parallel_loop3A_1048 = %parallel_loop3A_987 to %parallel_loop3A_988 step %parallel_loop3A_989 iter_args(%parallel_loop3A_1049 = %broadcast_in_dim3A_64, %parallel_loop3A_1050 = %broadcast_in_dim3A_64, %parallel_loop3A_1051 = %broadcast_in_dim3A_64, %parallel_loop3A_1052 = %broadcast_in_dim3A_64, %parallel_loop3A_1053 = %broadcast_in_dim3A_64, %parallel_loop3A_1054 = %broadcast_in_dim3A_64, %parallel_loop3A_1055 = %broadcast_in_dim3A_64, %parallel_loop3A_1056 = %broadcast_in_dim3A_64) -> (vector<16xf32>, vector<16xf32>, vector<16xf32>, vector<16xf32>, vector<16xf32>, vector<16xf32>, vector<16xf32>, vector<16xf32>)  : i32 {
        %parallel_loop3A_1057 = arith.index_cast %parallel_loop3A_1048 : i32 to index
        %parallel_loop3A_1058 = arith.constant 0 : index
        %parallel_loop3A_1059 = tpu.vector_load %arg14[%parallel_loop3A_1057, %parallel_loop3A_1058] {strides = array<i32>} : memref<50x128xf32, #tpu.memory_space<vmem>>, vector<1x16xf32>,
        %parallel_loop3A_1060 = vector.shape_cast %parallel_loop3A_1059 : vector<1x16xf32> to vector<16xf32>
        %parallel_loop3A_1061 = arith.addf %parallel_loop3A_1049, %parallel_loop3A_1060 : vector<16xf32>
        %parallel_loop3A_1062 = arith.index_cast %parallel_loop3A_1048 : i32 to index
        %parallel_loop3A_1063 = arith.constant 16 : index
        %parallel_loop3A_1064 = tpu.vector_load %arg14[%parallel_loop3A_1062, %parallel_loop3A_1063] {strides = array<i32>} : memref<50x128xf32, #tpu.memory_space<vmem>>, vector<1x16xf32>,
        %parallel_loop3A_1065 = vector.shape_cast %parallel_loop3A_1064 : vector<1x16xf32> to vector<16xf32>
        %parallel_loop3A_1066 = arith.addf %parallel_loop3A_1050, %parallel_loop3A_1065 : vector<16xf32>
        %parallel_loop3A_1067 = arith.index_cast %parallel_loop3A_1048 : i32 to index
        %parallel_loop3A_1068 = arith.constant 32 : index
        %parallel_loop3A_1069 = tpu.vector_load %arg14[%parallel_loop3A_1067, %parallel_loop3A_1068] {strides = array<i32>} : memref<50x128xf32, #tpu.memory_space<vmem>>, vector<1x16xf32>,
        %parallel_loop3A_1070 = vector.shape_cast %parallel_loop3A_1069 : vector<1x16xf32> to vector<16xf32>
        %parallel_loop3A_1071 = arith.addf %parallel_loop3A_1051, %parallel_loop3A_1070 : vector<16xf32>
        %parallel_loop3A_1072 = arith.index_cast %parallel_loop3A_1048 : i32 to index
        %parallel_loop3A_1073 = arith.constant 48 : index
        %parallel_loop3A_1074 = tpu.vector_load %arg14[%parallel_loop3A_1072, %parallel_loop3A_1073] {strides = array<i32>} : memref<50x128xf32, #tpu.memory_space<vmem>>, vector<1x16xf32>,
        %parallel_loop3A_1075 = vector.shape_cast %parallel_loop3A_1074 : vector<1x16xf32> to vector<16xf32>
        %parallel_loop3A_1076 = arith.addf %parallel_loop3A_1052, %parallel_loop3A_1075 : vector<16xf32>
        %parallel_loop3A_1077 = arith.index_cast %parallel_loop3A_1048 : i32 to index
        %parallel_loop3A_1078 = arith.constant 64 : index
        %parallel_loop3A_1079 = tpu.vector_load %arg14[%parallel_loop3A_1077, %parallel_loop3A_1078] {strides = array<i32>} : memref<50x128xf32, #tpu.memory_space<vmem>>, vector<1x16xf32>,
        %parallel_loop3A_1080 = vector.shape_cast %parallel_loop3A_1079 : vector<1x16xf32> to vector<16xf32>
        %parallel_loop3A_1081 = arith.addf %parallel_loop3A_1053, %parallel_loop3A_1080 : vector<16xf32>
        %parallel_loop3A_1082 = arith.index_cast %parallel_loop3A_1048 : i32 to index
        %parallel_loop3A_1083 = arith.constant 80 : index
        %parallel_loop3A_1084 = tpu.vector_load %arg14[%parallel_loop3A_1082, %parallel_loop3A_1083] {strides = array<i32>} : memref<50x128xf32, #tpu.memory_space<vmem>>, vector<1x16xf32>,
        %parallel_loop3A_1085 = vector.shape_cast %parallel_loop3A_1084 : vector<1x16xf32> to vector<16xf32>
        %parallel_loop3A_1086 = arith.addf %parallel_loop3A_1054, %parallel_loop3A_1085 : vector<16xf32>
        %parallel_loop3A_1087 = arith.index_cast %parallel_loop3A_1048 : i32 to index
        %parallel_loop3A_1088 = arith.constant 96 : index
        %parallel_loop3A_1089 = tpu.vector_load %arg14[%parallel_loop3A_1087, %parallel_loop3A_1088] {strides = array<i32>} : memref<50x128xf32, #tpu.memory_space<vmem>>, vector<1x16xf32>,
        %parallel_loop3A_1090 = vector.shape_cast %parallel_loop3A_1089 : vector<1x16xf32> to vector<16xf32>
        %parallel_loop3A_1091 = arith.addf %parallel_loop3A_1055, %parallel_loop3A_1090 : vector<16xf32>
        %parallel_loop3A_1092 = arith.index_cast %parallel_loop3A_1048 : i32 to index
        %parallel_loop3A_1093 = arith.constant 112 : index
        %parallel_loop3A_1094 = tpu.vector_load %arg14[%parallel_loop3A_1092, %parallel_loop3A_1093] {strides = array<i32>} : memref<50x128xf32, #tpu.memory_space<vmem>>, vector<1x16xf32>,
        %parallel_loop3A_1095 = vector.shape_cast %parallel_loop3A_1094 : vector<1x16xf32> to vector<16xf32>
        %parallel_loop3A_1096 = arith.addf %parallel_loop3A_1056, %parallel_loop3A_1095 : vector<16xf32>
        scf.yield %parallel_loop3A_1061, %parallel_loop3A_1066, %parallel_loop3A_1071, %parallel_loop3A_1076, %parallel_loop3A_1081, %parallel_loop3A_1086, %parallel_loop3A_1091, %parallel_loop3A_1096 : vector<16xf32>, vector<16xf32>, vector<16xf32>, vector<16xf32>, vector<16xf32>, vector<16xf32>, vector<16xf32>, vector<16xf32>
      } {sc.loop_unroll_factor = 2 : i64, sc.parallel_access}
      %swap3A_991 = arith.index_cast %add3A_980 : i32 to index
      %swap3A_992 = arith.constant 0 : index
      %swap3A_993 = tpu.vector_load %arg15[%swap3A_991, %swap3A_992] {strides = array<i32>} : memref<256x128xf32, #tpu.memory_space<vmem>>, vector<1x16xf32>,
      %swap3A_994 = vector.shape_cast %swap3A_993 : vector<1x16xf32> to vector<16xf32>
      %swap3A_995 = vector.shape_cast %parallel_loop3A_990#0 : vector<16xf32> to vector<1x16xf32>
      tpu.vector_store %arg15[%swap3A_991, %swap3A_992], %swap3A_995 {strides = array<i32>} : memref<256x128xf32, #tpu.memory_space<vmem>>, vector<1x16xf32>,
      %swap3A_996 = arith.index_cast %add3A_980 : i32 to index
      %swap3A_997 = arith.constant 16 : index
      %swap3A_998 = tpu.vector_load %arg15[%swap3A_996, %swap3A_997] {strides = array<i32>} : memref<256x128xf32, #tpu.memory_space<vmem>>, vector<1x16xf32>,
      %swap3A_999 = vector.shape_cast %swap3A_998 : vector<1x16xf32> to vector<16xf32>
      %swap3A_1000 = vector.shape_cast %parallel_loop3A_990#1 : vector<16xf32> to vector<1x16xf32>
      tpu.vector_store %arg15[%swap3A_996, %swap3A_997], %swap3A_1000 {strides = array<i32>} : memref<256x128xf32, #tpu.memory_space<vmem>>, vector<1x16xf32>,
      %swap3A_1001 = arith.index_cast %add3A_980 : i32 to index
      %swap3A_1002 = arith.constant 32 : index
      %swap3A_1003 = tpu.vector_load %arg15[%swap3A_1001, %swap3A_1002] {strides = array<i32>} : memref<256x128xf32, #tpu.memory_space<vmem>>, vector<1x16xf32>,
      %swap3A_1004 = vector.shape_cast %swap3A_1003 : vector<1x16xf32> to vector<16xf32>
      %swap3A_1005 = vector.shape_cast %parallel_loop3A_990#2 : vector<16xf32> to vector<1x16xf32>
      tpu.vector_store %arg15[%swap3A_1001, %swap3A_1002], %swap3A_1005 {strides = array<i32>} : memref<256x128xf32, #tpu.memory_space<vmem>>, vector<1x16xf32>,
      %swap3A_1006 = arith.index_cast %add3A_980 : i32 to index
      %swap3A_1007 = arith.constant 48 : index
      %swap3A_1008 = tpu.vector_load %arg15[%swap3A_1006, %swap3A_1007] {strides = array<i32>} : memref<256x128xf32, #tpu.memory_space<vmem>>, vector<1x16xf32>,
      %swap3A_1009 = vector.shape_cast %swap3A_1008 : vector<1x16xf32> to vector<16xf32>
      %swap3A_1010 = vector.shape_cast %parallel_loop3A_990#3 : vector<16xf32> to vector<1x16xf32>
      tpu.vector_store %arg15[%swap3A_1006, %swap3A_1007], %swap3A_1010 {strides = array<i32>} : memref<256x128xf32, #tpu.memory_space<vmem>>, vector<1x16xf32>,
      %swap3A_1011 = arith.index_cast %add3A_980 : i32 to index
      %swap3A_1012 = arith.constant 64 : index
      %swap3A_1013 = tpu.vector_load %arg15[%swap3A_1011, %swap3A_1012] {strides = array<i32>} : memref<256x128xf32, #tpu.memory_space<vmem>>, vector<1x16xf32>,
      %swap3A_1014 = vector.shape_cast %swap3A_1013 : vector<1x16xf32> to vector<16xf32>
      %swap3A_1015 = vector.shape_cast %parallel_loop3A_990#4 : vector<16xf32> to vector<1x16xf32>
      tpu.vector_store %arg15[%swap3A_1011, %swap3A_1012], %swap3A_1015 {strides = array<i32>} : memref<256x128xf32, #tpu.memory_space<vmem>>, vector<1x16xf32>,
      %swap3A_1016 = arith.index_cast %add3A_980 : i32 to index
      %swap3A_1017 = arith.constant 80 : index
      %swap3A_1018 = tpu.vector_load %arg15[%swap3A_1016, %swap3A_1017] {strides = array<i32>} : memref<256x128xf32, #tpu.memory_space<vmem>>, vector<1x16xf32>,
      %swap3A_1019 = vector.shape_cast %swap3A_1018 : vector<1x16xf32> to vector<16xf32>
      %swap3A_1020 = vector.shape_cast %parallel_loop3A_990#5 : vector<16xf32> to vector<1x16xf32>
      tpu.vector_store %arg15[%swap3A_1016, %swap3A_1017], %swap3A_1020 {strides = array<i32>} : memref<256x128xf32, #tpu.memory_space<vmem>>, vector<1x16xf32>,
      %swap3A_1021 = arith.index_cast %add3A_980 : i32 to index
      %swap3A_1022 = arith.constant 96 : index
      %swap3A_1023 = tpu.vector_load %arg15[%swap3A_1021, %swap3A_1022] {strides = array<i32>} : memref<256x128xf32, #tpu.memory_space<vmem>>, vector<1x16xf32>,
      %swap3A_1024 = vector.shape_cast %swap3A_1023 : vector<1x16xf32> to vector<16xf32>
      %swap3A_1025 = vector.shape_cast %parallel_loop3A_990#6 : vector<16xf32> to vector<1x16xf32>
      tpu.vector_store %arg15[%swap3A_1021, %swap3A_1022], %swap3A_1025 {strides = array<i32>} : memref<256x128xf32, #tpu.memory_space<vmem>>, vector<1x16xf32>,
      %swap3A_1026 = arith.index_cast %add3A_980 : i32 to index
      %swap3A_1027 = arith.constant 112 : index
      %swap3A_1028 = tpu.vector_load %arg15[%swap3A_1026, %swap3A_1027] {strides = array<i32>} : memref<256x128xf32, #tpu.memory_space<vmem>>, vector<1x16xf32>,
      %swap3A_1029 = vector.shape_cast %swap3A_1028 : vector<1x16xf32> to vector<16xf32>
      %swap3A_1030 = vector.shape_cast %parallel_loop3A_990#7 : vector<16xf32> to vector<1x16xf32>
      tpu.vector_store %arg15[%swap3A_1026, %swap3A_1027], %swap3A_1030 {strides = array<i32>} : memref<256x128xf32, #tpu.memory_space<vmem>>, vector<1x16xf32>,
      %add3A_1031 = arith.constant 8 : i32
      %add3A_1032 = arith.addi %add3A_980, %add3A_1031 : i32
      %dma_start3A_1033 = arith.constant 0 : i32
      %dma_start3A_1034 = tpu.memref_slice %arg6[%add3A_1032, %dma_start3A_1033] : memref<256x50xi32, #tpu.memory_space<vmem>> -> memref<1x50xi32, #tpu.memory_space<vmem>>
      %dma_start3A_1035 = tpu.memref_squeeze %dma_start3A_1034 : memref<1x50xi32, #tpu.memory_space<vmem>> -> memref<50xi32, #tpu.memory_space<vmem>>
      %dma_start3A_1036 = arith.constant 0 : i32
      %dma_start3A_1037 = arith.constant 0 : i32
      %dma_start3A_1038 = tpu.memref_slice %arg4[%dma_start3A_1036, %dma_start3A_1037] : memref<100000x128xf32, #tpu.memory_space<hbm>> -> memref<100000x128xf32, #tpu.memory_space<hbm>>
      tpu.enqueue_indirect_dma source(%dma_start3A_1038 : memref<100000x128xf32, #tpu.memory_space<hbm>>) target(%arg14 : memref<50x128xf32, #tpu.memory_space<vmem>>) offsets(%dma_start3A_1035 : memref<50xi32, #tpu.memory_space<vmem>>) semaphore(%arg23 : memref<!tpu.dma_semaphore, #tpu.memory_space<semaphore_mem>>)
      %add3A_1039 = arith.addi %mul3A_2, %mul3A_558 : i32
      %dma_start3A_1040 = arith.constant 0 : i32
      %dma_start3A_1041 = tpu.memref_slice %arg15[%mul3A_558, %dma_start3A_1040] : memref<256x128xf32, #tpu.memory_space<vmem>> -> memref<8x128xf32, #tpu.memory_space<vmem>>
      %dma_start3A_1042 = arith.constant 0 : i32
      %dma_start3A_1043 = tpu.memref_slice %arg5[%add3A_1039, %dma_start3A_1042] : memref<8192x128xf32, #tpu.memory_space<hbm>> -> memref<8x128xf32, #tpu.memory_space<hbm>>
      %dma_start3A_1044 = arith.constant 0 : i32
      %dma_start3A_1045 = tpu.memref_slice %arg5[%add3A_1039, %dma_start3A_1044] : memref<8192x128xf32, #tpu.memory_space<hbm>> -> memref<8x128xf32, #tpu.memory_space<hbm>>
      %dma_start3A_1046 = arith.constant 0 : i32
      %dma_start3A_1047 = tpu.memref_slice %arg15[%mul3A_558, %dma_start3A_1046] : memref<256x128xf32, #tpu.memory_space<vmem>> -> memref<8x128xf32, #tpu.memory_space<vmem>>
      tpu.enqueue_dma source(%dma_start3A_1047 : memref<8x128xf32, #tpu.memory_space<vmem>>) target(%dma_start3A_1045 : memref<8x128xf32, #tpu.memory_space<hbm>>) target_semaphore(%arg24 : memref<!tpu.dma_semaphore, #tpu.memory_space<semaphore_mem>>)
    }
    %scan3A_69 = arith.constant 31 : i32
    %dma_wait3A = arith.constant 248 : i32
    %dma_wait3A_70 = arith.constant 0 : i32
    %dma_wait3A_71 = tpu.memref_slice %arg6[%dma_wait3A, %dma_wait3A_70] : memref<256x50xi32, #tpu.memory_space<vmem>> -> memref<1x50xi32, #tpu.memory_space<vmem>>
    %dma_wait3A_72 = tpu.memref_squeeze %dma_wait3A_71 : memref<1x50xi32, #tpu.memory_space<vmem>> -> memref<50xi32, #tpu.memory_space<vmem>>
    %dma_wait3A_73 = arith.constant 0 : i32
    %dma_wait3A_74 = arith.constant 0 : i32
    %dma_wait3A_75 = tpu.memref_slice %arg4[%dma_wait3A_73, %dma_wait3A_74] : memref<100000x128xf32, #tpu.memory_space<hbm>> -> memref<100000x128xf32, #tpu.memory_space<hbm>>
    tpu.wait_indirect_dma semaphore(%arg16 : memref<!tpu.dma_semaphore, #tpu.memory_space<semaphore_mem>>) src(%dma_wait3A_75 : memref<100000x128xf32, #tpu.memory_space<hbm>>) dst(%arg7 : memref<50x128xf32, #tpu.memory_space<vmem>>)
    %parallel_loop3A = arith.constant 0 : i32
    %parallel_loop3A_76 = arith.constant 50 : i32
    %parallel_loop3A_77 = arith.constant 1 : i32
    %parallel_loop3A_78:8 = scf.for %parallel_loop3A_556 = %parallel_loop3A to %parallel_loop3A_76 step %parallel_loop3A_77 iter_args(%parallel_loop3A_557 = %broadcast_in_dim3A_64, %parallel_loop3A_558 = %broadcast_in_dim3A_64, %parallel_loop3A_559 = %broadcast_in_dim3A_64, %parallel_loop3A_560 = %broadcast_in_dim3A_64, %parallel_loop3A_561 = %broadcast_in_dim3A_64, %parallel_loop3A_562 = %broadcast_in_dim3A_64, %parallel_loop3A_563 = %broadcast_in_dim3A_64, %parallel_loop3A_564 = %broadcast_in_dim3A_64) -> (vector<16xf32>, vector<16xf32>, vector<16xf32>, vector<16xf32>, vector<16xf32>, vector<16xf32>, vector<16xf32>, vector<16xf32>)  : i32 {
      %parallel_loop3A_565 = arith.index_cast %parallel_loop3A_556 : i32 to index
      %parallel_loop3A_566 = arith.constant 0 : index
      %parallel_loop3A_567 = tpu.vector_load %arg7[%parallel_loop3A_565, %parallel_loop3A_566] {strides = array<i32>} : memref<50x128xf32, #tpu.memory_space<vmem>>, vector<1x16xf32>,
      %parallel_loop3A_568 = vector.shape_cast %parallel_loop3A_567 : vector<1x16xf32> to vector<16xf32>
      %parallel_loop3A_569 = arith.addf %parallel_loop3A_557, %parallel_loop3A_568 : vector<16xf32>
      %parallel_loop3A_570 = arith.index_cast %parallel_loop3A_556 : i32 to index
      %parallel_loop3A_571 = arith.constant 16 : index
      %parallel_loop3A_572 = tpu.vector_load %arg7[%parallel_loop3A_570, %parallel_loop3A_571] {strides = array<i32>} : memref<50x128xf32, #tpu.memory_space<vmem>>, vector<1x16xf32>,
      %parallel_loop3A_573 = vector.shape_cast %parallel_loop3A_572 : vector<1x16xf32> to vector<16xf32>
      %parallel_loop3A_574 = arith.addf %parallel_loop3A_558, %parallel_loop3A_573 : vector<16xf32>
      %parallel_loop3A_575 = arith.index_cast %parallel_loop3A_556 : i32 to index
      %parallel_loop3A_576 = arith.constant 32 : index
      %parallel_loop3A_577 = tpu.vector_load %arg7[%parallel_loop3A_575, %parallel_loop3A_576] {strides = array<i32>} : memref<50x128xf32, #tpu.memory_space<vmem>>, vector<1x16xf32>,
      %parallel_loop3A_578 = vector.shape_cast %parallel_loop3A_577 : vector<1x16xf32> to vector<16xf32>
      %parallel_loop3A_579 = arith.addf %parallel_loop3A_559, %parallel_loop3A_578 : vector<16xf32>
      %parallel_loop3A_580 = arith.index_cast %parallel_loop3A_556 : i32 to index
      %parallel_loop3A_581 = arith.constant 48 : index
      %parallel_loop3A_582 = tpu.vector_load %arg7[%parallel_loop3A_580, %parallel_loop3A_581] {strides = array<i32>} : memref<50x128xf32, #tpu.memory_space<vmem>>, vector<1x16xf32>,
      %parallel_loop3A_583 = vector.shape_cast %parallel_loop3A_582 : vector<1x16xf32> to vector<16xf32>
      %parallel_loop3A_584 = arith.addf %parallel_loop3A_560, %parallel_loop3A_583 : vector<16xf32>
      %parallel_loop3A_585 = arith.index_cast %parallel_loop3A_556 : i32 to index
      %parallel_loop3A_586 = arith.constant 64 : index
      %parallel_loop3A_587 = tpu.vector_load %arg7[%parallel_loop3A_585, %parallel_loop3A_586] {strides = array<i32>} : memref<50x128xf32, #tpu.memory_space<vmem>>, vector<1x16xf32>,
      %parallel_loop3A_588 = vector.shape_cast %parallel_loop3A_587 : vector<1x16xf32> to vector<16xf32>
      %parallel_loop3A_589 = arith.addf %parallel_loop3A_561, %parallel_loop3A_588 : vector<16xf32>
      %parallel_loop3A_590 = arith.index_cast %parallel_loop3A_556 : i32 to index
      %parallel_loop3A_591 = arith.constant 80 : index
      %parallel_loop3A_592 = tpu.vector_load %arg7[%parallel_loop3A_590, %parallel_loop3A_591] {strides = array<i32>} : memref<50x128xf32, #tpu.memory_space<vmem>>, vector<1x16xf32>,
      %parallel_loop3A_593 = vector.shape_cast %parallel_loop3A_592 : vector<1x16xf32> to vector<16xf32>
      %parallel_loop3A_594 = arith.addf %parallel_loop3A_562, %parallel_loop3A_593 : vector<16xf32>
      %parallel_loop3A_595 = arith.index_cast %parallel_loop3A_556 : i32 to index
      %parallel_loop3A_596 = arith.constant 96 : index
      %parallel_loop3A_597 = tpu.vector_load %arg7[%parallel_loop3A_595, %parallel_loop3A_596] {strides = array<i32>} : memref<50x128xf32, #tpu.memory_space<vmem>>, vector<1x16xf32>,
      %parallel_loop3A_598 = vector.shape_cast %parallel_loop3A_597 : vector<1x16xf32> to vector<16xf32>
      %parallel_loop3A_599 = arith.addf %parallel_loop3A_563, %parallel_loop3A_598 : vector<16xf32>
      %parallel_loop3A_600 = arith.index_cast %parallel_loop3A_556 : i32 to index
      %parallel_loop3A_601 = arith.constant 112 : index
      %parallel_loop3A_602 = tpu.vector_load %arg7[%parallel_loop3A_600, %parallel_loop3A_601] {strides = array<i32>} : memref<50x128xf32, #tpu.memory_space<vmem>>, vector<1x16xf32>,
      %parallel_loop3A_603 = vector.shape_cast %parallel_loop3A_602 : vector<1x16xf32> to vector<16xf32>
      %parallel_loop3A_604 = arith.addf %parallel_loop3A_564, %parallel_loop3A_603 : vector<16xf32>
      scf.yield %parallel_loop3A_569, %parallel_loop3A_574, %parallel_loop3A_579, %parallel_loop3A_584, %parallel_loop3A_589, %parallel_loop3A_594, %parallel_loop3A_599, %parallel_loop3A_604 : vector<16xf32>, vector<16xf32>, vector<16xf32>, vector<16xf32>, vector<16xf32>, vector<16xf32>, vector<16xf32>, vector<16xf32>
    } {sc.loop_unroll_factor = 2 : i64, sc.parallel_access}
    %swap3A = arith.constant 248 : i32
    %swap3A_79 = arith.index_cast %swap3A : i32 to index
    %swap3A_80 = arith.constant 0 : index
    %swap3A_81 = tpu.vector_load %arg15[%swap3A_79, %swap3A_80] {strides = array<i32>} : memref<256x128xf32, #tpu.memory_space<vmem>>, vector<1x16xf32>,
    %swap3A_82 = vector.shape_cast %swap3A_81 : vector<1x16xf32> to vector<16xf32>
    %swap3A_83 = vector.shape_cast %parallel_loop3A_78#0 : vector<16xf32> to vector<1x16xf32>
    tpu.vector_store %arg15[%swap3A_79, %swap3A_80], %swap3A_83 {strides = array<i32>} : memref<256x128xf32, #tpu.memory_space<vmem>>, vector<1x16xf32>,
    %swap3A_84 = arith.constant 248 : i32
    %swap3A_85 = arith.index_cast %swap3A_84 : i32 to index
    %swap3A_86 = arith.constant 16 : index
    %swap3A_87 = tpu.vector_load %arg15[%swap3A_85, %swap3A_86] {strides = array<i32>} : memref<256x128xf32, #tpu.memory_space<vmem>>, vector<1x16xf32>,
    %swap3A_88 = vector.shape_cast %swap3A_87 : vector<1x16xf32> to vector<16xf32>
    %swap3A_89 = vector.shape_cast %parallel_loop3A_78#1 : vector<16xf32> to vector<1x16xf32>
    tpu.vector_store %arg15[%swap3A_85, %swap3A_86], %swap3A_89 {strides = array<i32>} : memref<256x128xf32, #tpu.memory_space<vmem>>, vector<1x16xf32>,
    %swap3A_90 = arith.constant 248 : i32
    %swap3A_91 = arith.index_cast %swap3A_90 : i32 to index
    %swap3A_92 = arith.constant 32 : index
    %swap3A_93 = tpu.vector_load %arg15[%swap3A_91, %swap3A_92] {strides = array<i32>} : memref<256x128xf32, #tpu.memory_space<vmem>>, vector<1x16xf32>,
    %swap3A_94 = vector.shape_cast %swap3A_93 : vector<1x16xf32> to vector<16xf32>
    %swap3A_95 = vector.shape_cast %parallel_loop3A_78#2 : vector<16xf32> to vector<1x16xf32>
    tpu.vector_store %arg15[%swap3A_91, %swap3A_92], %swap3A_95 {strides = array<i32>} : memref<256x128xf32, #tpu.memory_space<vmem>>, vector<1x16xf32>,
    %swap3A_96 = arith.constant 248 : i32
    %swap3A_97 = arith.index_cast %swap3A_96 : i32 to index
    %swap3A_98 = arith.constant 48 : index
    %swap3A_99 = tpu.vector_load %arg15[%swap3A_97, %swap3A_98] {strides = array<i32>} : memref<256x128xf32, #tpu.memory_space<vmem>>, vector<1x16xf32>,
    %swap3A_100 = vector.shape_cast %swap3A_99 : vector<1x16xf32> to vector<16xf32>
    %swap3A_101 = vector.shape_cast %parallel_loop3A_78#3 : vector<16xf32> to vector<1x16xf32>
    tpu.vector_store %arg15[%swap3A_97, %swap3A_98], %swap3A_101 {strides = array<i32>} : memref<256x128xf32, #tpu.memory_space<vmem>>, vector<1x16xf32>,
    %swap3A_102 = arith.constant 248 : i32
    %swap3A_103 = arith.index_cast %swap3A_102 : i32 to index
    %swap3A_104 = arith.constant 64 : index
    %swap3A_105 = tpu.vector_load %arg15[%swap3A_103, %swap3A_104] {strides = array<i32>} : memref<256x128xf32, #tpu.memory_space<vmem>>, vector<1x16xf32>,
    %swap3A_106 = vector.shape_cast %swap3A_105 : vector<1x16xf32> to vector<16xf32>
    %swap3A_107 = vector.shape_cast %parallel_loop3A_78#4 : vector<16xf32> to vector<1x16xf32>
    tpu.vector_store %arg15[%swap3A_103, %swap3A_104], %swap3A_107 {strides = array<i32>} : memref<256x128xf32, #tpu.memory_space<vmem>>, vector<1x16xf32>,
    %swap3A_108 = arith.constant 248 : i32
    %swap3A_109 = arith.index_cast %swap3A_108 : i32 to index
    %swap3A_110 = arith.constant 80 : index
    %swap3A_111 = tpu.vector_load %arg15[%swap3A_109, %swap3A_110] {strides = array<i32>} : memref<256x128xf32, #tpu.memory_space<vmem>>, vector<1x16xf32>,
    %swap3A_112 = vector.shape_cast %swap3A_111 : vector<1x16xf32> to vector<16xf32>
    %swap3A_113 = vector.shape_cast %parallel_loop3A_78#5 : vector<16xf32> to vector<1x16xf32>
    tpu.vector_store %arg15[%swap3A_109, %swap3A_110], %swap3A_113 {strides = array<i32>} : memref<256x128xf32, #tpu.memory_space<vmem>>, vector<1x16xf32>,
    %swap3A_114 = arith.constant 248 : i32
    %swap3A_115 = arith.index_cast %swap3A_114 : i32 to index
    %swap3A_116 = arith.constant 96 : index
    %swap3A_117 = tpu.vector_load %arg15[%swap3A_115, %swap3A_116] {strides = array<i32>} : memref<256x128xf32, #tpu.memory_space<vmem>>, vector<1x16xf32>,
    %swap3A_118 = vector.shape_cast %swap3A_117 : vector<1x16xf32> to vector<16xf32>
    %swap3A_119 = vector.shape_cast %parallel_loop3A_78#6 : vector<16xf32> to vector<1x16xf32>
    tpu.vector_store %arg15[%swap3A_115, %swap3A_116], %swap3A_119 {strides = array<i32>} : memref<256x128xf32, #tpu.memory_space<vmem>>, vector<1x16xf32>,
    %swap3A_120 = arith.constant 248 : i32
    %swap3A_121 = arith.index_cast %swap3A_120 : i32 to index
    %swap3A_122 = arith.constant 112 : index
    %swap3A_123 = tpu.vector_load %arg15[%swap3A_121, %swap3A_122] {strides = array<i32>} : memref<256x128xf32, #tpu.memory_space<vmem>>, vector<1x16xf32>,
    %swap3A_124 = vector.shape_cast %swap3A_123 : vector<1x16xf32> to vector<16xf32>
    %swap3A_125 = vector.shape_cast %parallel_loop3A_78#7 : vector<16xf32> to vector<1x16xf32>
    tpu.vector_store %arg15[%swap3A_121, %swap3A_122], %swap3A_125 {strides = array<i32>} : memref<256x128xf32, #tpu.memory_space<vmem>>, vector<1x16xf32>,
    %dma_wait3A_126 = arith.constant 249 : i32
    %dma_wait3A_127 = arith.constant 0 : i32
    %dma_wait3A_128 = tpu.memref_slice %arg6[%dma_wait3A_126, %dma_wait3A_127] : memref<256x50xi32, #tpu.memory_space<vmem>> -> memref<1x50xi32, #tpu.memory_space<vmem>>
    %dma_wait3A_129 = tpu.memref_squeeze %dma_wait3A_128 : memref<1x50xi32, #tpu.memory_space<vmem>> -> memref<50xi32, #tpu.memory_space<vmem>>
    %dma_wait3A_130 = arith.constant 0 : i32
    %dma_wait3A_131 = arith.constant 0 : i32
    %dma_wait3A_132 = tpu.memref_slice %arg4[%dma_wait3A_130, %dma_wait3A_131] : memref<100000x128xf32, #tpu.memory_space<hbm>> -> memref<100000x128xf32, #tpu.memory_space<hbm>>
    tpu.wait_indirect_dma semaphore(%arg17 : memref<!tpu.dma_semaphore, #tpu.memory_space<semaphore_mem>>) src(%dma_wait3A_132 : memref<100000x128xf32, #tpu.memory_space<hbm>>) dst(%arg8 : memref<50x128xf32, #tpu.memory_space<vmem>>)
    %parallel_loop3A_133 = arith.constant 0 : i32
    %parallel_loop3A_134 = arith.constant 50 : i32
    %parallel_loop3A_135 = arith.constant 1 : i32
    %parallel_loop3A_136:8 = scf.for %parallel_loop3A_556 = %parallel_loop3A_133 to %parallel_loop3A_134 step %parallel_loop3A_135 iter_args(%parallel_loop3A_557 = %broadcast_in_dim3A_64, %parallel_loop3A_558 = %broadcast_in_dim3A_64, %parallel_loop3A_559 = %broadcast_in_dim3A_64, %parallel_loop3A_560 = %broadcast_in_dim3A_64, %parallel_loop3A_561 = %broadcast_in_dim3A_64, %parallel_loop3A_562 = %broadcast_in_dim3A_64, %parallel_loop3A_563 = %broadcast_in_dim3A_64, %parallel_loop3A_564 = %broadcast_in_dim3A_64) -> (vector<16xf32>, vector<16xf32>, vector<16xf32>, vector<16xf32>, vector<16xf32>, vector<16xf32>, vector<16xf32>, vector<16xf32>)  : i32 {
      %parallel_loop3A_565 = arith.index_cast %parallel_loop3A_556 : i32 to index
      %parallel_loop3A_566 = arith.constant 0 : index
      %parallel_loop3A_567 = tpu.vector_load %arg8[%parallel_loop3A_565, %parallel_loop3A_566] {strides = array<i32>} : memref<50x128xf32, #tpu.memory_space<vmem>>, vector<1x16xf32>,
      %parallel_loop3A_568 = vector.shape_cast %parallel_loop3A_567 : vector<1x16xf32> to vector<16xf32>
      %parallel_loop3A_569 = arith.addf %parallel_loop3A_557, %parallel_loop3A_568 : vector<16xf32>
      %parallel_loop3A_570 = arith.index_cast %parallel_loop3A_556 : i32 to index
      %parallel_loop3A_571 = arith.constant 16 : index
      %parallel_loop3A_572 = tpu.vector_load %arg8[%parallel_loop3A_570, %parallel_loop3A_571] {strides = array<i32>} : memref<50x128xf32, #tpu.memory_space<vmem>>, vector<1x16xf32>,
      %parallel_loop3A_573 = vector.shape_cast %parallel_loop3A_572 : vector<1x16xf32> to vector<16xf32>
      %parallel_loop3A_574 = arith.addf %parallel_loop3A_558, %parallel_loop3A_573 : vector<16xf32>
      %parallel_loop3A_575 = arith.index_cast %parallel_loop3A_556 : i32 to index
      %parallel_loop3A_576 = arith.constant 32 : index
      %parallel_loop3A_577 = tpu.vector_load %arg8[%parallel_loop3A_575, %parallel_loop3A_576] {strides = array<i32>} : memref<50x128xf32, #tpu.memory_space<vmem>>, vector<1x16xf32>,
      %parallel_loop3A_578 = vector.shape_cast %parallel_loop3A_577 : vector<1x16xf32> to vector<16xf32>
      %parallel_loop3A_579 = arith.addf %parallel_loop3A_559, %parallel_loop3A_578 : vector<16xf32>
      %parallel_loop3A_580 = arith.index_cast %parallel_loop3A_556 : i32 to index
      %parallel_loop3A_581 = arith.constant 48 : index
      %parallel_loop3A_582 = tpu.vector_load %arg8[%parallel_loop3A_580, %parallel_loop3A_581] {strides = array<i32>} : memref<50x128xf32, #tpu.memory_space<vmem>>, vector<1x16xf32>,
      %parallel_loop3A_583 = vector.shape_cast %parallel_loop3A_582 : vector<1x16xf32> to vector<16xf32>
      %parallel_loop3A_584 = arith.addf %parallel_loop3A_560, %parallel_loop3A_583 : vector<16xf32>
      %parallel_loop3A_585 = arith.index_cast %parallel_loop3A_556 : i32 to index
      %parallel_loop3A_586 = arith.constant 64 : index
      %parallel_loop3A_587 = tpu.vector_load %arg8[%parallel_loop3A_585, %parallel_loop3A_586] {strides = array<i32>} : memref<50x128xf32, #tpu.memory_space<vmem>>, vector<1x16xf32>,
      %parallel_loop3A_588 = vector.shape_cast %parallel_loop3A_587 : vector<1x16xf32> to vector<16xf32>
      %parallel_loop3A_589 = arith.addf %parallel_loop3A_561, %parallel_loop3A_588 : vector<16xf32>
      %parallel_loop3A_590 = arith.index_cast %parallel_loop3A_556 : i32 to index
      %parallel_loop3A_591 = arith.constant 80 : index
      %parallel_loop3A_592 = tpu.vector_load %arg8[%parallel_loop3A_590, %parallel_loop3A_591] {strides = array<i32>} : memref<50x128xf32, #tpu.memory_space<vmem>>, vector<1x16xf32>,
      %parallel_loop3A_593 = vector.shape_cast %parallel_loop3A_592 : vector<1x16xf32> to vector<16xf32>
      %parallel_loop3A_594 = arith.addf %parallel_loop3A_562, %parallel_loop3A_593 : vector<16xf32>
      %parallel_loop3A_595 = arith.index_cast %parallel_loop3A_556 : i32 to index
      %parallel_loop3A_596 = arith.constant 96 : index
      %parallel_loop3A_597 = tpu.vector_load %arg8[%parallel_loop3A_595, %parallel_loop3A_596] {strides = array<i32>} : memref<50x128xf32, #tpu.memory_space<vmem>>, vector<1x16xf32>,
      %parallel_loop3A_598 = vector.shape_cast %parallel_loop3A_597 : vector<1x16xf32> to vector<16xf32>
      %parallel_loop3A_599 = arith.addf %parallel_loop3A_563, %parallel_loop3A_598 : vector<16xf32>
      %parallel_loop3A_600 = arith.index_cast %parallel_loop3A_556 : i32 to index
      %parallel_loop3A_601 = arith.constant 112 : index
      %parallel_loop3A_602 = tpu.vector_load %arg8[%parallel_loop3A_600, %parallel_loop3A_601] {strides = array<i32>} : memref<50x128xf32, #tpu.memory_space<vmem>>, vector<1x16xf32>,
      %parallel_loop3A_603 = vector.shape_cast %parallel_loop3A_602 : vector<1x16xf32> to vector<16xf32>
      %parallel_loop3A_604 = arith.addf %parallel_loop3A_564, %parallel_loop3A_603 : vector<16xf32>
      scf.yield %parallel_loop3A_569, %parallel_loop3A_574, %parallel_loop3A_579, %parallel_loop3A_584, %parallel_loop3A_589, %parallel_loop3A_594, %parallel_loop3A_599, %parallel_loop3A_604 : vector<16xf32>, vector<16xf32>, vector<16xf32>, vector<16xf32>, vector<16xf32>, vector<16xf32>, vector<16xf32>, vector<16xf32>
    } {sc.loop_unroll_factor = 2 : i64, sc.parallel_access}
    %swap3A_137 = arith.constant 249 : i32
    %swap3A_138 = arith.index_cast %swap3A_137 : i32 to index
    %swap3A_139 = arith.constant 0 : index
    %swap3A_140 = tpu.vector_load %arg15[%swap3A_138, %swap3A_139] {strides = array<i32>} : memref<256x128xf32, #tpu.memory_space<vmem>>, vector<1x16xf32>,
    %swap3A_141 = vector.shape_cast %swap3A_140 : vector<1x16xf32> to vector<16xf32>
    %swap3A_142 = vector.shape_cast %parallel_loop3A_136#0 : vector<16xf32> to vector<1x16xf32>
    tpu.vector_store %arg15[%swap3A_138, %swap3A_139], %swap3A_142 {strides = array<i32>} : memref<256x128xf32, #tpu.memory_space<vmem>>, vector<1x16xf32>,
    %swap3A_143 = arith.constant 249 : i32
    %swap3A_144 = arith.index_cast %swap3A_143 : i32 to index
    %swap3A_145 = arith.constant 16 : index
    %swap3A_146 = tpu.vector_load %arg15[%swap3A_144, %swap3A_145] {strides = array<i32>} : memref<256x128xf32, #tpu.memory_space<vmem>>, vector<1x16xf32>,
    %swap3A_147 = vector.shape_cast %swap3A_146 : vector<1x16xf32> to vector<16xf32>
    %swap3A_148 = vector.shape_cast %parallel_loop3A_136#1 : vector<16xf32> to vector<1x16xf32>
    tpu.vector_store %arg15[%swap3A_144, %swap3A_145], %swap3A_148 {strides = array<i32>} : memref<256x128xf32, #tpu.memory_space<vmem>>, vector<1x16xf32>,
    %swap3A_149 = arith.constant 249 : i32
    %swap3A_150 = arith.index_cast %swap3A_149 : i32 to index
    %swap3A_151 = arith.constant 32 : index
    %swap3A_152 = tpu.vector_load %arg15[%swap3A_150, %swap3A_151] {strides = array<i32>} : memref<256x128xf32, #tpu.memory_space<vmem>>, vector<1x16xf32>,
    %swap3A_153 = vector.shape_cast %swap3A_152 : vector<1x16xf32> to vector<16xf32>
    %swap3A_154 = vector.shape_cast %parallel_loop3A_136#2 : vector<16xf32> to vector<1x16xf32>
    tpu.vector_store %arg15[%swap3A_150, %swap3A_151], %swap3A_154 {strides = array<i32>} : memref<256x128xf32, #tpu.memory_space<vmem>>, vector<1x16xf32>,
    %swap3A_155 = arith.constant 249 : i32
    %swap3A_156 = arith.index_cast %swap3A_155 : i32 to index
    %swap3A_157 = arith.constant 48 : index
    %swap3A_158 = tpu.vector_load %arg15[%swap3A_156, %swap3A_157] {strides = array<i32>} : memref<256x128xf32, #tpu.memory_space<vmem>>, vector<1x16xf32>,
    %swap3A_159 = vector.shape_cast %swap3A_158 : vector<1x16xf32> to vector<16xf32>
    %swap3A_160 = vector.shape_cast %parallel_loop3A_136#3 : vector<16xf32> to vector<1x16xf32>
    tpu.vector_store %arg15[%swap3A_156, %swap3A_157], %swap3A_160 {strides = array<i32>} : memref<256x128xf32, #tpu.memory_space<vmem>>, vector<1x16xf32>,
    %swap3A_161 = arith.constant 249 : i32
    %swap3A_162 = arith.index_cast %swap3A_161 : i32 to index
    %swap3A_163 = arith.constant 64 : index
    %swap3A_164 = tpu.vector_load %arg15[%swap3A_162, %swap3A_163] {strides = array<i32>} : memref<256x128xf32, #tpu.memory_space<vmem>>, vector<1x16xf32>,
    %swap3A_165 = vector.shape_cast %swap3A_164 : vector<1x16xf32> to vector<16xf32>
    %swap3A_166 = vector.shape_cast %parallel_loop3A_136#4 : vector<16xf32> to vector<1x16xf32>
    tpu.vector_store %arg15[%swap3A_162, %swap3A_163], %swap3A_166 {strides = array<i32>} : memref<256x128xf32, #tpu.memory_space<vmem>>, vector<1x16xf32>,
    %swap3A_167 = arith.constant 249 : i32
    %swap3A_168 = arith.index_cast %swap3A_167 : i32 to index
    %swap3A_169 = arith.constant 80 : index
    %swap3A_170 = tpu.vector_load %arg15[%swap3A_168, %swap3A_169] {strides = array<i32>} : memref<256x128xf32, #tpu.memory_space<vmem>>, vector<1x16xf32>,
    %swap3A_171 = vector.shape_cast %swap3A_170 : vector<1x16xf32> to vector<16xf32>
    %swap3A_172 = vector.shape_cast %parallel_loop3A_136#5 : vector<16xf32> to vector<1x16xf32>
    tpu.vector_store %arg15[%swap3A_168, %swap3A_169], %swap3A_172 {strides = array<i32>} : memref<256x128xf32, #tpu.memory_space<vmem>>, vector<1x16xf32>,
    %swap3A_173 = arith.constant 249 : i32
    %swap3A_174 = arith.index_cast %swap3A_173 : i32 to index
    %swap3A_175 = arith.constant 96 : index
    %swap3A_176 = tpu.vector_load %arg15[%swap3A_174, %swap3A_175] {strides = array<i32>} : memref<256x128xf32, #tpu.memory_space<vmem>>, vector<1x16xf32>,
    %swap3A_177 = vector.shape_cast %swap3A_176 : vector<1x16xf32> to vector<16xf32>
    %swap3A_178 = vector.shape_cast %parallel_loop3A_136#6 : vector<16xf32> to vector<1x16xf32>
    tpu.vector_store %arg15[%swap3A_174, %swap3A_175], %swap3A_178 {strides = array<i32>} : memref<256x128xf32, #tpu.memory_space<vmem>>, vector<1x16xf32>,
    %swap3A_179 = arith.constant 249 : i32
    %swap3A_180 = arith.index_cast %swap3A_179 : i32 to index
    %swap3A_181 = arith.constant 112 : index
    %swap3A_182 = tpu.vector_load %arg15[%swap3A_180, %swap3A_181] {strides = array<i32>} : memref<256x128xf32, #tpu.memory_space<vmem>>, vector<1x16xf32>,
    %swap3A_183 = vector.shape_cast %swap3A_182 : vector<1x16xf32> to vector<16xf32>
    %swap3A_184 = vector.shape_cast %parallel_loop3A_136#7 : vector<16xf32> to vector<1x16xf32>
    tpu.vector_store %arg15[%swap3A_180, %swap3A_181], %swap3A_184 {strides = array<i32>} : memref<256x128xf32, #tpu.memory_space<vmem>>, vector<1x16xf32>,
    %dma_wait3A_185 = arith.constant 250 : i32
    %dma_wait3A_186 = arith.constant 0 : i32
    %dma_wait3A_187 = tpu.memref_slice %arg6[%dma_wait3A_185, %dma_wait3A_186] : memref<256x50xi32, #tpu.memory_space<vmem>> -> memref<1x50xi32, #tpu.memory_space<vmem>>
    %dma_wait3A_188 = tpu.memref_squeeze %dma_wait3A_187 : memref<1x50xi32, #tpu.memory_space<vmem>> -> memref<50xi32, #tpu.memory_space<vmem>>
    %dma_wait3A_189 = arith.constant 0 : i32
    %dma_wait3A_190 = arith.constant 0 : i32
    %dma_wait3A_191 = tpu.memref_slice %arg4[%dma_wait3A_189, %dma_wait3A_190] : memref<100000x128xf32, #tpu.memory_space<hbm>> -> memref<100000x128xf32, #tpu.memory_space<hbm>>
    tpu.wait_indirect_dma semaphore(%arg18 : memref<!tpu.dma_semaphore, #tpu.memory_space<semaphore_mem>>) src(%dma_wait3A_191 : memref<100000x128xf32, #tpu.memory_space<hbm>>) dst(%arg9 : memref<50x128xf32, #tpu.memory_space<vmem>>)
    %parallel_loop3A_192 = arith.constant 0 : i32
    %parallel_loop3A_193 = arith.constant 50 : i32
    %parallel_loop3A_194 = arith.constant 1 : i32
    %parallel_loop3A_195:8 = scf.for %parallel_loop3A_556 = %parallel_loop3A_192 to %parallel_loop3A_193 step %parallel_loop3A_194 iter_args(%parallel_loop3A_557 = %broadcast_in_dim3A_64, %parallel_loop3A_558 = %broadcast_in_dim3A_64, %parallel_loop3A_559 = %broadcast_in_dim3A_64, %parallel_loop3A_560 = %broadcast_in_dim3A_64, %parallel_loop3A_561 = %broadcast_in_dim3A_64, %parallel_loop3A_562 = %broadcast_in_dim3A_64, %parallel_loop3A_563 = %broadcast_in_dim3A_64, %parallel_loop3A_564 = %broadcast_in_dim3A_64) -> (vector<16xf32>, vector<16xf32>, vector<16xf32>, vector<16xf32>, vector<16xf32>, vector<16xf32>, vector<16xf32>, vector<16xf32>)  : i32 {
      %parallel_loop3A_565 = arith.index_cast %parallel_loop3A_556 : i32 to index
      %parallel_loop3A_566 = arith.constant 0 : index
      %parallel_loop3A_567 = tpu.vector_load %arg9[%parallel_loop3A_565, %parallel_loop3A_566] {strides = array<i32>} : memref<50x128xf32, #tpu.memory_space<vmem>>, vector<1x16xf32>,
      %parallel_loop3A_568 = vector.shape_cast %parallel_loop3A_567 : vector<1x16xf32> to vector<16xf32>
      %parallel_loop3A_569 = arith.addf %parallel_loop3A_557, %parallel_loop3A_568 : vector<16xf32>
      %parallel_loop3A_570 = arith.index_cast %parallel_loop3A_556 : i32 to index
      %parallel_loop3A_571 = arith.constant 16 : index
      %parallel_loop3A_572 = tpu.vector_load %arg9[%parallel_loop3A_570, %parallel_loop3A_571] {strides = array<i32>} : memref<50x128xf32, #tpu.memory_space<vmem>>, vector<1x16xf32>,
      %parallel_loop3A_573 = vector.shape_cast %parallel_loop3A_572 : vector<1x16xf32> to vector<16xf32>
      %parallel_loop3A_574 = arith.addf %parallel_loop3A_558, %parallel_loop3A_573 : vector<16xf32>
      %parallel_loop3A_575 = arith.index_cast %parallel_loop3A_556 : i32 to index
      %parallel_loop3A_576 = arith.constant 32 : index
      %parallel_loop3A_577 = tpu.vector_load %arg9[%parallel_loop3A_575, %parallel_loop3A_576] {strides = array<i32>} : memref<50x128xf32, #tpu.memory_space<vmem>>, vector<1x16xf32>,
      %parallel_loop3A_578 = vector.shape_cast %parallel_loop3A_577 : vector<1x16xf32> to vector<16xf32>
      %parallel_loop3A_579 = arith.addf %parallel_loop3A_559, %parallel_loop3A_578 : vector<16xf32>
      %parallel_loop3A_580 = arith.index_cast %parallel_loop3A_556 : i32 to index
      %parallel_loop3A_581 = arith.constant 48 : index
      %parallel_loop3A_582 = tpu.vector_load %arg9[%parallel_loop3A_580, %parallel_loop3A_581] {strides = array<i32>} : memref<50x128xf32, #tpu.memory_space<vmem>>, vector<1x16xf32>,
      %parallel_loop3A_583 = vector.shape_cast %parallel_loop3A_582 : vector<1x16xf32> to vector<16xf32>
      %parallel_loop3A_584 = arith.addf %parallel_loop3A_560, %parallel_loop3A_583 : vector<16xf32>
      %parallel_loop3A_585 = arith.index_cast %parallel_loop3A_556 : i32 to index
      %parallel_loop3A_586 = arith.constant 64 : index
      %parallel_loop3A_587 = tpu.vector_load %arg9[%parallel_loop3A_585, %parallel_loop3A_586] {strides = array<i32>} : memref<50x128xf32, #tpu.memory_space<vmem>>, vector<1x16xf32>,
      %parallel_loop3A_588 = vector.shape_cast %parallel_loop3A_587 : vector<1x16xf32> to vector<16xf32>
      %parallel_loop3A_589 = arith.addf %parallel_loop3A_561, %parallel_loop3A_588 : vector<16xf32>
      %parallel_loop3A_590 = arith.index_cast %parallel_loop3A_556 : i32 to index
      %parallel_loop3A_591 = arith.constant 80 : index
      %parallel_loop3A_592 = tpu.vector_load %arg9[%parallel_loop3A_590, %parallel_loop3A_591] {strides = array<i32>} : memref<50x128xf32, #tpu.memory_space<vmem>>, vector<1x16xf32>,
      %parallel_loop3A_593 = vector.shape_cast %parallel_loop3A_592 : vector<1x16xf32> to vector<16xf32>
      %parallel_loop3A_594 = arith.addf %parallel_loop3A_562, %parallel_loop3A_593 : vector<16xf32>
      %parallel_loop3A_595 = arith.index_cast %parallel_loop3A_556 : i32 to index
      %parallel_loop3A_596 = arith.constant 96 : index
      %parallel_loop3A_597 = tpu.vector_load %arg9[%parallel_loop3A_595, %parallel_loop3A_596] {strides = array<i32>} : memref<50x128xf32, #tpu.memory_space<vmem>>, vector<1x16xf32>,
      %parallel_loop3A_598 = vector.shape_cast %parallel_loop3A_597 : vector<1x16xf32> to vector<16xf32>
      %parallel_loop3A_599 = arith.addf %parallel_loop3A_563, %parallel_loop3A_598 : vector<16xf32>
      %parallel_loop3A_600 = arith.index_cast %parallel_loop3A_556 : i32 to index
      %parallel_loop3A_601 = arith.constant 112 : index
      %parallel_loop3A_602 = tpu.vector_load %arg9[%parallel_loop3A_600, %parallel_loop3A_601] {strides = array<i32>} : memref<50x128xf32, #tpu.memory_space<vmem>>, vector<1x16xf32>,
      %parallel_loop3A_603 = vector.shape_cast %parallel_loop3A_602 : vector<1x16xf32> to vector<16xf32>
      %parallel_loop3A_604 = arith.addf %parallel_loop3A_564, %parallel_loop3A_603 : vector<16xf32>
      scf.yield %parallel_loop3A_569, %parallel_loop3A_574, %parallel_loop3A_579, %parallel_loop3A_584, %parallel_loop3A_589, %parallel_loop3A_594, %parallel_loop3A_599, %parallel_loop3A_604 : vector<16xf32>, vector<16xf32>, vector<16xf32>, vector<16xf32>, vector<16xf32>, vector<16xf32>, vector<16xf32>, vector<16xf32>
    } {sc.loop_unroll_factor = 2 : i64, sc.parallel_access}
    %swap3A_196 = arith.constant 250 : i32
    %swap3A_197 = arith.index_cast %swap3A_196 : i32 to index
    %swap3A_198 = arith.constant 0 : index
    %swap3A_199 = tpu.vector_load %arg15[%swap3A_197, %swap3A_198] {strides = array<i32>} : memref<256x128xf32, #tpu.memory_space<vmem>>, vector<1x16xf32>,
    %swap3A_200 = vector.shape_cast %swap3A_199 : vector<1x16xf32> to vector<16xf32>
    %swap3A_201 = vector.shape_cast %parallel_loop3A_195#0 : vector<16xf32> to vector<1x16xf32>
    tpu.vector_store %arg15[%swap3A_197, %swap3A_198], %swap3A_201 {strides = array<i32>} : memref<256x128xf32, #tpu.memory_space<vmem>>, vector<1x16xf32>,
    %swap3A_202 = arith.constant 250 : i32
    %swap3A_203 = arith.index_cast %swap3A_202 : i32 to index
    %swap3A_204 = arith.constant 16 : index
    %swap3A_205 = tpu.vector_load %arg15[%swap3A_203, %swap3A_204] {strides = array<i32>} : memref<256x128xf32, #tpu.memory_space<vmem>>, vector<1x16xf32>,
    %swap3A_206 = vector.shape_cast %swap3A_205 : vector<1x16xf32> to vector<16xf32>
    %swap3A_207 = vector.shape_cast %parallel_loop3A_195#1 : vector<16xf32> to vector<1x16xf32>
    tpu.vector_store %arg15[%swap3A_203, %swap3A_204], %swap3A_207 {strides = array<i32>} : memref<256x128xf32, #tpu.memory_space<vmem>>, vector<1x16xf32>,
    %swap3A_208 = arith.constant 250 : i32
    %swap3A_209 = arith.index_cast %swap3A_208 : i32 to index
    %swap3A_210 = arith.constant 32 : index
    %swap3A_211 = tpu.vector_load %arg15[%swap3A_209, %swap3A_210] {strides = array<i32>} : memref<256x128xf32, #tpu.memory_space<vmem>>, vector<1x16xf32>,
    %swap3A_212 = vector.shape_cast %swap3A_211 : vector<1x16xf32> to vector<16xf32>
    %swap3A_213 = vector.shape_cast %parallel_loop3A_195#2 : vector<16xf32> to vector<1x16xf32>
    tpu.vector_store %arg15[%swap3A_209, %swap3A_210], %swap3A_213 {strides = array<i32>} : memref<256x128xf32, #tpu.memory_space<vmem>>, vector<1x16xf32>,
    %swap3A_214 = arith.constant 250 : i32
    %swap3A_215 = arith.index_cast %swap3A_214 : i32 to index
    %swap3A_216 = arith.constant 48 : index
    %swap3A_217 = tpu.vector_load %arg15[%swap3A_215, %swap3A_216] {strides = array<i32>} : memref<256x128xf32, #tpu.memory_space<vmem>>, vector<1x16xf32>,
    %swap3A_218 = vector.shape_cast %swap3A_217 : vector<1x16xf32> to vector<16xf32>
    %swap3A_219 = vector.shape_cast %parallel_loop3A_195#3 : vector<16xf32> to vector<1x16xf32>
    tpu.vector_store %arg15[%swap3A_215, %swap3A_216], %swap3A_219 {strides = array<i32>} : memref<256x128xf32, #tpu.memory_space<vmem>>, vector<1x16xf32>,
    %swap3A_220 = arith.constant 250 : i32
    %swap3A_221 = arith.index_cast %swap3A_220 : i32 to index
    %swap3A_222 = arith.constant 64 : index
    %swap3A_223 = tpu.vector_load %arg15[%swap3A_221, %swap3A_222] {strides = array<i32>} : memref<256x128xf32, #tpu.memory_space<vmem>>, vector<1x16xf32>,
    %swap3A_224 = vector.shape_cast %swap3A_223 : vector<1x16xf32> to vector<16xf32>
    %swap3A_225 = vector.shape_cast %parallel_loop3A_195#4 : vector<16xf32> to vector<1x16xf32>
    tpu.vector_store %arg15[%swap3A_221, %swap3A_222], %swap3A_225 {strides = array<i32>} : memref<256x128xf32, #tpu.memory_space<vmem>>, vector<1x16xf32>,
    %swap3A_226 = arith.constant 250 : i32
    %swap3A_227 = arith.index_cast %swap3A_226 : i32 to index
    %swap3A_228 = arith.constant 80 : index
    %swap3A_229 = tpu.vector_load %arg15[%swap3A_227, %swap3A_228] {strides = array<i32>} : memref<256x128xf32, #tpu.memory_space<vmem>>, vector<1x16xf32>,
    %swap3A_230 = vector.shape_cast %swap3A_229 : vector<1x16xf32> to vector<16xf32>
    %swap3A_231 = vector.shape_cast %parallel_loop3A_195#5 : vector<16xf32> to vector<1x16xf32>
    tpu.vector_store %arg15[%swap3A_227, %swap3A_228], %swap3A_231 {strides = array<i32>} : memref<256x128xf32, #tpu.memory_space<vmem>>, vector<1x16xf32>,
    %swap3A_232 = arith.constant 250 : i32
    %swap3A_233 = arith.index_cast %swap3A_232 : i32 to index
    %swap3A_234 = arith.constant 96 : index
    %swap3A_235 = tpu.vector_load %arg15[%swap3A_233, %swap3A_234] {strides = array<i32>} : memref<256x128xf32, #tpu.memory_space<vmem>>, vector<1x16xf32>,
    %swap3A_236 = vector.shape_cast %swap3A_235 : vector<1x16xf32> to vector<16xf32>
    %swap3A_237 = vector.shape_cast %parallel_loop3A_195#6 : vector<16xf32> to vector<1x16xf32>
    tpu.vector_store %arg15[%swap3A_233, %swap3A_234], %swap3A_237 {strides = array<i32>} : memref<256x128xf32, #tpu.memory_space<vmem>>, vector<1x16xf32>,
    %swap3A_238 = arith.constant 250 : i32
    %swap3A_239 = arith.index_cast %swap3A_238 : i32 to index
    %swap3A_240 = arith.constant 112 : index
    %swap3A_241 = tpu.vector_load %arg15[%swap3A_239, %swap3A_240] {strides = array<i32>} : memref<256x128xf32, #tpu.memory_space<vmem>>, vector<1x16xf32>,
    %swap3A_242 = vector.shape_cast %swap3A_241 : vector<1x16xf32> to vector<16xf32>
    %swap3A_243 = vector.shape_cast %parallel_loop3A_195#7 : vector<16xf32> to vector<1x16xf32>
    tpu.vector_store %arg15[%swap3A_239, %swap3A_240], %swap3A_243 {strides = array<i32>} : memref<256x128xf32, #tpu.memory_space<vmem>>, vector<1x16xf32>,
    %dma_wait3A_244 = arith.constant 251 : i32
    %dma_wait3A_245 = arith.constant 0 : i32
    %dma_wait3A_246 = tpu.memref_slice %arg6[%dma_wait3A_244, %dma_wait3A_245] : memref<256x50xi32, #tpu.memory_space<vmem>> -> memref<1x50xi32, #tpu.memory_space<vmem>>
    %dma_wait3A_247 = tpu.memref_squeeze %dma_wait3A_246 : memref<1x50xi32, #tpu.memory_space<vmem>> -> memref<50xi32, #tpu.memory_space<vmem>>
    %dma_wait3A_248 = arith.constant 0 : i32
    %dma_wait3A_249 = arith.constant 0 : i32
    %dma_wait3A_250 = tpu.memref_slice %arg4[%dma_wait3A_248, %dma_wait3A_249] : memref<100000x128xf32, #tpu.memory_space<hbm>> -> memref<100000x128xf32, #tpu.memory_space<hbm>>
    tpu.wait_indirect_dma semaphore(%arg19 : memref<!tpu.dma_semaphore, #tpu.memory_space<semaphore_mem>>) src(%dma_wait3A_250 : memref<100000x128xf32, #tpu.memory_space<hbm>>) dst(%arg10 : memref<50x128xf32, #tpu.memory_space<vmem>>)
    %parallel_loop3A_251 = arith.constant 0 : i32
    %parallel_loop3A_252 = arith.constant 50 : i32
    %parallel_loop3A_253 = arith.constant 1 : i32
    %parallel_loop3A_254:8 = scf.for %parallel_loop3A_556 = %parallel_loop3A_251 to %parallel_loop3A_252 step %parallel_loop3A_253 iter_args(%parallel_loop3A_557 = %broadcast_in_dim3A_64, %parallel_loop3A_558 = %broadcast_in_dim3A_64, %parallel_loop3A_559 = %broadcast_in_dim3A_64, %parallel_loop3A_560 = %broadcast_in_dim3A_64, %parallel_loop3A_561 = %broadcast_in_dim3A_64, %parallel_loop3A_562 = %broadcast_in_dim3A_64, %parallel_loop3A_563 = %broadcast_in_dim3A_64, %parallel_loop3A_564 = %broadcast_in_dim3A_64) -> (vector<16xf32>, vector<16xf32>, vector<16xf32>, vector<16xf32>, vector<16xf32>, vector<16xf32>, vector<16xf32>, vector<16xf32>)  : i32 {
      %parallel_loop3A_565 = arith.index_cast %parallel_loop3A_556 : i32 to index
      %parallel_loop3A_566 = arith.constant 0 : index
      %parallel_loop3A_567 = tpu.vector_load %arg10[%parallel_loop3A_565, %parallel_loop3A_566] {strides = array<i32>} : memref<50x128xf32, #tpu.memory_space<vmem>>, vector<1x16xf32>,
      %parallel_loop3A_568 = vector.shape_cast %parallel_loop3A_567 : vector<1x16xf32> to vector<16xf32>
      %parallel_loop3A_569 = arith.addf %parallel_loop3A_557, %parallel_loop3A_568 : vector<16xf32>
      %parallel_loop3A_570 = arith.index_cast %parallel_loop3A_556 : i32 to index
      %parallel_loop3A_571 = arith.constant 16 : index
      %parallel_loop3A_572 = tpu.vector_load %arg10[%parallel_loop3A_570, %parallel_loop3A_571] {strides = array<i32>} : memref<50x128xf32, #tpu.memory_space<vmem>>, vector<1x16xf32>,
      %parallel_loop3A_573 = vector.shape_cast %parallel_loop3A_572 : vector<1x16xf32> to vector<16xf32>
      %parallel_loop3A_574 = arith.addf %parallel_loop3A_558, %parallel_loop3A_573 : vector<16xf32>
      %parallel_loop3A_575 = arith.index_cast %parallel_loop3A_556 : i32 to index
      %parallel_loop3A_576 = arith.constant 32 : index
      %parallel_loop3A_577 = tpu.vector_load %arg10[%parallel_loop3A_575, %parallel_loop3A_576] {strides = array<i32>} : memref<50x128xf32, #tpu.memory_space<vmem>>, vector<1x16xf32>,
      %parallel_loop3A_578 = vector.shape_cast %parallel_loop3A_577 : vector<1x16xf32> to vector<16xf32>
      %parallel_loop3A_579 = arith.addf %parallel_loop3A_559, %parallel_loop3A_578 : vector<16xf32>
      %parallel_loop3A_580 = arith.index_cast %parallel_loop3A_556 : i32 to index
      %parallel_loop3A_581 = arith.constant 48 : index
      %parallel_loop3A_582 = tpu.vector_load %arg10[%parallel_loop3A_580, %parallel_loop3A_581] {strides = array<i32>} : memref<50x128xf32, #tpu.memory_space<vmem>>, vector<1x16xf32>,
      %parallel_loop3A_583 = vector.shape_cast %parallel_loop3A_582 : vector<1x16xf32> to vector<16xf32>
      %parallel_loop3A_584 = arith.addf %parallel_loop3A_560, %parallel_loop3A_583 : vector<16xf32>
      %parallel_loop3A_585 = arith.index_cast %parallel_loop3A_556 : i32 to index
      %parallel_loop3A_586 = arith.constant 64 : index
      %parallel_loop3A_587 = tpu.vector_load %arg10[%parallel_loop3A_585, %parallel_loop3A_586] {strides = array<i32>} : memref<50x128xf32, #tpu.memory_space<vmem>>, vector<1x16xf32>,
      %parallel_loop3A_588 = vector.shape_cast %parallel_loop3A_587 : vector<1x16xf32> to vector<16xf32>
      %parallel_loop3A_589 = arith.addf %parallel_loop3A_561, %parallel_loop3A_588 : vector<16xf32>
      %parallel_loop3A_590 = arith.index_cast %parallel_loop3A_556 : i32 to index
      %parallel_loop3A_591 = arith.constant 80 : index
      %parallel_loop3A_592 = tpu.vector_load %arg10[%parallel_loop3A_590, %parallel_loop3A_591] {strides = array<i32>} : memref<50x128xf32, #tpu.memory_space<vmem>>, vector<1x16xf32>,
      %parallel_loop3A_593 = vector.shape_cast %parallel_loop3A_592 : vector<1x16xf32> to vector<16xf32>
      %parallel_loop3A_594 = arith.addf %parallel_loop3A_562, %parallel_loop3A_593 : vector<16xf32>
      %parallel_loop3A_595 = arith.index_cast %parallel_loop3A_556 : i32 to index
      %parallel_loop3A_596 = arith.constant 96 : index
      %parallel_loop3A_597 = tpu.vector_load %arg10[%parallel_loop3A_595, %parallel_loop3A_596] {strides = array<i32>} : memref<50x128xf32, #tpu.memory_space<vmem>>, vector<1x16xf32>,
      %parallel_loop3A_598 = vector.shape_cast %parallel_loop3A_597 : vector<1x16xf32> to vector<16xf32>
      %parallel_loop3A_599 = arith.addf %parallel_loop3A_563, %parallel_loop3A_598 : vector<16xf32>
      %parallel_loop3A_600 = arith.index_cast %parallel_loop3A_556 : i32 to index
      %parallel_loop3A_601 = arith.constant 112 : index
      %parallel_loop3A_602 = tpu.vector_load %arg10[%parallel_loop3A_600, %parallel_loop3A_601] {strides = array<i32>} : memref<50x128xf32, #tpu.memory_space<vmem>>, vector<1x16xf32>,
      %parallel_loop3A_603 = vector.shape_cast %parallel_loop3A_602 : vector<1x16xf32> to vector<16xf32>
      %parallel_loop3A_604 = arith.addf %parallel_loop3A_564, %parallel_loop3A_603 : vector<16xf32>
      scf.yield %parallel_loop3A_569, %parallel_loop3A_574, %parallel_loop3A_579, %parallel_loop3A_584, %parallel_loop3A_589, %parallel_loop3A_594, %parallel_loop3A_599, %parallel_loop3A_604 : vector<16xf32>, vector<16xf32>, vector<16xf32>, vector<16xf32>, vector<16xf32>, vector<16xf32>, vector<16xf32>, vector<16xf32>
    } {sc.loop_unroll_factor = 2 : i64, sc.parallel_access}
    %swap3A_255 = arith.constant 251 : i32
    %swap3A_256 = arith.index_cast %swap3A_255 : i32 to index
    %swap3A_257 = arith.constant 0 : index
    %swap3A_258 = tpu.vector_load %arg15[%swap3A_256, %swap3A_257] {strides = array<i32>} : memref<256x128xf32, #tpu.memory_space<vmem>>, vector<1x16xf32>,
    %swap3A_259 = vector.shape_cast %swap3A_258 : vector<1x16xf32> to vector<16xf32>
    %swap3A_260 = vector.shape_cast %parallel_loop3A_254#0 : vector<16xf32> to vector<1x16xf32>
    tpu.vector_store %arg15[%swap3A_256, %swap3A_257], %swap3A_260 {strides = array<i32>} : memref<256x128xf32, #tpu.memory_space<vmem>>, vector<1x16xf32>,
    %swap3A_261 = arith.constant 251 : i32
    %swap3A_262 = arith.index_cast %swap3A_261 : i32 to index
    %swap3A_263 = arith.constant 16 : index
    %swap3A_264 = tpu.vector_load %arg15[%swap3A_262, %swap3A_263] {strides = array<i32>} : memref<256x128xf32, #tpu.memory_space<vmem>>, vector<1x16xf32>,
    %swap3A_265 = vector.shape_cast %swap3A_264 : vector<1x16xf32> to vector<16xf32>
    %swap3A_266 = vector.shape_cast %parallel_loop3A_254#1 : vector<16xf32> to vector<1x16xf32>
    tpu.vector_store %arg15[%swap3A_262, %swap3A_263], %swap3A_266 {strides = array<i32>} : memref<256x128xf32, #tpu.memory_space<vmem>>, vector<1x16xf32>,
    %swap3A_267 = arith.constant 251 : i32
    %swap3A_268 = arith.index_cast %swap3A_267 : i32 to index
    %swap3A_269 = arith.constant 32 : index
    %swap3A_270 = tpu.vector_load %arg15[%swap3A_268, %swap3A_269] {strides = array<i32>} : memref<256x128xf32, #tpu.memory_space<vmem>>, vector<1x16xf32>,
    %swap3A_271 = vector.shape_cast %swap3A_270 : vector<1x16xf32> to vector<16xf32>
    %swap3A_272 = vector.shape_cast %parallel_loop3A_254#2 : vector<16xf32> to vector<1x16xf32>
    tpu.vector_store %arg15[%swap3A_268, %swap3A_269], %swap3A_272 {strides = array<i32>} : memref<256x128xf32, #tpu.memory_space<vmem>>, vector<1x16xf32>,
    %swap3A_273 = arith.constant 251 : i32
    %swap3A_274 = arith.index_cast %swap3A_273 : i32 to index
    %swap3A_275 = arith.constant 48 : index
    %swap3A_276 = tpu.vector_load %arg15[%swap3A_274, %swap3A_275] {strides = array<i32>} : memref<256x128xf32, #tpu.memory_space<vmem>>, vector<1x16xf32>,
    %swap3A_277 = vector.shape_cast %swap3A_276 : vector<1x16xf32> to vector<16xf32>
    %swap3A_278 = vector.shape_cast %parallel_loop3A_254#3 : vector<16xf32> to vector<1x16xf32>
    tpu.vector_store %arg15[%swap3A_274, %swap3A_275], %swap3A_278 {strides = array<i32>} : memref<256x128xf32, #tpu.memory_space<vmem>>, vector<1x16xf32>,
    %swap3A_279 = arith.constant 251 : i32
    %swap3A_280 = arith.index_cast %swap3A_279 : i32 to index
    %swap3A_281 = arith.constant 64 : index
    %swap3A_282 = tpu.vector_load %arg15[%swap3A_280, %swap3A_281] {strides = array<i32>} : memref<256x128xf32, #tpu.memory_space<vmem>>, vector<1x16xf32>,
    %swap3A_283 = vector.shape_cast %swap3A_282 : vector<1x16xf32> to vector<16xf32>
    %swap3A_284 = vector.shape_cast %parallel_loop3A_254#4 : vector<16xf32> to vector<1x16xf32>
    tpu.vector_store %arg15[%swap3A_280, %swap3A_281], %swap3A_284 {strides = array<i32>} : memref<256x128xf32, #tpu.memory_space<vmem>>, vector<1x16xf32>,
    %swap3A_285 = arith.constant 251 : i32
    %swap3A_286 = arith.index_cast %swap3A_285 : i32 to index
    %swap3A_287 = arith.constant 80 : index
    %swap3A_288 = tpu.vector_load %arg15[%swap3A_286, %swap3A_287] {strides = array<i32>} : memref<256x128xf32, #tpu.memory_space<vmem>>, vector<1x16xf32>,
    %swap3A_289 = vector.shape_cast %swap3A_288 : vector<1x16xf32> to vector<16xf32>
    %swap3A_290 = vector.shape_cast %parallel_loop3A_254#5 : vector<16xf32> to vector<1x16xf32>
    tpu.vector_store %arg15[%swap3A_286, %swap3A_287], %swap3A_290 {strides = array<i32>} : memref<256x128xf32, #tpu.memory_space<vmem>>, vector<1x16xf32>,
    %swap3A_291 = arith.constant 251 : i32
    %swap3A_292 = arith.index_cast %swap3A_291 : i32 to index
    %swap3A_293 = arith.constant 96 : index
    %swap3A_294 = tpu.vector_load %arg15[%swap3A_292, %swap3A_293] {strides = array<i32>} : memref<256x128xf32, #tpu.memory_space<vmem>>, vector<1x16xf32>,
    %swap3A_295 = vector.shape_cast %swap3A_294 : vector<1x16xf32> to vector<16xf32>
    %swap3A_296 = vector.shape_cast %parallel_loop3A_254#6 : vector<16xf32> to vector<1x16xf32>
    tpu.vector_store %arg15[%swap3A_292, %swap3A_293], %swap3A_296 {strides = array<i32>} : memref<256x128xf32, #tpu.memory_space<vmem>>, vector<1x16xf32>,
    %swap3A_297 = arith.constant 251 : i32
    %swap3A_298 = arith.index_cast %swap3A_297 : i32 to index
    %swap3A_299 = arith.constant 112 : index
    %swap3A_300 = tpu.vector_load %arg15[%swap3A_298, %swap3A_299] {strides = array<i32>} : memref<256x128xf32, #tpu.memory_space<vmem>>, vector<1x16xf32>,
    %swap3A_301 = vector.shape_cast %swap3A_300 : vector<1x16xf32> to vector<16xf32>
    %swap3A_302 = vector.shape_cast %parallel_loop3A_254#7 : vector<16xf32> to vector<1x16xf32>
    tpu.vector_store %arg15[%swap3A_298, %swap3A_299], %swap3A_302 {strides = array<i32>} : memref<256x128xf32, #tpu.memory_space<vmem>>, vector<1x16xf32>,
    %dma_wait3A_303 = arith.constant 252 : i32
    %dma_wait3A_304 = arith.constant 0 : i32
    %dma_wait3A_305 = tpu.memref_slice %arg6[%dma_wait3A_303, %dma_wait3A_304] : memref<256x50xi32, #tpu.memory_space<vmem>> -> memref<1x50xi32, #tpu.memory_space<vmem>>
    %dma_wait3A_306 = tpu.memref_squeeze %dma_wait3A_305 : memref<1x50xi32, #tpu.memory_space<vmem>> -> memref<50xi32, #tpu.memory_space<vmem>>
    %dma_wait3A_307 = arith.constant 0 : i32
    %dma_wait3A_308 = arith.constant 0 : i32
    %dma_wait3A_309 = tpu.memref_slice %arg4[%dma_wait3A_307, %dma_wait3A_308] : memref<100000x128xf32, #tpu.memory_space<hbm>> -> memref<100000x128xf32, #tpu.memory_space<hbm>>
    tpu.wait_indirect_dma semaphore(%arg20 : memref<!tpu.dma_semaphore, #tpu.memory_space<semaphore_mem>>) src(%dma_wait3A_309 : memref<100000x128xf32, #tpu.memory_space<hbm>>) dst(%arg11 : memref<50x128xf32, #tpu.memory_space<vmem>>)
    %parallel_loop3A_310 = arith.constant 0 : i32
    %parallel_loop3A_311 = arith.constant 50 : i32
    %parallel_loop3A_312 = arith.constant 1 : i32
    %parallel_loop3A_313:8 = scf.for %parallel_loop3A_556 = %parallel_loop3A_310 to %parallel_loop3A_311 step %parallel_loop3A_312 iter_args(%parallel_loop3A_557 = %broadcast_in_dim3A_64, %parallel_loop3A_558 = %broadcast_in_dim3A_64, %parallel_loop3A_559 = %broadcast_in_dim3A_64, %parallel_loop3A_560 = %broadcast_in_dim3A_64, %parallel_loop3A_561 = %broadcast_in_dim3A_64, %parallel_loop3A_562 = %broadcast_in_dim3A_64, %parallel_loop3A_563 = %broadcast_in_dim3A_64, %parallel_loop3A_564 = %broadcast_in_dim3A_64) -> (vector<16xf32>, vector<16xf32>, vector<16xf32>, vector<16xf32>, vector<16xf32>, vector<16xf32>, vector<16xf32>, vector<16xf32>)  : i32 {
      %parallel_loop3A_565 = arith.index_cast %parallel_loop3A_556 : i32 to index
      %parallel_loop3A_566 = arith.constant 0 : index
      %parallel_loop3A_567 = tpu.vector_load %arg11[%parallel_loop3A_565, %parallel_loop3A_566] {strides = array<i32>} : memref<50x128xf32, #tpu.memory_space<vmem>>, vector<1x16xf32>,
      %parallel_loop3A_568 = vector.shape_cast %parallel_loop3A_567 : vector<1x16xf32> to vector<16xf32>
      %parallel_loop3A_569 = arith.addf %parallel_loop3A_557, %parallel_loop3A_568 : vector<16xf32>
      %parallel_loop3A_570 = arith.index_cast %parallel_loop3A_556 : i32 to index
      %parallel_loop3A_571 = arith.constant 16 : index
      %parallel_loop3A_572 = tpu.vector_load %arg11[%parallel_loop3A_570, %parallel_loop3A_571] {strides = array<i32>} : memref<50x128xf32, #tpu.memory_space<vmem>>, vector<1x16xf32>,
      %parallel_loop3A_573 = vector.shape_cast %parallel_loop3A_572 : vector<1x16xf32> to vector<16xf32>
      %parallel_loop3A_574 = arith.addf %parallel_loop3A_558, %parallel_loop3A_573 : vector<16xf32>
      %parallel_loop3A_575 = arith.index_cast %parallel_loop3A_556 : i32 to index
      %parallel_loop3A_576 = arith.constant 32 : index
      %parallel_loop3A_577 = tpu.vector_load %arg11[%parallel_loop3A_575, %parallel_loop3A_576] {strides = array<i32>} : memref<50x128xf32, #tpu.memory_space<vmem>>, vector<1x16xf32>,
      %parallel_loop3A_578 = vector.shape_cast %parallel_loop3A_577 : vector<1x16xf32> to vector<16xf32>
      %parallel_loop3A_579 = arith.addf %parallel_loop3A_559, %parallel_loop3A_578 : vector<16xf32>
      %parallel_loop3A_580 = arith.index_cast %parallel_loop3A_556 : i32 to index
      %parallel_loop3A_581 = arith.constant 48 : index
      %parallel_loop3A_582 = tpu.vector_load %arg11[%parallel_loop3A_580, %parallel_loop3A_581] {strides = array<i32>} : memref<50x128xf32, #tpu.memory_space<vmem>>, vector<1x16xf32>,
      %parallel_loop3A_583 = vector.shape_cast %parallel_loop3A_582 : vector<1x16xf32> to vector<16xf32>
      %parallel_loop3A_584 = arith.addf %parallel_loop3A_560, %parallel_loop3A_583 : vector<16xf32>
      %parallel_loop3A_585 = arith.index_cast %parallel_loop3A_556 : i32 to index
      %parallel_loop3A_586 = arith.constant 64 : index
      %parallel_loop3A_587 = tpu.vector_load %arg11[%parallel_loop3A_585, %parallel_loop3A_586] {strides = array<i32>} : memref<50x128xf32, #tpu.memory_space<vmem>>, vector<1x16xf32>,
      %parallel_loop3A_588 = vector.shape_cast %parallel_loop3A_587 : vector<1x16xf32> to vector<16xf32>
      %parallel_loop3A_589 = arith.addf %parallel_loop3A_561, %parallel_loop3A_588 : vector<16xf32>
      %parallel_loop3A_590 = arith.index_cast %parallel_loop3A_556 : i32 to index
      %parallel_loop3A_591 = arith.constant 80 : index
      %parallel_loop3A_592 = tpu.vector_load %arg11[%parallel_loop3A_590, %parallel_loop3A_591] {strides = array<i32>} : memref<50x128xf32, #tpu.memory_space<vmem>>, vector<1x16xf32>,
      %parallel_loop3A_593 = vector.shape_cast %parallel_loop3A_592 : vector<1x16xf32> to vector<16xf32>
      %parallel_loop3A_594 = arith.addf %parallel_loop3A_562, %parallel_loop3A_593 : vector<16xf32>
      %parallel_loop3A_595 = arith.index_cast %parallel_loop3A_556 : i32 to index
      %parallel_loop3A_596 = arith.constant 96 : index
      %parallel_loop3A_597 = tpu.vector_load %arg11[%parallel_loop3A_595, %parallel_loop3A_596] {strides = array<i32>} : memref<50x128xf32, #tpu.memory_space<vmem>>, vector<1x16xf32>,
      %parallel_loop3A_598 = vector.shape_cast %parallel_loop3A_597 : vector<1x16xf32> to vector<16xf32>
      %parallel_loop3A_599 = arith.addf %parallel_loop3A_563, %parallel_loop3A_598 : vector<16xf32>
      %parallel_loop3A_600 = arith.index_cast %parallel_loop3A_556 : i32 to index
      %parallel_loop3A_601 = arith.constant 112 : index
      %parallel_loop3A_602 = tpu.vector_load %arg11[%parallel_loop3A_600, %parallel_loop3A_601] {strides = array<i32>} : memref<50x128xf32, #tpu.memory_space<vmem>>, vector<1x16xf32>,
      %parallel_loop3A_603 = vector.shape_cast %parallel_loop3A_602 : vector<1x16xf32> to vector<16xf32>
      %parallel_loop3A_604 = arith.addf %parallel_loop3A_564, %parallel_loop3A_603 : vector<16xf32>
      scf.yield %parallel_loop3A_569, %parallel_loop3A_574, %parallel_loop3A_579, %parallel_loop3A_584, %parallel_loop3A_589, %parallel_loop3A_594, %parallel_loop3A_599, %parallel_loop3A_604 : vector<16xf32>, vector<16xf32>, vector<16xf32>, vector<16xf32>, vector<16xf32>, vector<16xf32>, vector<16xf32>, vector<16xf32>
    } {sc.loop_unroll_factor = 2 : i64, sc.parallel_access}
    %swap3A_314 = arith.constant 252 : i32
    %swap3A_315 = arith.index_cast %swap3A_314 : i32 to index
    %swap3A_316 = arith.constant 0 : index
    %swap3A_317 = tpu.vector_load %arg15[%swap3A_315, %swap3A_316] {strides = array<i32>} : memref<256x128xf32, #tpu.memory_space<vmem>>, vector<1x16xf32>,
    %swap3A_318 = vector.shape_cast %swap3A_317 : vector<1x16xf32> to vector<16xf32>
    %swap3A_319 = vector.shape_cast %parallel_loop3A_313#0 : vector<16xf32> to vector<1x16xf32>
    tpu.vector_store %arg15[%swap3A_315, %swap3A_316], %swap3A_319 {strides = array<i32>} : memref<256x128xf32, #tpu.memory_space<vmem>>, vector<1x16xf32>,
    %swap3A_320 = arith.constant 252 : i32
    %swap3A_321 = arith.index_cast %swap3A_320 : i32 to index
    %swap3A_322 = arith.constant 16 : index
    %swap3A_323 = tpu.vector_load %arg15[%swap3A_321, %swap3A_322] {strides = array<i32>} : memref<256x128xf32, #tpu.memory_space<vmem>>, vector<1x16xf32>,
    %swap3A_324 = vector.shape_cast %swap3A_323 : vector<1x16xf32> to vector<16xf32>
    %swap3A_325 = vector.shape_cast %parallel_loop3A_313#1 : vector<16xf32> to vector<1x16xf32>
    tpu.vector_store %arg15[%swap3A_321, %swap3A_322], %swap3A_325 {strides = array<i32>} : memref<256x128xf32, #tpu.memory_space<vmem>>, vector<1x16xf32>,
    %swap3A_326 = arith.constant 252 : i32
    %swap3A_327 = arith.index_cast %swap3A_326 : i32 to index
    %swap3A_328 = arith.constant 32 : index
    %swap3A_329 = tpu.vector_load %arg15[%swap3A_327, %swap3A_328] {strides = array<i32>} : memref<256x128xf32, #tpu.memory_space<vmem>>, vector<1x16xf32>,
    %swap3A_330 = vector.shape_cast %swap3A_329 : vector<1x16xf32> to vector<16xf32>
    %swap3A_331 = vector.shape_cast %parallel_loop3A_313#2 : vector<16xf32> to vector<1x16xf32>
    tpu.vector_store %arg15[%swap3A_327, %swap3A_328], %swap3A_331 {strides = array<i32>} : memref<256x128xf32, #tpu.memory_space<vmem>>, vector<1x16xf32>,
    %swap3A_332 = arith.constant 252 : i32
    %swap3A_333 = arith.index_cast %swap3A_332 : i32 to index
    %swap3A_334 = arith.constant 48 : index
    %swap3A_335 = tpu.vector_load %arg15[%swap3A_333, %swap3A_334] {strides = array<i32>} : memref<256x128xf32, #tpu.memory_space<vmem>>, vector<1x16xf32>,
    %swap3A_336 = vector.shape_cast %swap3A_335 : vector<1x16xf32> to vector<16xf32>
    %swap3A_337 = vector.shape_cast %parallel_loop3A_313#3 : vector<16xf32> to vector<1x16xf32>
    tpu.vector_store %arg15[%swap3A_333, %swap3A_334], %swap3A_337 {strides = array<i32>} : memref<256x128xf32, #tpu.memory_space<vmem>>, vector<1x16xf32>,
    %swap3A_338 = arith.constant 252 : i32
    %swap3A_339 = arith.index_cast %swap3A_338 : i32 to index
    %swap3A_340 = arith.constant 64 : index
    %swap3A_341 = tpu.vector_load %arg15[%swap3A_339, %swap3A_340] {strides = array<i32>} : memref<256x128xf32, #tpu.memory_space<vmem>>, vector<1x16xf32>,
    %swap3A_342 = vector.shape_cast %swap3A_341 : vector<1x16xf32> to vector<16xf32>
    %swap3A_343 = vector.shape_cast %parallel_loop3A_313#4 : vector<16xf32> to vector<1x16xf32>
    tpu.vector_store %arg15[%swap3A_339, %swap3A_340], %swap3A_343 {strides = array<i32>} : memref<256x128xf32, #tpu.memory_space<vmem>>, vector<1x16xf32>,
    %swap3A_344 = arith.constant 252 : i32
    %swap3A_345 = arith.index_cast %swap3A_344 : i32 to index
    %swap3A_346 = arith.constant 80 : index
    %swap3A_347 = tpu.vector_load %arg15[%swap3A_345, %swap3A_346] {strides = array<i32>} : memref<256x128xf32, #tpu.memory_space<vmem>>, vector<1x16xf32>,
    %swap3A_348 = vector.shape_cast %swap3A_347 : vector<1x16xf32> to vector<16xf32>
    %swap3A_349 = vector.shape_cast %parallel_loop3A_313#5 : vector<16xf32> to vector<1x16xf32>
    tpu.vector_store %arg15[%swap3A_345, %swap3A_346], %swap3A_349 {strides = array<i32>} : memref<256x128xf32, #tpu.memory_space<vmem>>, vector<1x16xf32>,
    %swap3A_350 = arith.constant 252 : i32
    %swap3A_351 = arith.index_cast %swap3A_350 : i32 to index
    %swap3A_352 = arith.constant 96 : index
    %swap3A_353 = tpu.vector_load %arg15[%swap3A_351, %swap3A_352] {strides = array<i32>} : memref<256x128xf32, #tpu.memory_space<vmem>>, vector<1x16xf32>,
    %swap3A_354 = vector.shape_cast %swap3A_353 : vector<1x16xf32> to vector<16xf32>
    %swap3A_355 = vector.shape_cast %parallel_loop3A_313#6 : vector<16xf32> to vector<1x16xf32>
    tpu.vector_store %arg15[%swap3A_351, %swap3A_352], %swap3A_355 {strides = array<i32>} : memref<256x128xf32, #tpu.memory_space<vmem>>, vector<1x16xf32>,
    %swap3A_356 = arith.constant 252 : i32
    %swap3A_357 = arith.index_cast %swap3A_356 : i32 to index
    %swap3A_358 = arith.constant 112 : index
    %swap3A_359 = tpu.vector_load %arg15[%swap3A_357, %swap3A_358] {strides = array<i32>} : memref<256x128xf32, #tpu.memory_space<vmem>>, vector<1x16xf32>,
    %swap3A_360 = vector.shape_cast %swap3A_359 : vector<1x16xf32> to vector<16xf32>
    %swap3A_361 = vector.shape_cast %parallel_loop3A_313#7 : vector<16xf32> to vector<1x16xf32>
    tpu.vector_store %arg15[%swap3A_357, %swap3A_358], %swap3A_361 {strides = array<i32>} : memref<256x128xf32, #tpu.memory_space<vmem>>, vector<1x16xf32>,
    %dma_wait3A_362 = arith.constant 253 : i32
    %dma_wait3A_363 = arith.constant 0 : i32
    %dma_wait3A_364 = tpu.memref_slice %arg6[%dma_wait3A_362, %dma_wait3A_363] : memref<256x50xi32, #tpu.memory_space<vmem>> -> memref<1x50xi32, #tpu.memory_space<vmem>>
    %dma_wait3A_365 = tpu.memref_squeeze %dma_wait3A_364 : memref<1x50xi32, #tpu.memory_space<vmem>> -> memref<50xi32, #tpu.memory_space<vmem>>
    %dma_wait3A_366 = arith.constant 0 : i32
    %dma_wait3A_367 = arith.constant 0 : i32
    %dma_wait3A_368 = tpu.memref_slice %arg4[%dma_wait3A_366, %dma_wait3A_367] : memref<100000x128xf32, #tpu.memory_space<hbm>> -> memref<100000x128xf32, #tpu.memory_space<hbm>>
    tpu.wait_indirect_dma semaphore(%arg21 : memref<!tpu.dma_semaphore, #tpu.memory_space<semaphore_mem>>) src(%dma_wait3A_368 : memref<100000x128xf32, #tpu.memory_space<hbm>>) dst(%arg12 : memref<50x128xf32, #tpu.memory_space<vmem>>)
    %parallel_loop3A_369 = arith.constant 0 : i32
    %parallel_loop3A_370 = arith.constant 50 : i32
    %parallel_loop3A_371 = arith.constant 1 : i32
    %parallel_loop3A_372:8 = scf.for %parallel_loop3A_556 = %parallel_loop3A_369 to %parallel_loop3A_370 step %parallel_loop3A_371 iter_args(%parallel_loop3A_557 = %broadcast_in_dim3A_64, %parallel_loop3A_558 = %broadcast_in_dim3A_64, %parallel_loop3A_559 = %broadcast_in_dim3A_64, %parallel_loop3A_560 = %broadcast_in_dim3A_64, %parallel_loop3A_561 = %broadcast_in_dim3A_64, %parallel_loop3A_562 = %broadcast_in_dim3A_64, %parallel_loop3A_563 = %broadcast_in_dim3A_64, %parallel_loop3A_564 = %broadcast_in_dim3A_64) -> (vector<16xf32>, vector<16xf32>, vector<16xf32>, vector<16xf32>, vector<16xf32>, vector<16xf32>, vector<16xf32>, vector<16xf32>)  : i32 {
      %parallel_loop3A_565 = arith.index_cast %parallel_loop3A_556 : i32 to index
      %parallel_loop3A_566 = arith.constant 0 : index
      %parallel_loop3A_567 = tpu.vector_load %arg12[%parallel_loop3A_565, %parallel_loop3A_566] {strides = array<i32>} : memref<50x128xf32, #tpu.memory_space<vmem>>, vector<1x16xf32>,
      %parallel_loop3A_568 = vector.shape_cast %parallel_loop3A_567 : vector<1x16xf32> to vector<16xf32>
      %parallel_loop3A_569 = arith.addf %parallel_loop3A_557, %parallel_loop3A_568 : vector<16xf32>
      %parallel_loop3A_570 = arith.index_cast %parallel_loop3A_556 : i32 to index
      %parallel_loop3A_571 = arith.constant 16 : index
      %parallel_loop3A_572 = tpu.vector_load %arg12[%parallel_loop3A_570, %parallel_loop3A_571] {strides = array<i32>} : memref<50x128xf32, #tpu.memory_space<vmem>>, vector<1x16xf32>,
      %parallel_loop3A_573 = vector.shape_cast %parallel_loop3A_572 : vector<1x16xf32> to vector<16xf32>
      %parallel_loop3A_574 = arith.addf %parallel_loop3A_558, %parallel_loop3A_573 : vector<16xf32>
      %parallel_loop3A_575 = arith.index_cast %parallel_loop3A_556 : i32 to index
      %parallel_loop3A_576 = arith.constant 32 : index
      %parallel_loop3A_577 = tpu.vector_load %arg12[%parallel_loop3A_575, %parallel_loop3A_576] {strides = array<i32>} : memref<50x128xf32, #tpu.memory_space<vmem>>, vector<1x16xf32>,
      %parallel_loop3A_578 = vector.shape_cast %parallel_loop3A_577 : vector<1x16xf32> to vector<16xf32>
      %parallel_loop3A_579 = arith.addf %parallel_loop3A_559, %parallel_loop3A_578 : vector<16xf32>
      %parallel_loop3A_580 = arith.index_cast %parallel_loop3A_556 : i32 to index
      %parallel_loop3A_581 = arith.constant 48 : index
      %parallel_loop3A_582 = tpu.vector_load %arg12[%parallel_loop3A_580, %parallel_loop3A_581] {strides = array<i32>} : memref<50x128xf32, #tpu.memory_space<vmem>>, vector<1x16xf32>,
      %parallel_loop3A_583 = vector.shape_cast %parallel_loop3A_582 : vector<1x16xf32> to vector<16xf32>
      %parallel_loop3A_584 = arith.addf %parallel_loop3A_560, %parallel_loop3A_583 : vector<16xf32>
      %parallel_loop3A_585 = arith.index_cast %parallel_loop3A_556 : i32 to index
      %parallel_loop3A_586 = arith.constant 64 : index
      %parallel_loop3A_587 = tpu.vector_load %arg12[%parallel_loop3A_585, %parallel_loop3A_586] {strides = array<i32>} : memref<50x128xf32, #tpu.memory_space<vmem>>, vector<1x16xf32>,
      %parallel_loop3A_588 = vector.shape_cast %parallel_loop3A_587 : vector<1x16xf32> to vector<16xf32>
      %parallel_loop3A_589 = arith.addf %parallel_loop3A_561, %parallel_loop3A_588 : vector<16xf32>
      %parallel_loop3A_590 = arith.index_cast %parallel_loop3A_556 : i32 to index
      %parallel_loop3A_591 = arith.constant 80 : index
      %parallel_loop3A_592 = tpu.vector_load %arg12[%parallel_loop3A_590, %parallel_loop3A_591] {strides = array<i32>} : memref<50x128xf32, #tpu.memory_space<vmem>>, vector<1x16xf32>,
      %parallel_loop3A_593 = vector.shape_cast %parallel_loop3A_592 : vector<1x16xf32> to vector<16xf32>
      %parallel_loop3A_594 = arith.addf %parallel_loop3A_562, %parallel_loop3A_593 : vector<16xf32>
      %parallel_loop3A_595 = arith.index_cast %parallel_loop3A_556 : i32 to index
      %parallel_loop3A_596 = arith.constant 96 : index
      %parallel_loop3A_597 = tpu.vector_load %arg12[%parallel_loop3A_595, %parallel_loop3A_596] {strides = array<i32>} : memref<50x128xf32, #tpu.memory_space<vmem>>, vector<1x16xf32>,
      %parallel_loop3A_598 = vector.shape_cast %parallel_loop3A_597 : vector<1x16xf32> to vector<16xf32>
      %parallel_loop3A_599 = arith.addf %parallel_loop3A_563, %parallel_loop3A_598 : vector<16xf32>
      %parallel_loop3A_600 = arith.index_cast %parallel_loop3A_556 : i32 to index
      %parallel_loop3A_601 = arith.constant 112 : index
      %parallel_loop3A_602 = tpu.vector_load %arg12[%parallel_loop3A_600, %parallel_loop3A_601] {strides = array<i32>} : memref<50x128xf32, #tpu.memory_space<vmem>>, vector<1x16xf32>,
      %parallel_loop3A_603 = vector.shape_cast %parallel_loop3A_602 : vector<1x16xf32> to vector<16xf32>
      %parallel_loop3A_604 = arith.addf %parallel_loop3A_564, %parallel_loop3A_603 : vector<16xf32>
      scf.yield %parallel_loop3A_569, %parallel_loop3A_574, %parallel_loop3A_579, %parallel_loop3A_584, %parallel_loop3A_589, %parallel_loop3A_594, %parallel_loop3A_599, %parallel_loop3A_604 : vector<16xf32>, vector<16xf32>, vector<16xf32>, vector<16xf32>, vector<16xf32>, vector<16xf32>, vector<16xf32>, vector<16xf32>
    } {sc.loop_unroll_factor = 2 : i64, sc.parallel_access}
    %swap3A_373 = arith.constant 253 : i32
    %swap3A_374 = arith.index_cast %swap3A_373 : i32 to index
    %swap3A_375 = arith.constant 0 : index
    %swap3A_376 = tpu.vector_load %arg15[%swap3A_374, %swap3A_375] {strides = array<i32>} : memref<256x128xf32, #tpu.memory_space<vmem>>, vector<1x16xf32>,
    %swap3A_377 = vector.shape_cast %swap3A_376 : vector<1x16xf32> to vector<16xf32>
    %swap3A_378 = vector.shape_cast %parallel_loop3A_372#0 : vector<16xf32> to vector<1x16xf32>
    tpu.vector_store %arg15[%swap3A_374, %swap3A_375], %swap3A_378 {strides = array<i32>} : memref<256x128xf32, #tpu.memory_space<vmem>>, vector<1x16xf32>,
    %swap3A_379 = arith.constant 253 : i32
    %swap3A_380 = arith.index_cast %swap3A_379 : i32 to index
    %swap3A_381 = arith.constant 16 : index
    %swap3A_382 = tpu.vector_load %arg15[%swap3A_380, %swap3A_381] {strides = array<i32>} : memref<256x128xf32, #tpu.memory_space<vmem>>, vector<1x16xf32>,
    %swap3A_383 = vector.shape_cast %swap3A_382 : vector<1x16xf32> to vector<16xf32>
    %swap3A_384 = vector.shape_cast %parallel_loop3A_372#1 : vector<16xf32> to vector<1x16xf32>
    tpu.vector_store %arg15[%swap3A_380, %swap3A_381], %swap3A_384 {strides = array<i32>} : memref<256x128xf32, #tpu.memory_space<vmem>>, vector<1x16xf32>,
    %swap3A_385 = arith.constant 253 : i32
    %swap3A_386 = arith.index_cast %swap3A_385 : i32 to index
    %swap3A_387 = arith.constant 32 : index
    %swap3A_388 = tpu.vector_load %arg15[%swap3A_386, %swap3A_387] {strides = array<i32>} : memref<256x128xf32, #tpu.memory_space<vmem>>, vector<1x16xf32>,
    %swap3A_389 = vector.shape_cast %swap3A_388 : vector<1x16xf32> to vector<16xf32>
    %swap3A_390 = vector.shape_cast %parallel_loop3A_372#2 : vector<16xf32> to vector<1x16xf32>
    tpu.vector_store %arg15[%swap3A_386, %swap3A_387], %swap3A_390 {strides = array<i32>} : memref<256x128xf32, #tpu.memory_space<vmem>>, vector<1x16xf32>,
    %swap3A_391 = arith.constant 253 : i32
    %swap3A_392 = arith.index_cast %swap3A_391 : i32 to index
    %swap3A_393 = arith.constant 48 : index
    %swap3A_394 = tpu.vector_load %arg15[%swap3A_392, %swap3A_393] {strides = array<i32>} : memref<256x128xf32, #tpu.memory_space<vmem>>, vector<1x16xf32>,
    %swap3A_395 = vector.shape_cast %swap3A_394 : vector<1x16xf32> to vector<16xf32>
    %swap3A_396 = vector.shape_cast %parallel_loop3A_372#3 : vector<16xf32> to vector<1x16xf32>
    tpu.vector_store %arg15[%swap3A_392, %swap3A_393], %swap3A_396 {strides = array<i32>} : memref<256x128xf32, #tpu.memory_space<vmem>>, vector<1x16xf32>,
    %swap3A_397 = arith.constant 253 : i32
    %swap3A_398 = arith.index_cast %swap3A_397 : i32 to index
    %swap3A_399 = arith.constant 64 : index
    %swap3A_400 = tpu.vector_load %arg15[%swap3A_398, %swap3A_399] {strides = array<i32>} : memref<256x128xf32, #tpu.memory_space<vmem>>, vector<1x16xf32>,
    %swap3A_401 = vector.shape_cast %swap3A_400 : vector<1x16xf32> to vector<16xf32>
    %swap3A_402 = vector.shape_cast %parallel_loop3A_372#4 : vector<16xf32> to vector<1x16xf32>
    tpu.vector_store %arg15[%swap3A_398, %swap3A_399], %swap3A_402 {strides = array<i32>} : memref<256x128xf32, #tpu.memory_space<vmem>>, vector<1x16xf32>,
    %swap3A_403 = arith.constant 253 : i32
    %swap3A_404 = arith.index_cast %swap3A_403 : i32 to index
    %swap3A_405 = arith.constant 80 : index
    %swap3A_406 = tpu.vector_load %arg15[%swap3A_404, %swap3A_405] {strides = array<i32>} : memref<256x128xf32, #tpu.memory_space<vmem>>, vector<1x16xf32>,
    %swap3A_407 = vector.shape_cast %swap3A_406 : vector<1x16xf32> to vector<16xf32>
    %swap3A_408 = vector.shape_cast %parallel_loop3A_372#5 : vector<16xf32> to vector<1x16xf32>
    tpu.vector_store %arg15[%swap3A_404, %swap3A_405], %swap3A_408 {strides = array<i32>} : memref<256x128xf32, #tpu.memory_space<vmem>>, vector<1x16xf32>,
    %swap3A_409 = arith.constant 253 : i32
    %swap3A_410 = arith.index_cast %swap3A_409 : i32 to index
    %swap3A_411 = arith.constant 96 : index
    %swap3A_412 = tpu.vector_load %arg15[%swap3A_410, %swap3A_411] {strides = array<i32>} : memref<256x128xf32, #tpu.memory_space<vmem>>, vector<1x16xf32>,
    %swap3A_413 = vector.shape_cast %swap3A_412 : vector<1x16xf32> to vector<16xf32>
    %swap3A_414 = vector.shape_cast %parallel_loop3A_372#6 : vector<16xf32> to vector<1x16xf32>
    tpu.vector_store %arg15[%swap3A_410, %swap3A_411], %swap3A_414 {strides = array<i32>} : memref<256x128xf32, #tpu.memory_space<vmem>>, vector<1x16xf32>,
    %swap3A_415 = arith.constant 253 : i32
    %swap3A_416 = arith.index_cast %swap3A_415 : i32 to index
    %swap3A_417 = arith.constant 112 : index
    %swap3A_418 = tpu.vector_load %arg15[%swap3A_416, %swap3A_417] {strides = array<i32>} : memref<256x128xf32, #tpu.memory_space<vmem>>, vector<1x16xf32>,
    %swap3A_419 = vector.shape_cast %swap3A_418 : vector<1x16xf32> to vector<16xf32>
    %swap3A_420 = vector.shape_cast %parallel_loop3A_372#7 : vector<16xf32> to vector<1x16xf32>
    tpu.vector_store %arg15[%swap3A_416, %swap3A_417], %swap3A_420 {strides = array<i32>} : memref<256x128xf32, #tpu.memory_space<vmem>>, vector<1x16xf32>,
    %dma_wait3A_421 = arith.constant 254 : i32
    %dma_wait3A_422 = arith.constant 0 : i32
    %dma_wait3A_423 = tpu.memref_slice %arg6[%dma_wait3A_421, %dma_wait3A_422] : memref<256x50xi32, #tpu.memory_space<vmem>> -> memref<1x50xi32, #tpu.memory_space<vmem>>
    %dma_wait3A_424 = tpu.memref_squeeze %dma_wait3A_423 : memref<1x50xi32, #tpu.memory_space<vmem>> -> memref<50xi32, #tpu.memory_space<vmem>>
    %dma_wait3A_425 = arith.constant 0 : i32
    %dma_wait3A_426 = arith.constant 0 : i32
    %dma_wait3A_427 = tpu.memref_slice %arg4[%dma_wait3A_425, %dma_wait3A_426] : memref<100000x128xf32, #tpu.memory_space<hbm>> -> memref<100000x128xf32, #tpu.memory_space<hbm>>
    tpu.wait_indirect_dma semaphore(%arg22 : memref<!tpu.dma_semaphore, #tpu.memory_space<semaphore_mem>>) src(%dma_wait3A_427 : memref<100000x128xf32, #tpu.memory_space<hbm>>) dst(%arg13 : memref<50x128xf32, #tpu.memory_space<vmem>>)
    %parallel_loop3A_428 = arith.constant 0 : i32
    %parallel_loop3A_429 = arith.constant 50 : i32
    %parallel_loop3A_430 = arith.constant 1 : i32
    %parallel_loop3A_431:8 = scf.for %parallel_loop3A_556 = %parallel_loop3A_428 to %parallel_loop3A_429 step %parallel_loop3A_430 iter_args(%parallel_loop3A_557 = %broadcast_in_dim3A_64, %parallel_loop3A_558 = %broadcast_in_dim3A_64, %parallel_loop3A_559 = %broadcast_in_dim3A_64, %parallel_loop3A_560 = %broadcast_in_dim3A_64, %parallel_loop3A_561 = %broadcast_in_dim3A_64, %parallel_loop3A_562 = %broadcast_in_dim3A_64, %parallel_loop3A_563 = %broadcast_in_dim3A_64, %parallel_loop3A_564 = %broadcast_in_dim3A_64) -> (vector<16xf32>, vector<16xf32>, vector<16xf32>, vector<16xf32>, vector<16xf32>, vector<16xf32>, vector<16xf32>, vector<16xf32>)  : i32 {
      %parallel_loop3A_565 = arith.index_cast %parallel_loop3A_556 : i32 to index
      %parallel_loop3A_566 = arith.constant 0 : index
      %parallel_loop3A_567 = tpu.vector_load %arg13[%parallel_loop3A_565, %parallel_loop3A_566] {strides = array<i32>} : memref<50x128xf32, #tpu.memory_space<vmem>>, vector<1x16xf32>,
      %parallel_loop3A_568 = vector.shape_cast %parallel_loop3A_567 : vector<1x16xf32> to vector<16xf32>
      %parallel_loop3A_569 = arith.addf %parallel_loop3A_557, %parallel_loop3A_568 : vector<16xf32>
      %parallel_loop3A_570 = arith.index_cast %parallel_loop3A_556 : i32 to index
      %parallel_loop3A_571 = arith.constant 16 : index
      %parallel_loop3A_572 = tpu.vector_load %arg13[%parallel_loop3A_570, %parallel_loop3A_571] {strides = array<i32>} : memref<50x128xf32, #tpu.memory_space<vmem>>, vector<1x16xf32>,
      %parallel_loop3A_573 = vector.shape_cast %parallel_loop3A_572 : vector<1x16xf32> to vector<16xf32>
      %parallel_loop3A_574 = arith.addf %parallel_loop3A_558, %parallel_loop3A_573 : vector<16xf32>
      %parallel_loop3A_575 = arith.index_cast %parallel_loop3A_556 : i32 to index
      %parallel_loop3A_576 = arith.constant 32 : index
      %parallel_loop3A_577 = tpu.vector_load %arg13[%parallel_loop3A_575, %parallel_loop3A_576] {strides = array<i32>} : memref<50x128xf32, #tpu.memory_space<vmem>>, vector<1x16xf32>,
      %parallel_loop3A_578 = vector.shape_cast %parallel_loop3A_577 : vector<1x16xf32> to vector<16xf32>
      %parallel_loop3A_579 = arith.addf %parallel_loop3A_559, %parallel_loop3A_578 : vector<16xf32>
      %parallel_loop3A_580 = arith.index_cast %parallel_loop3A_556 : i32 to index
      %parallel_loop3A_581 = arith.constant 48 : index
      %parallel_loop3A_582 = tpu.vector_load %arg13[%parallel_loop3A_580, %parallel_loop3A_581] {strides = array<i32>} : memref<50x128xf32, #tpu.memory_space<vmem>>, vector<1x16xf32>,
      %parallel_loop3A_583 = vector.shape_cast %parallel_loop3A_582 : vector<1x16xf32> to vector<16xf32>
      %parallel_loop3A_584 = arith.addf %parallel_loop3A_560, %parallel_loop3A_583 : vector<16xf32>
      %parallel_loop3A_585 = arith.index_cast %parallel_loop3A_556 : i32 to index
      %parallel_loop3A_586 = arith.constant 64 : index
      %parallel_loop3A_587 = tpu.vector_load %arg13[%parallel_loop3A_585, %parallel_loop3A_586] {strides = array<i32>} : memref<50x128xf32, #tpu.memory_space<vmem>>, vector<1x16xf32>,
      %parallel_loop3A_588 = vector.shape_cast %parallel_loop3A_587 : vector<1x16xf32> to vector<16xf32>
      %parallel_loop3A_589 = arith.addf %parallel_loop3A_561, %parallel_loop3A_588 : vector<16xf32>
      %parallel_loop3A_590 = arith.index_cast %parallel_loop3A_556 : i32 to index
      %parallel_loop3A_591 = arith.constant 80 : index
      %parallel_loop3A_592 = tpu.vector_load %arg13[%parallel_loop3A_590, %parallel_loop3A_591] {strides = array<i32>} : memref<50x128xf32, #tpu.memory_space<vmem>>, vector<1x16xf32>,
      %parallel_loop3A_593 = vector.shape_cast %parallel_loop3A_592 : vector<1x16xf32> to vector<16xf32>
      %parallel_loop3A_594 = arith.addf %parallel_loop3A_562, %parallel_loop3A_593 : vector<16xf32>
      %parallel_loop3A_595 = arith.index_cast %parallel_loop3A_556 : i32 to index
      %parallel_loop3A_596 = arith.constant 96 : index
      %parallel_loop3A_597 = tpu.vector_load %arg13[%parallel_loop3A_595, %parallel_loop3A_596] {strides = array<i32>} : memref<50x128xf32, #tpu.memory_space<vmem>>, vector<1x16xf32>,
      %parallel_loop3A_598 = vector.shape_cast %parallel_loop3A_597 : vector<1x16xf32> to vector<16xf32>
      %parallel_loop3A_599 = arith.addf %parallel_loop3A_563, %parallel_loop3A_598 : vector<16xf32>
      %parallel_loop3A_600 = arith.index_cast %parallel_loop3A_556 : i32 to index
      %parallel_loop3A_601 = arith.constant 112 : index
      %parallel_loop3A_602 = tpu.vector_load %arg13[%parallel_loop3A_600, %parallel_loop3A_601] {strides = array<i32>} : memref<50x128xf32, #tpu.memory_space<vmem>>, vector<1x16xf32>,
      %parallel_loop3A_603 = vector.shape_cast %parallel_loop3A_602 : vector<1x16xf32> to vector<16xf32>
      %parallel_loop3A_604 = arith.addf %parallel_loop3A_564, %parallel_loop3A_603 : vector<16xf32>
      scf.yield %parallel_loop3A_569, %parallel_loop3A_574, %parallel_loop3A_579, %parallel_loop3A_584, %parallel_loop3A_589, %parallel_loop3A_594, %parallel_loop3A_599, %parallel_loop3A_604 : vector<16xf32>, vector<16xf32>, vector<16xf32>, vector<16xf32>, vector<16xf32>, vector<16xf32>, vector<16xf32>, vector<16xf32>
    } {sc.loop_unroll_factor = 2 : i64, sc.parallel_access}
    %swap3A_432 = arith.constant 254 : i32
    %swap3A_433 = arith.index_cast %swap3A_432 : i32 to index
    %swap3A_434 = arith.constant 0 : index
    %swap3A_435 = tpu.vector_load %arg15[%swap3A_433, %swap3A_434] {strides = array<i32>} : memref<256x128xf32, #tpu.memory_space<vmem>>, vector<1x16xf32>,
    %swap3A_436 = vector.shape_cast %swap3A_435 : vector<1x16xf32> to vector<16xf32>
    %swap3A_437 = vector.shape_cast %parallel_loop3A_431#0 : vector<16xf32> to vector<1x16xf32>
    tpu.vector_store %arg15[%swap3A_433, %swap3A_434], %swap3A_437 {strides = array<i32>} : memref<256x128xf32, #tpu.memory_space<vmem>>, vector<1x16xf32>,
    %swap3A_438 = arith.constant 254 : i32
    %swap3A_439 = arith.index_cast %swap3A_438 : i32 to index
    %swap3A_440 = arith.constant 16 : index
    %swap3A_441 = tpu.vector_load %arg15[%swap3A_439, %swap3A_440] {strides = array<i32>} : memref<256x128xf32, #tpu.memory_space<vmem>>, vector<1x16xf32>,
    %swap3A_442 = vector.shape_cast %swap3A_441 : vector<1x16xf32> to vector<16xf32>
    %swap3A_443 = vector.shape_cast %parallel_loop3A_431#1 : vector<16xf32> to vector<1x16xf32>
    tpu.vector_store %arg15[%swap3A_439, %swap3A_440], %swap3A_443 {strides = array<i32>} : memref<256x128xf32, #tpu.memory_space<vmem>>, vector<1x16xf32>,
    %swap3A_444 = arith.constant 254 : i32
    %swap3A_445 = arith.index_cast %swap3A_444 : i32 to index
    %swap3A_446 = arith.constant 32 : index
    %swap3A_447 = tpu.vector_load %arg15[%swap3A_445, %swap3A_446] {strides = array<i32>} : memref<256x128xf32, #tpu.memory_space<vmem>>, vector<1x16xf32>,
    %swap3A_448 = vector.shape_cast %swap3A_447 : vector<1x16xf32> to vector<16xf32>
    %swap3A_449 = vector.shape_cast %parallel_loop3A_431#2 : vector<16xf32> to vector<1x16xf32>
    tpu.vector_store %arg15[%swap3A_445, %swap3A_446], %swap3A_449 {strides = array<i32>} : memref<256x128xf32, #tpu.memory_space<vmem>>, vector<1x16xf32>,
    %swap3A_450 = arith.constant 254 : i32
    %swap3A_451 = arith.index_cast %swap3A_450 : i32 to index
    %swap3A_452 = arith.constant 48 : index
    %swap3A_453 = tpu.vector_load %arg15[%swap3A_451, %swap3A_452] {strides = array<i32>} : memref<256x128xf32, #tpu.memory_space<vmem>>, vector<1x16xf32>,
    %swap3A_454 = vector.shape_cast %swap3A_453 : vector<1x16xf32> to vector<16xf32>
    %swap3A_455 = vector.shape_cast %parallel_loop3A_431#3 : vector<16xf32> to vector<1x16xf32>
    tpu.vector_store %arg15[%swap3A_451, %swap3A_452], %swap3A_455 {strides = array<i32>} : memref<256x128xf32, #tpu.memory_space<vmem>>, vector<1x16xf32>,
    %swap3A_456 = arith.constant 254 : i32
    %swap3A_457 = arith.index_cast %swap3A_456 : i32 to index
    %swap3A_458 = arith.constant 64 : index
    %swap3A_459 = tpu.vector_load %arg15[%swap3A_457, %swap3A_458] {strides = array<i32>} : memref<256x128xf32, #tpu.memory_space<vmem>>, vector<1x16xf32>,
    %swap3A_460 = vector.shape_cast %swap3A_459 : vector<1x16xf32> to vector<16xf32>
    %swap3A_461 = vector.shape_cast %parallel_loop3A_431#4 : vector<16xf32> to vector<1x16xf32>
    tpu.vector_store %arg15[%swap3A_457, %swap3A_458], %swap3A_461 {strides = array<i32>} : memref<256x128xf32, #tpu.memory_space<vmem>>, vector<1x16xf32>,
    %swap3A_462 = arith.constant 254 : i32
    %swap3A_463 = arith.index_cast %swap3A_462 : i32 to index
    %swap3A_464 = arith.constant 80 : index
    %swap3A_465 = tpu.vector_load %arg15[%swap3A_463, %swap3A_464] {strides = array<i32>} : memref<256x128xf32, #tpu.memory_space<vmem>>, vector<1x16xf32>,
    %swap3A_466 = vector.shape_cast %swap3A_465 : vector<1x16xf32> to vector<16xf32>
    %swap3A_467 = vector.shape_cast %parallel_loop3A_431#5 : vector<16xf32> to vector<1x16xf32>
    tpu.vector_store %arg15[%swap3A_463, %swap3A_464], %swap3A_467 {strides = array<i32>} : memref<256x128xf32, #tpu.memory_space<vmem>>, vector<1x16xf32>,
    %swap3A_468 = arith.constant 254 : i32
    %swap3A_469 = arith.index_cast %swap3A_468 : i32 to index
    %swap3A_470 = arith.constant 96 : index
    %swap3A_471 = tpu.vector_load %arg15[%swap3A_469, %swap3A_470] {strides = array<i32>} : memref<256x128xf32, #tpu.memory_space<vmem>>, vector<1x16xf32>,
    %swap3A_472 = vector.shape_cast %swap3A_471 : vector<1x16xf32> to vector<16xf32>
    %swap3A_473 = vector.shape_cast %parallel_loop3A_431#6 : vector<16xf32> to vector<1x16xf32>
    tpu.vector_store %arg15[%swap3A_469, %swap3A_470], %swap3A_473 {strides = array<i32>} : memref<256x128xf32, #tpu.memory_space<vmem>>, vector<1x16xf32>,
    %swap3A_474 = arith.constant 254 : i32
    %swap3A_475 = arith.index_cast %swap3A_474 : i32 to index
    %swap3A_476 = arith.constant 112 : index
    %swap3A_477 = tpu.vector_load %arg15[%swap3A_475, %swap3A_476] {strides = array<i32>} : memref<256x128xf32, #tpu.memory_space<vmem>>, vector<1x16xf32>,
    %swap3A_478 = vector.shape_cast %swap3A_477 : vector<1x16xf32> to vector<16xf32>
    %swap3A_479 = vector.shape_cast %parallel_loop3A_431#7 : vector<16xf32> to vector<1x16xf32>
    tpu.vector_store %arg15[%swap3A_475, %swap3A_476], %swap3A_479 {strides = array<i32>} : memref<256x128xf32, #tpu.memory_space<vmem>>, vector<1x16xf32>,
    %dma_wait3A_480 = arith.constant 255 : i32
    %dma_wait3A_481 = arith.constant 0 : i32
    %dma_wait3A_482 = tpu.memref_slice %arg6[%dma_wait3A_480, %dma_wait3A_481] : memref<256x50xi32, #tpu.memory_space<vmem>> -> memref<1x50xi32, #tpu.memory_space<vmem>>
    %dma_wait3A_483 = tpu.memref_squeeze %dma_wait3A_482 : memref<1x50xi32, #tpu.memory_space<vmem>> -> memref<50xi32, #tpu.memory_space<vmem>>
    %dma_wait3A_484 = arith.constant 0 : i32
    %dma_wait3A_485 = arith.constant 0 : i32
    %dma_wait3A_486 = tpu.memref_slice %arg4[%dma_wait3A_484, %dma_wait3A_485] : memref<100000x128xf32, #tpu.memory_space<hbm>> -> memref<100000x128xf32, #tpu.memory_space<hbm>>
    tpu.wait_indirect_dma semaphore(%arg23 : memref<!tpu.dma_semaphore, #tpu.memory_space<semaphore_mem>>) src(%dma_wait3A_486 : memref<100000x128xf32, #tpu.memory_space<hbm>>) dst(%arg14 : memref<50x128xf32, #tpu.memory_space<vmem>>)
    %parallel_loop3A_487 = arith.constant 0 : i32
    %parallel_loop3A_488 = arith.constant 50 : i32
    %parallel_loop3A_489 = arith.constant 1 : i32
    %parallel_loop3A_490:8 = scf.for %parallel_loop3A_556 = %parallel_loop3A_487 to %parallel_loop3A_488 step %parallel_loop3A_489 iter_args(%parallel_loop3A_557 = %broadcast_in_dim3A_64, %parallel_loop3A_558 = %broadcast_in_dim3A_64, %parallel_loop3A_559 = %broadcast_in_dim3A_64, %parallel_loop3A_560 = %broadcast_in_dim3A_64, %parallel_loop3A_561 = %broadcast_in_dim3A_64, %parallel_loop3A_562 = %broadcast_in_dim3A_64, %parallel_loop3A_563 = %broadcast_in_dim3A_64, %parallel_loop3A_564 = %broadcast_in_dim3A_64) -> (vector<16xf32>, vector<16xf32>, vector<16xf32>, vector<16xf32>, vector<16xf32>, vector<16xf32>, vector<16xf32>, vector<16xf32>)  : i32 {
      %parallel_loop3A_565 = arith.index_cast %parallel_loop3A_556 : i32 to index
      %parallel_loop3A_566 = arith.constant 0 : index
      %parallel_loop3A_567 = tpu.vector_load %arg14[%parallel_loop3A_565, %parallel_loop3A_566] {strides = array<i32>} : memref<50x128xf32, #tpu.memory_space<vmem>>, vector<1x16xf32>,
      %parallel_loop3A_568 = vector.shape_cast %parallel_loop3A_567 : vector<1x16xf32> to vector<16xf32>
      %parallel_loop3A_569 = arith.addf %parallel_loop3A_557, %parallel_loop3A_568 : vector<16xf32>
      %parallel_loop3A_570 = arith.index_cast %parallel_loop3A_556 : i32 to index
      %parallel_loop3A_571 = arith.constant 16 : index
      %parallel_loop3A_572 = tpu.vector_load %arg14[%parallel_loop3A_570, %parallel_loop3A_571] {strides = array<i32>} : memref<50x128xf32, #tpu.memory_space<vmem>>, vector<1x16xf32>,
      %parallel_loop3A_573 = vector.shape_cast %parallel_loop3A_572 : vector<1x16xf32> to vector<16xf32>
      %parallel_loop3A_574 = arith.addf %parallel_loop3A_558, %parallel_loop3A_573 : vector<16xf32>
      %parallel_loop3A_575 = arith.index_cast %parallel_loop3A_556 : i32 to index
      %parallel_loop3A_576 = arith.constant 32 : index
      %parallel_loop3A_577 = tpu.vector_load %arg14[%parallel_loop3A_575, %parallel_loop3A_576] {strides = array<i32>} : memref<50x128xf32, #tpu.memory_space<vmem>>, vector<1x16xf32>,
      %parallel_loop3A_578 = vector.shape_cast %parallel_loop3A_577 : vector<1x16xf32> to vector<16xf32>
      %parallel_loop3A_579 = arith.addf %parallel_loop3A_559, %parallel_loop3A_578 : vector<16xf32>
      %parallel_loop3A_580 = arith.index_cast %parallel_loop3A_556 : i32 to index
      %parallel_loop3A_581 = arith.constant 48 : index
      %parallel_loop3A_582 = tpu.vector_load %arg14[%parallel_loop3A_580, %parallel_loop3A_581] {strides = array<i32>} : memref<50x128xf32, #tpu.memory_space<vmem>>, vector<1x16xf32>,
      %parallel_loop3A_583 = vector.shape_cast %parallel_loop3A_582 : vector<1x16xf32> to vector<16xf32>
      %parallel_loop3A_584 = arith.addf %parallel_loop3A_560, %parallel_loop3A_583 : vector<16xf32>
      %parallel_loop3A_585 = arith.index_cast %parallel_loop3A_556 : i32 to index
      %parallel_loop3A_586 = arith.constant 64 : index
      %parallel_loop3A_587 = tpu.vector_load %arg14[%parallel_loop3A_585, %parallel_loop3A_586] {strides = array<i32>} : memref<50x128xf32, #tpu.memory_space<vmem>>, vector<1x16xf32>,
      %parallel_loop3A_588 = vector.shape_cast %parallel_loop3A_587 : vector<1x16xf32> to vector<16xf32>
      %parallel_loop3A_589 = arith.addf %parallel_loop3A_561, %parallel_loop3A_588 : vector<16xf32>
      %parallel_loop3A_590 = arith.index_cast %parallel_loop3A_556 : i32 to index
      %parallel_loop3A_591 = arith.constant 80 : index
      %parallel_loop3A_592 = tpu.vector_load %arg14[%parallel_loop3A_590, %parallel_loop3A_591] {strides = array<i32>} : memref<50x128xf32, #tpu.memory_space<vmem>>, vector<1x16xf32>,
      %parallel_loop3A_593 = vector.shape_cast %parallel_loop3A_592 : vector<1x16xf32> to vector<16xf32>
      %parallel_loop3A_594 = arith.addf %parallel_loop3A_562, %parallel_loop3A_593 : vector<16xf32>
      %parallel_loop3A_595 = arith.index_cast %parallel_loop3A_556 : i32 to index
      %parallel_loop3A_596 = arith.constant 96 : index
      %parallel_loop3A_597 = tpu.vector_load %arg14[%parallel_loop3A_595, %parallel_loop3A_596] {strides = array<i32>} : memref<50x128xf32, #tpu.memory_space<vmem>>, vector<1x16xf32>,
      %parallel_loop3A_598 = vector.shape_cast %parallel_loop3A_597 : vector<1x16xf32> to vector<16xf32>
      %parallel_loop3A_599 = arith.addf %parallel_loop3A_563, %parallel_loop3A_598 : vector<16xf32>
      %parallel_loop3A_600 = arith.index_cast %parallel_loop3A_556 : i32 to index
      %parallel_loop3A_601 = arith.constant 112 : index
      %parallel_loop3A_602 = tpu.vector_load %arg14[%parallel_loop3A_600, %parallel_loop3A_601] {strides = array<i32>} : memref<50x128xf32, #tpu.memory_space<vmem>>, vector<1x16xf32>,
      %parallel_loop3A_603 = vector.shape_cast %parallel_loop3A_602 : vector<1x16xf32> to vector<16xf32>
      %parallel_loop3A_604 = arith.addf %parallel_loop3A_564, %parallel_loop3A_603 : vector<16xf32>
      scf.yield %parallel_loop3A_569, %parallel_loop3A_574, %parallel_loop3A_579, %parallel_loop3A_584, %parallel_loop3A_589, %parallel_loop3A_594, %parallel_loop3A_599, %parallel_loop3A_604 : vector<16xf32>, vector<16xf32>, vector<16xf32>, vector<16xf32>, vector<16xf32>, vector<16xf32>, vector<16xf32>, vector<16xf32>
    } {sc.loop_unroll_factor = 2 : i64, sc.parallel_access}
    %swap3A_491 = arith.constant 255 : i32
    %swap3A_492 = arith.index_cast %swap3A_491 : i32 to index
    %swap3A_493 = arith.constant 0 : index
    %swap3A_494 = tpu.vector_load %arg15[%swap3A_492, %swap3A_493] {strides = array<i32>} : memref<256x128xf32, #tpu.memory_space<vmem>>, vector<1x16xf32>,
    %swap3A_495 = vector.shape_cast %swap3A_494 : vector<1x16xf32> to vector<16xf32>
    %swap3A_496 = vector.shape_cast %parallel_loop3A_490#0 : vector<16xf32> to vector<1x16xf32>
    tpu.vector_store %arg15[%swap3A_492, %swap3A_493], %swap3A_496 {strides = array<i32>} : memref<256x128xf32, #tpu.memory_space<vmem>>, vector<1x16xf32>,
    %swap3A_497 = arith.constant 255 : i32
    %swap3A_498 = arith.index_cast %swap3A_497 : i32 to index
    %swap3A_499 = arith.constant 16 : index
    %swap3A_500 = tpu.vector_load %arg15[%swap3A_498, %swap3A_499] {strides = array<i32>} : memref<256x128xf32, #tpu.memory_space<vmem>>, vector<1x16xf32>,
    %swap3A_501 = vector.shape_cast %swap3A_500 : vector<1x16xf32> to vector<16xf32>
    %swap3A_502 = vector.shape_cast %parallel_loop3A_490#1 : vector<16xf32> to vector<1x16xf32>
    tpu.vector_store %arg15[%swap3A_498, %swap3A_499], %swap3A_502 {strides = array<i32>} : memref<256x128xf32, #tpu.memory_space<vmem>>, vector<1x16xf32>,
    %swap3A_503 = arith.constant 255 : i32
    %swap3A_504 = arith.index_cast %swap3A_503 : i32 to index
    %swap3A_505 = arith.constant 32 : index
    %swap3A_506 = tpu.vector_load %arg15[%swap3A_504, %swap3A_505] {strides = array<i32>} : memref<256x128xf32, #tpu.memory_space<vmem>>, vector<1x16xf32>,
    %swap3A_507 = vector.shape_cast %swap3A_506 : vector<1x16xf32> to vector<16xf32>
    %swap3A_508 = vector.shape_cast %parallel_loop3A_490#2 : vector<16xf32> to vector<1x16xf32>
    tpu.vector_store %arg15[%swap3A_504, %swap3A_505], %swap3A_508 {strides = array<i32>} : memref<256x128xf32, #tpu.memory_space<vmem>>, vector<1x16xf32>,
    %swap3A_509 = arith.constant 255 : i32
    %swap3A_510 = arith.index_cast %swap3A_509 : i32 to index
    %swap3A_511 = arith.constant 48 : index
    %swap3A_512 = tpu.vector_load %arg15[%swap3A_510, %swap3A_511] {strides = array<i32>} : memref<256x128xf32, #tpu.memory_space<vmem>>, vector<1x16xf32>,
    %swap3A_513 = vector.shape_cast %swap3A_512 : vector<1x16xf32> to vector<16xf32>
    %swap3A_514 = vector.shape_cast %parallel_loop3A_490#3 : vector<16xf32> to vector<1x16xf32>
    tpu.vector_store %arg15[%swap3A_510, %swap3A_511], %swap3A_514 {strides = array<i32>} : memref<256x128xf32, #tpu.memory_space<vmem>>, vector<1x16xf32>,
    %swap3A_515 = arith.constant 255 : i32
    %swap3A_516 = arith.index_cast %swap3A_515 : i32 to index
    %swap3A_517 = arith.constant 64 : index
    %swap3A_518 = tpu.vector_load %arg15[%swap3A_516, %swap3A_517] {strides = array<i32>} : memref<256x128xf32, #tpu.memory_space<vmem>>, vector<1x16xf32>,
    %swap3A_519 = vector.shape_cast %swap3A_518 : vector<1x16xf32> to vector<16xf32>
    %swap3A_520 = vector.shape_cast %parallel_loop3A_490#4 : vector<16xf32> to vector<1x16xf32>
    tpu.vector_store %arg15[%swap3A_516, %swap3A_517], %swap3A_520 {strides = array<i32>} : memref<256x128xf32, #tpu.memory_space<vmem>>, vector<1x16xf32>,
    %swap3A_521 = arith.constant 255 : i32
    %swap3A_522 = arith.index_cast %swap3A_521 : i32 to index
    %swap3A_523 = arith.constant 80 : index
    %swap3A_524 = tpu.vector_load %arg15[%swap3A_522, %swap3A_523] {strides = array<i32>} : memref<256x128xf32, #tpu.memory_space<vmem>>, vector<1x16xf32>,
    %swap3A_525 = vector.shape_cast %swap3A_524 : vector<1x16xf32> to vector<16xf32>
    %swap3A_526 = vector.shape_cast %parallel_loop3A_490#5 : vector<16xf32> to vector<1x16xf32>
    tpu.vector_store %arg15[%swap3A_522, %swap3A_523], %swap3A_526 {strides = array<i32>} : memref<256x128xf32, #tpu.memory_space<vmem>>, vector<1x16xf32>,
    %swap3A_527 = arith.constant 255 : i32
    %swap3A_528 = arith.index_cast %swap3A_527 : i32 to index
    %swap3A_529 = arith.constant 96 : index
    %swap3A_530 = tpu.vector_load %arg15[%swap3A_528, %swap3A_529] {strides = array<i32>} : memref<256x128xf32, #tpu.memory_space<vmem>>, vector<1x16xf32>,
    %swap3A_531 = vector.shape_cast %swap3A_530 : vector<1x16xf32> to vector<16xf32>
    %swap3A_532 = vector.shape_cast %parallel_loop3A_490#6 : vector<16xf32> to vector<1x16xf32>
    tpu.vector_store %arg15[%swap3A_528, %swap3A_529], %swap3A_532 {strides = array<i32>} : memref<256x128xf32, #tpu.memory_space<vmem>>, vector<1x16xf32>,
    %swap3A_533 = arith.constant 255 : i32
    %swap3A_534 = arith.index_cast %swap3A_533 : i32 to index
    %swap3A_535 = arith.constant 112 : index
    %swap3A_536 = tpu.vector_load %arg15[%swap3A_534, %swap3A_535] {strides = array<i32>} : memref<256x128xf32, #tpu.memory_space<vmem>>, vector<1x16xf32>,
    %swap3A_537 = vector.shape_cast %swap3A_536 : vector<1x16xf32> to vector<16xf32>
    %swap3A_538 = vector.shape_cast %parallel_loop3A_490#7 : vector<16xf32> to vector<1x16xf32>
    tpu.vector_store %arg15[%swap3A_534, %swap3A_535], %swap3A_538 {strides = array<i32>} : memref<256x128xf32, #tpu.memory_space<vmem>>, vector<1x16xf32>,
    %add3A_539 = arith.constant 256 : i32
    %add3A_540 = arith.addi %mul3A_2, %add3A_539 : i32
    %sub3A = arith.constant 8 : i32
    %sub3A_541 = arith.subi %add3A_540, %sub3A : i32
    %dma_start3A_542 = arith.constant 248 : i32
    %dma_start3A_543 = arith.constant 0 : i32
    %dma_start3A_544 = tpu.memref_slice %arg15[%dma_start3A_542, %dma_start3A_543] : memref<256x128xf32, #tpu.memory_space<vmem>> -> memref<8x128xf32, #tpu.memory_space<vmem>>
    %dma_start3A_545 = arith.constant 0 : i32
    %dma_start3A_546 = tpu.memref_slice %arg5[%sub3A_541, %dma_start3A_545] : memref<8192x128xf32, #tpu.memory_space<hbm>> -> memref<8x128xf32, #tpu.memory_space<hbm>>
    %dma_start3A_547 = arith.constant 0 : i32
    %dma_start3A_548 = tpu.memref_slice %arg5[%sub3A_541, %dma_start3A_547] : memref<8192x128xf32, #tpu.memory_space<hbm>> -> memref<8x128xf32, #tpu.memory_space<hbm>>
    %dma_start3A_549 = arith.constant 248 : i32
    %dma_start3A_550 = arith.constant 0 : i32
    %dma_start3A_551 = tpu.memref_slice %arg15[%dma_start3A_549, %dma_start3A_550] : memref<256x128xf32, #tpu.memory_space<vmem>> -> memref<8x128xf32, #tpu.memory_space<vmem>>
    tpu.enqueue_dma source(%dma_start3A_551 : memref<8x128xf32, #tpu.memory_space<vmem>>) target(%dma_start3A_548 : memref<8x128xf32, #tpu.memory_space<hbm>>) target_semaphore(%arg24 : memref<!tpu.dma_semaphore, #tpu.memory_space<semaphore_mem>>)
    %dma_wait3A_552 = arith.constant 0 : i32
    %dma_wait3A_553 = tpu.memref_slice %arg5[%mul3A_2, %dma_wait3A_552] : memref<8192x128xf32, #tpu.memory_space<hbm>> -> memref<256x128xf32, #tpu.memory_space<hbm>>
    %dma_wait3A_554 = arith.constant 0 : i32
    %dma_wait3A_555 = tpu.memref_slice %arg5[%mul3A_2, %dma_wait3A_554] : memref<8192x128xf32, #tpu.memory_space<hbm>> -> memref<256x128xf32, #tpu.memory_space<hbm>>
    tpu.wait_dma2 semaphore(%arg24 : memref<!tpu.dma_semaphore, #tpu.memory_space<semaphore_mem>>) src(%arg15 : memref<256x128xf32, #tpu.memory_space<vmem>>) dst(%dma_wait3A_555 : memref<256x128xf32, #tpu.memory_space<hbm>>)
    return
  }
}

module attributes {stable_mosaic.version = 14 : i64} {
  func.func @_head_body(%arg0: i32, %arg1: memref<4096x128xf32, #tpu.memory_space<vmem>>, %arg2: memref<4096x128xf32, #tpu.memory_space<vmem>>, %arg3: memref<4096x1xi32, #tpu.memory_space<vmem>>, %arg4: memref<128xf32, #tpu.memory_space<vmem>>, %arg5: memref<32x128xf32, #tpu.memory_space<vmem>>, %arg6: memref<32x128xf32, #tpu.memory_space<vmem>>, %arg7: memref<32xf32, #tpu.memory_space<vmem>>, %arg8: memref<32x32xf32, #tpu.memory_space<vmem>>, %arg9: memref<32xf32, #tpu.memory_space<vmem>>, %arg10: memref<1x32xf32, #tpu.memory_space<vmem>>, %arg11: memref<1xf32, #tpu.memory_space<vmem>>, %arg12: memref<4096xf32, #tpu.memory_space<vmem>>) attributes {dimension_semantics = [#tpu.dimension_semantics<arbitrary>], iteration_bounds = array<i64: 1>, scalar_prefetch = 0 : i64, scratch_operands = 0 : i64, tpu.core_type = #tpu.core_type<tc>, window_params = [{transform_indices = @transform_0, window_bounds = array<i64: 4096, 128>}, {transform_indices = @transform_1, window_bounds = array<i64: 4096, 128>}, {transform_indices = @transform_2, window_bounds = array<i64: 4096, 1>}, {pipeline_mode = #tpu.pipeline_mode<synchronous>, transform_indices = @transform_3, window_bounds = array<i64: 128>}, {transform_indices = @transform_4, window_bounds = array<i64: 32, 128>}, {transform_indices = @transform_5, window_bounds = array<i64: 32, 128>}, {pipeline_mode = #tpu.pipeline_mode<synchronous>, transform_indices = @transform_6, window_bounds = array<i64: 32>}, {pipeline_mode = #tpu.pipeline_mode<synchronous>, transform_indices = @transform_7, window_bounds = array<i64: 32, 32>}, {pipeline_mode = #tpu.pipeline_mode<synchronous>, transform_indices = @transform_8, window_bounds = array<i64: 32>}, {pipeline_mode = #tpu.pipeline_mode<synchronous>, transform_indices = @transform_9, window_bounds = array<i64: 1, 32>}, {pipeline_mode = #tpu.pipeline_mode<synchronous>, transform_indices = @transform_10, window_bounds = array<i64: 1>}, {transform_indices = @transform_11, window_bounds = array<i64: 4096>}]} {
    %get3A = arith.constant 0 : index
    %get3A_0 = vector.load %arg4[%get3A] : memref<128xf32, #tpu.memory_space<vmem>>, vector<128xf32>
    %broadcast_in_dim3A = vector.shape_cast %get3A_0 : vector<128xf32> to vector<1x128xf32>
    %get3A_1 = arith.constant 0 : index
    %get3A_2 = arith.constant 0 : index
    %get3A_3 = vector.load %arg1[%get3A_1, %get3A_2] : memref<4096x128xf32, #tpu.memory_space<vmem>>, vector<4096x128xf32>
    %add3A = vector.broadcast %broadcast_in_dim3A : vector<1x128xf32> to vector<4096x128xf32>
    %add3A_4 = arith.addf %get3A_3, %add3A : vector<4096x128xf32>
    %jit3A = arith.constant 0.000000e+00 : f32
    %jit3A_5 = arith.constant 1.000000e+00 : f32
    %max3A = vector.broadcast %jit3A : f32 to vector<4096x128xf32>
    %max3A_6 = arith.maximumf %max3A, %add3A_4 : vector<4096x128xf32>
    %min3A = vector.broadcast %jit3A_5 : f32 to vector<4096x128xf32>
    %min3A_7 = arith.minimumf %min3A, %max3A_6 : vector<4096x128xf32>
    %square3A = arith.mulf %min3A_7, %min3A_7 : vector<4096x128xf32>
    %get3A_8 = arith.constant 0 : index
    %get3A_9 = arith.constant 0 : index
    %get3A_10 = vector.load %arg2[%get3A_8, %get3A_9] : memref<4096x128xf32, #tpu.memory_space<vmem>>, vector<4096x128xf32>
    %add3A_11 = vector.broadcast %broadcast_in_dim3A : vector<1x128xf32> to vector<4096x128xf32>
    %add3A_12 = arith.addf %get3A_10, %add3A_11 : vector<4096x128xf32>
    %jit3A_13 = arith.constant 0.000000e+00 : f32
    %jit3A_14 = arith.constant 1.000000e+00 : f32
    %max3A_15 = vector.broadcast %jit3A_13 : f32 to vector<4096x128xf32>
    %max3A_16 = arith.maximumf %max3A_15, %add3A_12 : vector<4096x128xf32>
    %min3A_17 = vector.broadcast %jit3A_14 : f32 to vector<4096x128xf32>
    %min3A_18 = arith.minimumf %min3A_17, %max3A_16 : vector<4096x128xf32>
    %square3A_19 = arith.mulf %min3A_18, %min3A_18 : vector<4096x128xf32>
    %get3A_20 = arith.constant 0 : index
    %get3A_21 = arith.constant 0 : index
    %get3A_22 = vector.load %arg3[%get3A_20, %get3A_21] : memref<4096x1xi32, #tpu.memory_space<vmem>>, vector<4096x1xi32>
    %get3A_23 = arith.constant dense<0> : vector<4096x1xi32>
    %get3A_24 = arith.cmpi ne, %get3A_22, %get3A_23 : vector<4096x1xi32>
    %broadcast_in_dim3A_25 = vector.shape_cast %get3A_24 : vector<4096x1xi1> to vector<4096x1xi1>
    %broadcast_in_dim3A_26 = vector.broadcast %broadcast_in_dim3A_25 : vector<4096x1xi1> to vector<4096x128xi1>
    %select_n3A = arith.select %broadcast_in_dim3A_26, %square3A_19, %square3A : vector<4096x128xi1>, vector<4096x128xf32>
    %broadcast_in_dim3A_27 = vector.shape_cast %get3A_24 : vector<4096x1xi1> to vector<4096x1xi1>
    %broadcast_in_dim3A_28 = vector.broadcast %broadcast_in_dim3A_27 : vector<4096x1xi1> to vector<4096x128xi1>
    %select_n3A_29 = arith.select %broadcast_in_dim3A_28, %square3A, %square3A_19 : vector<4096x128xi1>, vector<4096x128xf32>
    %get3A_30 = arith.constant 0 : index
    %get3A_31 = arith.constant 0 : index
    %get3A_32 = vector.load %arg5[%get3A_30, %get3A_31] : memref<32x128xf32, #tpu.memory_space<vmem>>, vector<32x128xf32>
    %dot_general3A = arith.constant dense<0.000000e+00> : vector<4096x32xf32>
    %dot_general3A_33 = tpu.matmul %select_n3A, %get3A_32, %dot_general3A {dimension_numbers = #tpu.dot_dimension_numbers<[1], [1], [0], [0], [0, 0, 1, 0], [], []>, transpose_lhs_hint = false} : vector<4096x128xf32>, vector<32x128xf32>, vector<4096x32xf32> -> vector<4096x32xf32>
    %get3A_34 = arith.constant 0 : index
    %get3A_35 = arith.constant 0 : index
    %get3A_36 = vector.load %arg6[%get3A_34, %get3A_35] : memref<32x128xf32, #tpu.memory_space<vmem>>, vector<32x128xf32>
    %dot_general3A_37 = arith.constant dense<0.000000e+00> : vector<4096x32xf32>
    %dot_general3A_38 = tpu.matmul %select_n3A_29, %get3A_36, %dot_general3A_37 {dimension_numbers = #tpu.dot_dimension_numbers<[1], [1], [0], [0], [0, 0, 1, 0], [], []>, transpose_lhs_hint = false} : vector<4096x128xf32>, vector<32x128xf32>, vector<4096x32xf32> -> vector<4096x32xf32>
    %add3A_39 = arith.addf %dot_general3A_33, %dot_general3A_38 : vector<4096x32xf32>
    %get3A_40 = arith.constant 0 : index
    %get3A_41 = vector.load %arg7[%get3A_40] : memref<32xf32, #tpu.memory_space<vmem>>, vector<32xf32>
    %broadcast_in_dim3A_42 = vector.shape_cast %get3A_41 : vector<32xf32> to vector<1x32xf32>
    %add3A_43 = vector.broadcast %broadcast_in_dim3A_42 : vector<1x32xf32> to vector<4096x32xf32>
    %add3A_44 = arith.addf %add3A_39, %add3A_43 : vector<4096x32xf32>
    %jit3A_45 = arith.constant 0.000000e+00 : f32
    %jit3A_46 = arith.constant 1.000000e+00 : f32
    %max3A_47 = vector.broadcast %jit3A_45 : f32 to vector<4096x32xf32>
    %max3A_48 = arith.maximumf %max3A_47, %add3A_44 : vector<4096x32xf32>
    %min3A_49 = vector.broadcast %jit3A_46 : f32 to vector<4096x32xf32>
    %min3A_50 = arith.minimumf %min3A_49, %max3A_48 : vector<4096x32xf32>
    %square3A_51 = arith.mulf %min3A_50, %min3A_50 : vector<4096x32xf32>
    %get3A_52 = arith.constant 0 : index
    %get3A_53 = arith.constant 0 : index
    %get3A_54 = vector.load %arg8[%get3A_52, %get3A_53] : memref<32x32xf32, #tpu.memory_space<vmem>>, vector<32x32xf32>
    %dot_general3A_55 = arith.constant dense<0.000000e+00> : vector<4096x32xf32>
    %dot_general3A_56 = tpu.matmul %square3A_51, %get3A_54, %dot_general3A_55 {dimension_numbers = #tpu.dot_dimension_numbers<[1], [1], [0], [0], [0, 0, 1, 0], [], []>, transpose_lhs_hint = false} : vector<4096x32xf32>, vector<32x32xf32>, vector<4096x32xf32> -> vector<4096x32xf32>
    %get3A_57 = arith.constant 0 : index
    %get3A_58 = vector.load %arg9[%get3A_57] : memref<32xf32, #tpu.memory_space<vmem>>, vector<32xf32>
    %broadcast_in_dim3A_59 = vector.shape_cast %get3A_58 : vector<32xf32> to vector<1x32xf32>
    %add3A_60 = vector.broadcast %broadcast_in_dim3A_59 : vector<1x32xf32> to vector<4096x32xf32>
    %add3A_61 = arith.addf %dot_general3A_56, %add3A_60 : vector<4096x32xf32>
    %jit3A_62 = arith.constant 0.000000e+00 : f32
    %jit3A_63 = arith.constant 1.000000e+00 : f32
    %max3A_64 = vector.broadcast %jit3A_62 : f32 to vector<4096x32xf32>
    %max3A_65 = arith.maximumf %max3A_64, %add3A_61 : vector<4096x32xf32>
    %min3A_66 = vector.broadcast %jit3A_63 : f32 to vector<4096x32xf32>
    %min3A_67 = arith.minimumf %min3A_66, %max3A_65 : vector<4096x32xf32>
    %square3A_68 = arith.mulf %min3A_67, %min3A_67 : vector<4096x32xf32>
    %get3A_69 = arith.constant 0 : index
    %get3A_70 = arith.constant 0 : index
    %get3A_71 = vector.load %arg10[%get3A_69, %get3A_70] : memref<1x32xf32, #tpu.memory_space<vmem>>, vector<1x32xf32>
    %mul3A = vector.broadcast %get3A_71 : vector<1x32xf32> to vector<4096x32xf32>
    %mul3A_72 = arith.mulf %square3A_68, %mul3A : vector<4096x32xf32>
    %reduce_sum3A = arith.constant dense<0.000000e+00> : vector<4096xf32>
    %reduce_sum3A_73 = vector.multi_reduction <add>, %mul3A_72, %reduce_sum3A [1] : vector<4096x32xf32> to vector<4096xf32>
    %get3A_74 = arith.constant 0 : index
    %get3A_75 = vector.load %arg11[%get3A_74] : memref<1xf32, #tpu.memory_space<vmem>>, vector<1xf32>
    %get3A_76 = vector.extract %get3A_75[0] : f32 from vector<1xf32>
    %add3A_77 = vector.broadcast %get3A_76 : f32 to vector<4096xf32>
    %add3A_78 = arith.addf %reduce_sum3A_73, %add3A_77 : vector<4096xf32>
    %swap3A = arith.constant 0 : index
    %swap3A_79 = vector.load %arg12[%swap3A] : memref<4096xf32, #tpu.memory_space<vmem>>, vector<4096xf32>
    tpu.vector_store %arg12[%swap3A], %add3A_78 {strides = array<i32>} : memref<4096xf32, #tpu.memory_space<vmem>>, vector<4096xf32>,
    return
  }
  func.func @transform_0(%arg0: i32) -> (i32, i32) {
    %c0_i32 = arith.constant 0 : i32
    %c0_i32_0 = arith.constant 0 : i32
    return %arg0, %c0_i32 : i32, i32
  }
  func.func @transform_1(%arg0: i32) -> (i32, i32) {
    %add3A = arith.constant 1 : i32
    %add3A_0 = arith.addi %arg0, %add3A : i32
    %c0_i32 = arith.constant 0 : i32
    %c0_i32_1 = arith.constant 0 : i32
    return %add3A_0, %c0_i32 : i32, i32
  }
  func.func @transform_2(%arg0: i32) -> (i32, i32) {
    %c0_i32 = arith.constant 0 : i32
    %c0_i32_0 = arith.constant 0 : i32
    return %arg0, %c0_i32 : i32, i32
  }
  func.func @transform_3(%arg0: i32) -> i32 {
    %c0_i32 = arith.constant 0 : i32
    %c0_i32_0 = arith.constant 0 : i32
    return %c0_i32 : i32
  }
  func.func @transform_4(%arg0: i32) -> (i32, i32) {
    %c0_i32 = arith.constant 0 : i32
    %c0_i32_0 = arith.constant 0 : i32
    %c0_i32_1 = arith.constant 0 : i32
    return %c0_i32, %c0_i32_0 : i32, i32
  }
  func.func @transform_5(%arg0: i32) -> (i32, i32) {
    %c0_i32 = arith.constant 0 : i32
    %c1_i32 = arith.constant 1 : i32
    %c0_i32_0 = arith.constant 0 : i32
    return %c0_i32, %c1_i32 : i32, i32
  }
  func.func @transform_6(%arg0: i32) -> i32 {
    %c0_i32 = arith.constant 0 : i32
    %c0_i32_0 = arith.constant 0 : i32
    return %c0_i32 : i32
  }
  func.func @transform_7(%arg0: i32) -> (i32, i32) {
    %c0_i32 = arith.constant 0 : i32
    %c0_i32_0 = arith.constant 0 : i32
    %c0_i32_1 = arith.constant 0 : i32
    return %c0_i32, %c0_i32_0 : i32, i32
  }
  func.func @transform_8(%arg0: i32) -> i32 {
    %c0_i32 = arith.constant 0 : i32
    %c0_i32_0 = arith.constant 0 : i32
    return %c0_i32 : i32
  }
  func.func @transform_9(%arg0: i32) -> (i32, i32) {
    %c0_i32 = arith.constant 0 : i32
    %c0_i32_0 = arith.constant 0 : i32
    %c0_i32_1 = arith.constant 0 : i32
    return %c0_i32, %c0_i32_0 : i32, i32
  }
  func.func @transform_10(%arg0: i32) -> i32 {
    %c0_i32 = arith.constant 0 : i32
    %c0_i32_0 = arith.constant 0 : i32
    return %c0_i32 : i32
  }
  func.func @transform_11(%arg0: i32) -> i32 {
    %c0_i32 = arith.constant 0 : i32
    return %arg0 : i32
  }
}

</mosaic_0001>

<sc_bundles>
// kernel: kernel.4.cloned.1.call-start
scs
__scs_entry_jumppad:
0x0: {  	(pc) =	sbr.rel $0x88, $3  }
0x1: {  	(tag) =	ssettag $0x0;
	lr =	simm.s32 $0x1  }
0x2: {  	[smem:$0x3F96] =	sst lr;
	_ =	strace $0xD0000000  }
0x3: {  	_ = 	snop  }
0x4: {  	_ = 	snop  }
0x5: {  	_ = 	snop  }
0x6: {  	_ = 	snop  }
0x7: {  	_ = 	snop  }
__scs_overlays_trampoline_lowered:
0x8: {  	[smem:$0x3FA5] =	sst s0  }
0x9: {  	[smem:$0x3FA6] =	sst s1  }
0xa: {  	[smem:$0x3FA7] =	sst s2  }
0xb: {  	[smem:$0x3FA8] =	sst s3  }
0xc: {  	[smem:$0x3FA9] =	sst s4  }
0xd: {  	[smem:$0x3FAA] =	sst s5  }
0xe: {  	[smem:$0x3FAB] =	sst s6  }
0xf: {  	[smem:$0x3FAC] =	sst s7  }
0x10: {  	[smem:$0x3FAD] =	sst s8  }
0x11: {  	[smem:$0x3FAE] =	sst s9;
	s0 =	simm.s32 @!p0 $0x0  }
0x12: {  	s1 =	sld [smem:$0x3F94];
	s0 =	simm.s32 @p0 $0x1  }
0x13: {  	[smem:$0x3FAF] =	sst s0;
	s0 =	simm.s32 @!p1 $0x0  }
0x14: {  	s2 =	sld [smem:$0x3F93];
	s0 =	simm.s32 @p1 $0x1  }
0x15: {  	[smem:$0x3FB0] =	sst s0;
	s0 =	simm.s32 @!p2 $0x0  }
0x16: {  	s3 =	sld [smem:$0x3FDB];
	s0 =	simm.s32 @p2 $0x1  }
0x17: {  	s4 =	simm.s32 $0x1BF5;
	[smem:$0x3FB2] =	sst s0  }
0x18: {  	s0 =	sld [smem:$0x3F95];
	_ =	swait.ge [sflag:s4], $0x0  }
0x19: {  	s7 =	sld [smem:$0x3F96]  }
0x1a: {  	s8 =	sadd.s32 $0xFFFFE003, lr  }
0x1b: {  	s9 =	sadd.s32 $0xFFFFFEF7, lr;
	s5 =	simm.s32 $0xFFFFFFFF;
	p2 =	slt.u32 s8, $0xFFFFF086  }
0x1c: {  	p1 =	slt.u32 s9, $0xF7A;
	s5 =	simm.s32 @!p2 $0x0  }
0x1d: {  	s5 =	simm.s32 @p1 $0x1;
	p0 =	seq.s32 s7, s2  }
0x1e: {  	s7 =	smul.u32 @!p0 $0xF7A, s2;
	p2 =	seq.s32 @!p0 s5, $0x0  }
0x1f: {  	s9 =	smul.u32 $0xF7A, s1;
	s8 =	simm.s32 @!p0 $0x1BF5;
	p2 =	por !p2, p0  }
0x20: {  	[sflag:s8] =	ssyncset.s32 @!p0 $0xFFFFF086;
	s6 =	sadd.s32 @!p0 s3, s7;
	s7 =	simm.s32 @!p0 $0x108  }
0x21: {  	s3 =	sadd.s32 s3, s9;
	s6 =	sadd.s32 @!p0 $0x88, s6;
	s7 =	simm.s32 @p2 $0x1082  }
0x22: {  	[simem:s7], [sflag:s8] =	dma.local @!p0 [hbm:s6], $0xF7A  }
0x23: {  	s9 =	sor.u32 $0xD0000000, s2;
	s6 =	simm.s32 $0x108;
	_ =	swait.ge @!p0 [sflag:s8], $0x0  }
0x24: {  	s3 =	sadd.s32 $0x88, s3;
	s6 =	simm.s32 @!p1 $0x1082;
	[sflag:s4] =	ssyncset.s32 $0xFFFFF086  }
0x25: {  	[simem:s6], [sflag:s4] =	dma.local [hbm:s3], $0xF7A  }
0x26: {  	[smem:$0x3F96] =	sst s1;
	(tag) =	ssettag s2;
	_ =	strace s9  }
0x27: {  	s1 =	sld [smem:$0x3FA6]  }
0x28: {  	s2 =	sld [smem:$0x3FA7]  }
0x29: {  	s4 =	sld [smem:$0x3FA9]  }
0x2a: {  	p0 =	seq.s32 s5, $0x0;
	s5 =	sld [smem:$0x3FAA]  }
0x2b: {  	s6 =	sld [smem:$0x3FAB]  }
0x2c: {  	s7 =	sld [smem:$0x3FAC]  }
0x2d: {  	s3 =	simm.s32 $0x108;
	s8 =	sld [smem:$0x3FAD]  }
0x2e: {  	s3 =	simm.s32 @!p0 $0x1082;
	s9 =	sld [smem:$0x3FAE]  }
0x2f: {  	lr =	sadd.s32 s0, s3;
	s0 =	sld [smem:$0x3FA5]  }
0x30: {  	s3 =	sld [smem:$0x3FA8]  }
0x31: {  	[smem:$0x3FB1] =	sst s10  }
0x32: {  	s10 =	sld [smem:$0x3FAF];
	_ =	sdelay $0x3  }
0x33: {  	p0 =	seq.s32 s10, $0x1;
	s10 =	sld [smem:$0x3FB1];
	_ =	sdelay $0x3  }
0x34: {  	[smem:$0x3FB1] =	sst s10  }
0x35: {  	s10 =	sld [smem:$0x3FB0];
	_ =	sdelay $0x3  }
0x36: {  	p1 =	seq.s32 s10, $0x1;
	s10 =	sld [smem:$0x3FB1];
	_ =	sdelay $0x3  }
0x37: {  	[smem:$0x3FB1] =	sst s10  }
0x38: {  	s10 =	sld [smem:$0x3FB2]  }
0x39: {  	_ = 	snop;
	(pc) =	sbr.ind lr, $3  }
0x3a: {  	_ = 	snop  }
0x3b: {  	_ = 	snop  }
0x3c: {  	p2 =	seq.s32 s10, $0x1;
	s10 =	sld [smem:$0x3FB1]  }
0x3d: {  	_ =	shalt  }
0x3e: {  	_ =	shalt  }
0x3f: {  	_ =	shalt  }
0x40: {  	_ =	shalt  }
0x41: {  	_ =	shalt  }
0x42: {  	_ =	shalt  }
0x43: {  	_ =	shalt  }
0x44: {  	_ =	shalt  }
0x45: {  	_ =	shalt  }
0x46: {  	_ =	shalt  }
0x47: {  	_ =	shalt  }
0x48: {  	_ =	shalt  }
0x49: {  	_ =	shalt  }
0x4a: {  	_ =	shalt  }
0x4b: {  	_ =	shalt  }
0x4c: {  	_ =	shalt  }
0x4d: {  	_ =	shalt  }
0x4e: {  	_ =	shalt  }
0x4f: {  	_ =	shalt  }
0x50: {  	_ =	shalt  }
0x51: {  	_ =	shalt  }
0x52: {  	_ =	shalt  }
0x53: {  	_ =	shalt  }
0x54: {  	_ =	shalt  }
0x55: {  	_ =	shalt  }
0x56: {  	_ =	shalt  }
0x57: {  	_ =	shalt  }
0x58: {  	_ =	shalt  }
0x59: {  	_ =	shalt  }
0x5a: {  	_ =	shalt  }
0x5b: {  	_ =	shalt  }
0x5c: {  	_ =	shalt  }
0x5d: {  	_ =	shalt  }
0x5e: {  	_ =	shalt  }
0x5f: {  	_ =	shalt  }
0x60: {  	_ =	shalt  }
0x61: {  	_ =	shalt  }
0x62: {  	_ =	shalt  }
0x63: {  	_ =	shalt  }
0x64: {  	_ =	shalt  }
0x65: {  	_ =	shalt  }
0x66: {  	_ =	shalt  }
0x67: {  	_ =	shalt  }
0x68: {  	_ =	shalt  }
0x69: {  	_ =	shalt  }
0x6a: {  	_ =	shalt  }
0x6b: {  	_ =	shalt  }
0x6c: {  	_ =	shalt  }
0x6d: {  	_ =	shalt  }
0x6e: {  	_ =	shalt  }
0x6f: {  	_ =	shalt  }
0x70: {  	_ =	shalt  }
0x71: {  	_ =	shalt  }
0x72: {  	_ =	shalt  }
0x73: {  	_ =	shalt  }
0x74: {  	_ =	shalt  }
0x75: {  	_ =	shalt  }
0x76: {  	_ =	shalt  }
0x77: {  	_ =	shalt  }
0x78: {  	_ =	shalt  }
0x79: {  	_ =	shalt  }
0x7a: {  	_ =	shalt  }
0x7b: {  	_ =	shalt  }
0x7c: {  	_ =	shalt  }
0x7d: {  	_ =	shalt  }
0x7e: {  	_ =	shalt  }
0x7f: {  	_ =	shalt  }
0x80: {  	_ =	shalt  }
0x81: {  	_ =	shalt  }
0x82: {  	_ =	shalt  }
0x83: {  	_ =	shalt  }
0x84: {  	_ =	shalt  }
0x85: {  	_ =	shalt  }
0x86: {  	_ =	shalt  }
0x87: {  	_ =	shalt  }
.Lfunc_end0:
.L_simem_size_0:
called_computation_lowered:
.L_overlay_start_0:
0x88: {  	s2 =	sld [smem:$0x3FD9]  }
0x89: {  	s3 =	sld [smem:$0x3FFE];
	_ =	sdelay $0x1  }
0x8a: {  	s1 =	srdreg.scid  }
0x8b: {  	s0 =	sand.u32 $0x1, s1  }
0x8c: {  	s17 =	sshll.u32 s0, $0xA;
	s2 =	sadd.s32 s3, s2  }
0x8d: {  	s2 =	sadd.s32 s2, s17  }
0x8e: {  	[smem:$0x3FBD] =	sst s2  }
0x8f: {  	_ = 	snop  }
0x90: {  	s2 =	sld [smem:$0x3FC6];
	(tm) =	ssettm $0x1  }
0x91: {  	s18 =	sld [smem:$0x3FFB];
	_ =	sdelay $0x3  }
0x92: {  	_ =	strace s18  }
0x93: {  	s3 =	sld [smem:$0x3FFC];
	_ =	sdelay $0x3  }
0x94: {  	_ =	strace s3  }
0x95: {  	s3 =	sld [smem:$0x3FFD];
	_ =	sdelay $0x3  }
0x96: {  	_ =	strace s3  }
0x97: {  	_ =	strace $0x8FFFFFFF  }
0x98: {  	s19 =	sld [smem:$0x3FDB];
	_ =	sdelay $0x1  }
0x99: {  	s4 =	simm.s32 $_scs_section_size  }
0x9a: {  	s5 =	simm.s32 $_size__tile_overlayer_lowered;
	s6 =	simm.s32 $_tile_overlayer_lowered  }
0x9b: {  	s22 =	simm.s32 $0x1BFF;
	s21 =	sshll.u32 s6, $0x1;
	s3 =	sadd.s32 s4, s19  }
0x9c: {  	s7 =	simm.s32 $0x0;
	s20 =	sshll.u32 s5, $0x1;
	s5 =	sadd.s32 s21, s3  }
0x9d: {  	[timem:s7], [sflag:s22] =	dma.local [hbm:s5], s20  }
0x9e: {  	_ =	swait.ge [sflag:s22], s20  }
0x9f: {  	s4 =	ssub.s32 $0x0, s20;
	[sflag:s22] =	ssyncset.done $0x0  }
0xa0: {  	[sflag:s22] =	ssyncadd.s32 s4;
	_ =	sdelay $0x1  }
0xa1: {  	s23 =	simm.s32 $0x1B8B  }
0xa2: {  	_ =	swait.ge [sflag:s23], $0x1  }
0xa3: {  	[sflag:s23] =	ssyncset.done $0x0  }
0xa4: {  	s25 =	simm.s32 $0x1B8E;
	s24 =	sld [smem:$0x3FFE];
	[sflag:s23] =	ssyncadd.s32 $0xFFFFFFFF  }
0xa5: {  	s26 =	simm.s32 $execute0_lowered;
	[smem:$0x3FD2] =	sst s25  }
0xa6: {  	s5 =	sshll.u32 s26, $0x1;
	_ =	strace $0x80000046;
	[dreg:$0x1] =	wrdreg $0xFFFFFFFF  }
0xa7: {  	s28 =	simm.s32 $_size_execute0_lowered;
	s3 =	sadd.s32 s3, s5;
	[dreg:$0x0] =	wrdreg $0x0  }
0xa8: {  	s5 =	sshll.u32 s28, $0x1;
	[dreg:$0x2] =	wrdreg s3  }
0xa9: {  	[dreg:$0x3] =	wrdreg s5  }
0xaa: {  	[dreg:$0x4] =	wrdreg $0xC0  }
0xab: {  	_ =	task [dreg:s7], $0x5FFFF  }
0xac: {  	[dreg:$0x1] =	wrdreg $0xFFFFFFFF  }
0xad: {  	[dreg:$0x0] =	wrdreg $0x60  }
0xae: {  	[dreg:$0x2] =	wrdreg s24  }
0xaf: {  	[dreg:$0x3] =	wrdreg s2  }
0xb0: {  	[dreg:$0x4] =	wrdreg $0x9  }
0xb1: {  	_ =	task.clear_ibuf [dreg:s7], $0x5FFFF;
	_ =	strace $0x90000046  }
0xb2: {  	s29 =	simm.s32 $0x9;
	_ =	strace $0x80000048  }
0xb3: {  	_ =	swait.ge [sflag:s29], $0x1  }
0xb4: {  	[sflag:s29] =	ssyncadd.s32 $0xFFFFFFFF  }
0xb5: {  	_ =	strace $0x90000048  }
0xb6: {  	_ =	sfence  }
0xb7: {  	s30 =	sld [smem:$0x0];
	_ =	sdelay $0x2  }
0xb8: {  	s31 =	sshll.u32 s1, $0xD;
	s1 =	sshrl.u32 s1, $0x2  }
0xb9: {  	s3 =	sand.u32 $0x4000, s31;
	s1 =	sadd.s32 s1, s30  }
0xba: {  	s0 =	sor.u32 s3, s0;
	s1 =	sshll.u32 s1, $0x11  }
0xbb: {  	s0 =	sor.u32 s1, s0  }
0xbc: {  	s0 =	sadd.s32 $0x8F2B, s0  }
0xbd: {  	[sflag:s0] =	ssyncadd.remote.s32 $0x1  }
0xbe: {  	_ =	sfence.sel $0xFFFF  }
0xbf: {  	[dreg:$0x0] =	wrdreg $0xFFFFFFFF;
	(pc) =	sbr.abs _section_cstart, $3  }
0xc0: {  	[dreg:$0x1] =	wrdreg $0xFFFFFFFF  }
0xc1: {  	_ =	task.clear_ibuf [dreg:s7], $0x2FFFF;
	_ =	strace $0x9FFFFFFF  }
0xc2: {  	(tm) =	ssettm $0x7FFFFFFF  }
0xc3: {  	_ =	shalt  }
tec
execute0_lowered:
.L_overlay_start_1:
0x0: {  	(tag) =	ssettag $0x1  }
0x1: {  	s0 =	rddreg [dreg:$0x0];
	s1 =	srdreg.scid  }
0x2: {  	s6 =	stileid.u32;
	s2 =	rddreg [dreg:$0x1];
	s3 =	simm.s32 $0x0  }
0x3: {  	s9 =	simm.s32 $0x32;
	s10 =	simm.s32 $0x8000;
	s12 =	simm.s32 $0x9C00  }
0x4: {  	s14 =	simm.s32 $0xB800;
	s16 =	simm.s32 $0xD400;
	s18 =	simm.s32 $0xF000  }
0x5: {  	s20 =	simm.s32 $0x10C00;
	s22 =	simm.s32 $0x12800;
	s24 =	simm.s32 $0x14400  }
0x6: {  	s25 =	simm.s32 $0x1;
	s28 =	simm.s32 $0x3;
	s29 =	simm.s32 $0x4  }
0x7: {  	s30 =	simm.s32 $0x5;
	s1 =	sand.u32 $0x1, s1;
	s4 =	sshll.u32 s6, $0x1  }
0x8: {  	s31 =	simm.s32 $0x6;
	s13 =	simm.s32 $0x9;
	s4 =	sor.u32 s1, s4  }
0x9: {  	s15 =	simm.s32 $0x0;
	[smem:$0x7FF] =	sst s3;
	s5 =	sshll.u32 s4, $0xF  }
0xa: {  	p0 =	slt.u32 s6, $0x8;
	s1 =	ssub.s32 $0x2, s1;
	s5 =	sadd.s32 $0xFFF80000, s5  }
0xb: {  	_ =	strace $0x80000047;
	s26 =	sshrl.u32 s1, $0x1;
	s5 =	sshrl.u32 s5, $0x3  }
0xc: {  	s4 =	sshll.u32 s4, $0xC;
	s1 =	ssub.s32 s1, s26;
	s5 =	sadd.s32 s5, s0  }
0xd: {  	s26 =	simm.s32 $0x2;
	s0 =	sadd.s32 s4, s0;
	s4 =	sadd.s32 $0x11600, s5  }
0xe: {  	s8 =	sadd.s32 $0x1600, s0;
	s5 =	sadd.s32 $0x21600, s0;
	s0 =	sadd.s32 $0x22580, s0  }
0xf: {  	s7 =	smax.u32 s1, $0x1;
	s1 =	simm.s32 $0x7;
	[dreg:$0x3] =	wrdreg s0  }
0x10: {  	s4 =	smov.u32 @p0 s8;
	s8 =	simm.s32 $0xA;
	s0 =	simm.s32 $0x8  }
.LBB2_1:
0x11: {  	[tilespmem:s3], [sflag:$0xA] =	stream.linear.gather [hbm4b:s4+s3], $0x8000, $0x38;
	[tilespmem:$0x1E000] =	vst v63  }
0x12: {  	_ =	swait.ge [sflag:s8], $0x8000  }
0x13: {  	[sflag:s8] =	ssyncset.done $0x0  }
0x14: {  	[sflag:s8] =	ssyncadd.s32 $0xFFFF8000  }
0x15: {  	[tilespmem:s10], [sflag:$0x1] =	stream.indirect.gather [hbm4b:s2+s9], $0x80, s3, s9, $0xb8;
	[tilespmem:$0x1E000] =	vst v63  }
0x16: {  	s6 =	simm.s32 $0x80  }
0x17: {  	[tilespmem:s12], [sflag:$0x2] =	stream.indirect.gather [hbm4b:s2+s9], $0x80, s6, s9, $0xb8;
	[tilespmem:$0x1E000] =	vst v63  }
0x18: {  	s23 =	simm.s32 $0x100  }
0x19: {  	[tilespmem:s14], [sflag:$0x3] =	stream.indirect.gather [hbm4b:s2+s9], $0x80, s23, s9, $0xb8;
	[tilespmem:$0x1E000] =	vst v63  }
0x1a: {  	s11 =	simm.s32 $0x180  }
0x1b: {  	[tilespmem:s16], [sflag:$0x4] =	stream.indirect.gather [hbm4b:s2+s9], $0x80, s11, s9, $0xb8;
	[tilespmem:$0x1E000] =	vst v63  }
0x1c: {  	s17 =	simm.s32 $0x200  }
0x1d: {  	[tilespmem:s18], [sflag:$0x5] =	stream.indirect.gather [hbm4b:s2+s9], $0x80, s17, s9, $0xb8;
	[tilespmem:$0x1E000] =	vst v63  }
0x1e: {  	s19 =	simm.s32 $0x280  }
0x1f: {  	[tilespmem:s20], [sflag:$0x6] =	stream.indirect.gather [hbm4b:s2+s9], $0x80, s19, s9, $0xb8;
	[tilespmem:$0x1E000] =	vst v63  }
0x20: {  	s21 =	simm.s32 $0x300  }
0x21: {  	[tilespmem:s22], [sflag:$0x7] =	stream.indirect.gather [hbm4b:s2+s9], $0x80, s21, s9, $0xb8;
	[tilespmem:$0x1E000] =	vst v63  }
0x22: {  	s23 =	simm.s32 $0x380;
	s17 =	simm.s32 $0x0  }
0x23: {  	[tilespmem:s24], [sflag:$0x8] =	stream.indirect.gather [hbm4b:s2+s9], $0x80, s23, s9, $0xb8;
	[tilespmem:$0x1E000] =	vst v63  }
.LBB2_2:
0x24: {  	_ =	swait.ge [sflag:s25], $0x1900  }
0x25: {  	[sflag:s25] =	ssyncset.done $0x0  }
0x26: {  	s11 =	simm.s32 $0x0;
	[sflag:s25] =	ssyncadd.s32 $0xFFFFE700  }
0x27: {  	v0 =	vld [tilespmem:s11+$0x8070]  }
0x28: {  	v1 =	vld [tilespmem:s11+$0x8000]  }
0x29: {  	v3 =	vld [tilespmem:s11+$0x8010]  }
0x2a: {  	v12 =	vld [tilespmem:s11+$0x8020]  }
0x2b: {  	v10 =	vld [tilespmem:s11+$0x8030]  }
0x2c: {  	v2 =	vimm.f32 $0.0e+00;
	v6 =	vimm.f32 $0.0e+00;
	v5 =	vld [tilespmem:s11+$0x8040]  }
0x2d: {  	v7 =	vimm.f32 $0.0e+00;
	v8 =	vld [tilespmem:s11+$0x8050];
	v0 =	vadd.f32 v0, v2;
	v9 =	vadd.f32 v1, v2  }
0x2e: {  	s19 =	simm.s32 $0x80;
	s21 =	simm.s32 $0x400;
	v11 =	vld [tilespmem:s11+$0x8060];
	v4 =	vadd.f32 v3, v2;
	v3 =	vimm.f32 $0.0e+00;
	v1 =	vimm.f32 $0.0e+00  }
.LBB2_3:
0x2f: {  	p0 =	sne.s32 s21, $0x6200;
	v13 =	vld [tilespmem:s19+$0x8070];
	v2 =	vadd.f32 v12, v2  }
0x30: {  	v14 =	vld [tilespmem:s19+$0x8000];
	v6 =	vadd.f32 v10, v6  }
0x31: {  	v15 =	vld [tilespmem:s19+$0x8010];
	v7 =	vadd.f32 v5, v7  }
.Ltmp0:
0x32: {  	v12 =	vld [tilespmem:s19+$0x8020];
	v3 =	vadd.f32 v8, v3;
	(pc) =	sbr.rel @p0 .LBB2_3-.Ltmp0, $4  }
0x33: {  	v10 =	vld [tilespmem:s19+$0x8030];
	v1 =	vadd.f32 v11, v1  }
0x34: {  	v5 =	vld [tilespmem:s19+$0x8040];
	v0 =	vadd.f32 v13, v0  }
0x35: {  	v9 =	vadd.f32 v14, v9;
	v8 =	vld [tilespmem:s19+$0x8050]  }
0x36: {  	v4 =	vadd.f32 v15, v4;
	v11 =	vld [tilespmem:s19+$0x8060];
	s19 =	sshra.s32 s21, $0x2;
	s21 =	sadd.s32 $0x200, s21  }
0x37: {  	v13 =	vld [tilespmem:s19+$0x8070]  }
0x38: {  	v14 =	vld [tilespmem:s19+$0x8000]  }
0x39: {  	v15 =	vld [tilespmem:s19+$0x8010]  }
0x3a: {  	v16 =	vld [tilespmem:s19+$0x8020]  }
0x3b: {  	v17 =	vld [tilespmem:s19+$0x8030]  }
0x3c: {  	v18 =	vld [tilespmem:s19+$0x8040];
	v2 =	vadd.f32 v12, v2  }
0x3d: {  	s11 =	sshll.u32 s17, $0xA;
	v6 =	vadd.f32 v10, v6;
	v10 =	vld [tilespmem:s19+$0x8060];
	v9 =	vadd.f32 v14, v9  }
0x3e: {  	v12 =	vld [tilespmem:s19+$0x8050];
	s19 =	sand.u32 $0x3FFFFC00, s11;
	v4 =	vadd.f32 v15, v4  }
0x3f: {  	v2 =	vadd.f32 v16, v2;
	[tilespmem:s19+$0x16000] =	vst v9  }
0x40: {  	v1 =	vadd.f32 v11, v1;
	v6 =	vadd.f32 v17, v6;
	[tilespmem:s19+$0x16010] =	vst v4  }
0x41: {  	v5 =	vadd.f32 v5, v7;
	v0 =	vadd.f32 v13, v0;
	[tilespmem:s19+$0x16020] =	vst v2  }
0x42: {  	v3 =	vadd.f32 v8, v3;
	v1 =	vadd.f32 v10, v1;
	[tilespmem:s19+$0x16030] =	vst v6  }
0x43: {  	v4 =	vadd.f32 v18, v5;
	[tilespmem:s19+$0x16070] =	vst v0  }
0x44: {  	v2 =	vadd.f32 v12, v3;
	[tilespmem:s19+$0x16060] =	vst v1  }
0x45: {  	[tilespmem:s19+$0x16040] =	vst v4  }
0x46: {  	s11 =	sadd.s32 $0x400, s19;
	[tilespmem:s19+$0x16050] =	vst v2  }
0x47: {  	[tilespmem:s10], [sflag:$0x1] =	stream.indirect.gather [hbm4b:s2+s9], $0x80, s11, s9, $0xb8;
	[tilespmem:$0x1E000] =	vst v63  }
0x48: {  	_ =	swait.ge [sflag:s26], $0x1900  }
0x49: {  	[sflag:s26] =	ssyncset.done $0x0  }
0x4a: {  	s6 =	simm.s32 $0x0;
	[sflag:s26] =	ssyncadd.s32 $0xFFFFE700  }
0x4b: {  	v0 =	vld [tilespmem:s6+$0x9C70]  }
0x4c: {  	v2 =	vld [tilespmem:s6+$0x9C00]  }
0x4d: {  	v3 =	vld [tilespmem:s6+$0x9C10]  }
0x4e: {  	v11 =	vld [tilespmem:s6+$0x9C20]  }
0x4f: {  	v9 =	vld [tilespmem:s6+$0x9C30]  }
0x50: {  	v7 =	vimm.f32 $0.0e+00;
	v1 =	vimm.f32 $0.0e+00;
	v6 =	vld [tilespmem:s6+$0x9C40]  }
0x51: {  	v10 =	vimm.f32 $0.0e+00;
	v5 =	vimm.f32 $0.0e+00;
	v8 =	vld [tilespmem:s6+$0x9C50];
	v0 =	vadd.f32 v0, v1  }
0x52: {  	s23 =	simm.s32 $0x80;
	s21 =	sadd.s32 $0x16000, s19;
	s11 =	simm.s32 $0x400;
	v12 =	vld [tilespmem:s6+$0x9C60];
	v4 =	vadd.f32 v2, v1;
	v3 =	vadd.f32 v3, v1;
	v2 =	vimm.f32 $0.0e+00  }
.LBB2_5:
0x53: {  	p0 =	sne.s32 s11, $0x6200;
	v13 =	vld [tilespmem:s23+$0x9C70];
	v1 =	vadd.f32 v11, v1  }
0x54: {  	v14 =	vld [tilespmem:s23+$0x9C00];
	v5 =	vadd.f32 v9, v5  }
0x55: {  	v15 =	vld [tilespmem:s23+$0x9C10];
	v10 =	vadd.f32 v6, v10  }
.Ltmp1:
0x56: {  	v11 =	vld [tilespmem:s23+$0x9C20];
	v7 =	vadd.f32 v8, v7;
	(pc) =	sbr.rel @p0 .LBB2_5-.Ltmp1, $4  }
0x57: {  	v9 =	vld [tilespmem:s23+$0x9C30];
	v2 =	vadd.f32 v12, v2  }
0x58: {  	v6 =	vld [tilespmem:s23+$0x9C40];
	v0 =	vadd.f32 v13, v0  }
0x59: {  	v4 =	vadd.f32 v14, v4;
	v8 =	vld [tilespmem:s23+$0x9C50]  }
0x5a: {  	v3 =	vadd.f32 v15, v3;
	v12 =	vld [tilespmem:s23+$0x9C60];
	s23 =	sshra.s32 s11, $0x2;
	s11 =	sadd.s32 $0x200, s11  }
0x5b: {  	v14 =	vld [tilespmem:s23+$0x9C00]  }
0x5c: {  	v15 =	vld [tilespmem:s23+$0x9C10]  }
0x5d: {  	v16 =	vld [tilespmem:s23+$0x9C20]  }
0x5e: {  	v17 =	vld [tilespmem:s23+$0x9C30]  }
0x5f: {  	v13 =	vld [tilespmem:s23+$0x9C70];
	v1 =	vadd.f32 v11, v1  }
0x60: {  	v5 =	vadd.f32 v9, v5;
	v9 =	vld [tilespmem:s23+$0x9C60];
	v4 =	vadd.f32 v14, v4  }
0x61: {  	v18 =	vld [tilespmem:s23+$0x9C40];
	v3 =	vadd.f32 v15, v3  }
0x62: {  	v11 =	vld [tilespmem:s23+$0x9C50];
	v1 =	vadd.f32 v16, v1;
	[tilespmem:s19+$0x16080] =	vst v4  }
0x63: {  	v2 =	vadd.f32 v12, v2;
	v5 =	vadd.f32 v17, v5;
	[tilespmem:s19+$0x16090] =	vst v3  }
0x64: {  	v6 =	vadd.f32 v6, v10;
	v0 =	vadd.f32 v13, v0;
	[tilespmem:s19+$0x160A0] =	vst v1  }
0x65: {  	v2 =	vadd.f32 v9, v2;
	v4 =	vadd.f32 v8, v7;
	[tilespmem:s19+$0x160B0] =	vst v5  }
0x66: {  	v3 =	vadd.f32 v18, v6;
	[tilespmem:s19+$0x160F0] =	vst v0  }
0x67: {  	[tilespmem:s19+$0x160E0] =	vst v2;
	v1 =	vadd.f32 v11, v4  }
0x68: {  	[tilespmem:s19+$0x160C0] =	vst v3  }
0x69: {  	s6 =	sadd.s32 $0x480, s19;
	[tilespmem:s19+$0x160D0] =	vst v1  }
0x6a: {  	[tilespmem:s12], [sflag:$0x2] =	stream.indirect.gather [hbm4b:s2+s9], $0x80, s6, s9, $0xb8;
	[tilespmem:$0x1E000] =	vst v63  }
0x6b: {  	_ =	swait.ge [sflag:s28], $0x1900  }
0x6c: {  	[sflag:s28] =	ssyncset.done $0x0  }
0x6d: {  	s6 =	simm.s32 $0x0;
	[sflag:s28] =	ssyncadd.s32 $0xFFFFE700  }
0x6e: {  	v0 =	vld [tilespmem:s6+$0xB870]  }
0x6f: {  	v2 =	vld [tilespmem:s6+$0xB800]  }
0x70: {  	v3 =	vld [tilespmem:s6+$0xB810]  }
0x71: {  	v11 =	vld [tilespmem:s6+$0xB820]  }
0x72: {  	v10 =	vld [tilespmem:s6+$0xB830]  }
0x73: {  	v6 =	vimm.f32 $0.0e+00;
	v1 =	vimm.f32 $0.0e+00;
	v7 =	vld [tilespmem:s6+$0xB840]  }
0x74: {  	v8 =	vimm.f32 $0.0e+00;
	v4 =	vimm.f32 $0.0e+00;
	v9 =	vld [tilespmem:s6+$0xB850];
	v0 =	vadd.f32 v0, v1  }
0x75: {  	s11 =	simm.s32 $0x400;
	s23 =	simm.s32 $0x80;
	v12 =	vld [tilespmem:s6+$0xB860];
	v5 =	vadd.f32 v2, v1;
	v3 =	vadd.f32 v3, v1;
	v2 =	vimm.f32 $0.0e+00  }
.LBB2_7:
0x76: {  	p0 =	sne.s32 s11, $0x6200;
	v13 =	vld [tilespmem:s23+$0xB870];
	v1 =	vadd.f32 v11, v1  }
0x77: {  	v14 =	vld [tilespmem:s23+$0xB800];
	v6 =	vadd.f32 v10, v6  }
0x78: {  	v15 =	vld [tilespmem:s23+$0xB810];
	v8 =	vadd.f32 v7, v8  }
.Ltmp2:
0x79: {  	v11 =	vld [tilespmem:s23+$0xB820];
	v4 =	vadd.f32 v9, v4;
	(pc) =	sbr.rel @p0 .LBB2_7-.Ltmp2, $4  }
0x7a: {  	v10 =	vld [tilespmem:s23+$0xB830];
	v2 =	vadd.f32 v12, v2  }
0x7b: {  	v7 =	vld [tilespmem:s23+$0xB840];
	v0 =	vadd.f32 v13, v0  }
0x7c: {  	v5 =	vadd.f32 v14, v5;
	v9 =	vld [tilespmem:s23+$0xB850]  }
0x7d: {  	v3 =	vadd.f32 v15, v3;
	v12 =	vld [tilespmem:s23+$0xB860];
	s23 =	sshra.s32 s11, $0x2;
	s11 =	sadd.s32 $0x200, s11  }
0x7e: {  	v14 =	vld [tilespmem:s23+$0xB800]  }
0x7f: {  	v15 =	vld [tilespmem:s23+$0xB810]  }
0x80: {  	v16 =	vld [tilespmem:s23+$0xB820]  }
0x81: {  	v13 =	vld [tilespmem:s23+$0xB870]  }
0x82: {  	v6 =	vadd.f32 v10, v6;
	v10 =	vld [tilespmem:s23+$0xB860]  }
0x83: {  	v17 =	vld [tilespmem:s23+$0xB830];
	v1 =	vadd.f32 v11, v1;
	v5 =	vadd.f32 v14, v5  }
0x84: {  	v18 =	vld [tilespmem:s23+$0xB840];
	v3 =	vadd.f32 v15, v3  }
0x85: {  	v11 =	vld [tilespmem:s23+$0xB850];
	v2 =	vadd.f32 v12, v2;
	v1 =	vadd.f32 v16, v1;
	[tilespmem:s19+$0x16100] =	vst v5  }
0x86: {  	v0 =	vadd.f32 v13, v0;
	[tilespmem:s19+$0x16110] =	vst v3  }
0x87: {  	v7 =	vadd.f32 v7, v8;
	v2 =	vadd.f32 v10, v2;
	[tilespmem:s19+$0x16120] =	vst v1  }
0x88: {  	v4 =	vadd.f32 v9, v4;
	v5 =	vadd.f32 v17, v6;
	[tilespmem:s19+$0x16170] =	vst v0  }
0x89: {  	v3 =	vadd.f32 v18, v7;
	[tilespmem:s19+$0x16160] =	vst v2  }
0x8a: {  	v1 =	vadd.f32 v11, v4;
	[tilespmem:s19+$0x16130] =	vst v5  }
0x8b: {  	[tilespmem:s19+$0x16140] =	vst v3  }
0x8c: {  	s6 =	sadd.s32 $0x500, s19;
	[tilespmem:s19+$0x16150] =	vst v1  }
0x8d: {  	[tilespmem:s14], [sflag:$0x3] =	stream.indirect.gather [hbm4b:s2+s9], $0x80, s6, s9, $0xb8;
	[tilespmem:$0x1E000] =	vst v63  }
0x8e: {  	_ =	swait.ge [sflag:s29], $0x1900  }
0x8f: {  	[sflag:s29] =	ssyncset.done $0x0  }
0x90: {  	s6 =	simm.s32 $0x0;
	[sflag:s29] =	ssyncadd.s32 $0xFFFFE700  }
0x91: {  	v0 =	vld [tilespmem:s6+$0xD470]  }
0x92: {  	v2 =	vld [tilespmem:s6+$0xD400]  }
0x93: {  	v3 =	vld [tilespmem:s6+$0xD410]  }
0x94: {  	v11 =	vld [tilespmem:s6+$0xD420]  }
0x95: {  	v10 =	vld [tilespmem:s6+$0xD430]  }
0x96: {  	v8 =	vimm.f32 $0.0e+00;
	v1 =	vimm.f32 $0.0e+00;
	v7 =	vld [tilespmem:s6+$0xD440]  }
0x97: {  	v6 =	vimm.f32 $0.0e+00;
	v4 =	vimm.f32 $0.0e+00;
	v9 =	vld [tilespmem:s6+$0xD450];
	v0 =	vadd.f32 v0, v1  }
0x98: {  	s11 =	simm.s32 $0x400;
	s23 =	simm.s32 $0x80;
	v12 =	vld [tilespmem:s6+$0xD460];
	v5 =	vadd.f32 v2, v1;
	v3 =	vadd.f32 v3, v1;
	v2 =	vimm.f32 $0.0e+00  }
.LBB2_9:
0x99: {  	p0 =	sne.s32 s11, $0x6200;
	v13 =	vld [tilespmem:s23+$0xD470];
	v1 =	vadd.f32 v11, v1  }
0x9a: {  	v14 =	vld [tilespmem:s23+$0xD400];
	v6 =	vadd.f32 v10, v6  }
0x9b: {  	v15 =	vld [tilespmem:s23+$0xD410];
	v8 =	vadd.f32 v7, v8  }
.Ltmp3:
0x9c: {  	v11 =	vld [tilespmem:s23+$0xD420];
	v4 =	vadd.f32 v9, v4;
	(pc) =	sbr.rel @p0 .LBB2_9-.Ltmp3, $4  }
0x9d: {  	v10 =	vld [tilespmem:s23+$0xD430];
	v2 =	vadd.f32 v12, v2  }
0x9e: {  	v7 =	vld [tilespmem:s23+$0xD440];
	v0 =	vadd.f32 v13, v0  }
0x9f: {  	v5 =	vadd.f32 v14, v5;
	v9 =	vld [tilespmem:s23+$0xD450]  }
0xa0: {  	v3 =	vadd.f32 v15, v3;
	v12 =	vld [tilespmem:s23+$0xD460];
	s23 =	sshra.s32 s11, $0x2;
	s11 =	sadd.s32 $0x200, s11  }
0xa1: {  	v14 =	vld [tilespmem:s23+$0xD400]  }
0xa2: {  	v15 =	vld [tilespmem:s23+$0xD410]  }
0xa3: {  	v16 =	vld [tilespmem:s23+$0xD420]  }
0xa4: {  	v13 =	vld [tilespmem:s23+$0xD470]  }
0xa5: {  	v6 =	vadd.f32 v10, v6;
	v10 =	vld [tilespmem:s23+$0xD460]  }
0xa6: {  	v17 =	vld [tilespmem:s23+$0xD430];
	v1 =	vadd.f32 v11, v1;
	v5 =	vadd.f32 v14, v5  }
0xa7: {  	v18 =	vld [tilespmem:s23+$0xD440];
	v3 =	vadd.f32 v15, v3  }
0xa8: {  	v11 =	vld [tilespmem:s23+$0xD450];
	v2 =	vadd.f32 v12, v2;
	v1 =	vadd.f32 v16, v1;
	[tilespmem:s19+$0x16180] =	vst v5  }
0xa9: {  	v0 =	vadd.f32 v13, v0;
	[tilespmem:s19+$0x16190] =	vst v3  }
0xaa: {  	v7 =	vadd.f32 v7, v8;
	v2 =	vadd.f32 v10, v2;
	[tilespmem:s19+$0x161A0] =	vst v1  }
0xab: {  	v4 =	vadd.f32 v9, v4;
	v5 =	vadd.f32 v17, v6;
	[tilespmem:s19+$0x161F0] =	vst v0  }
0xac: {  	v3 =	vadd.f32 v18, v7;
	[tilespmem:s19+$0x161E0] =	vst v2  }
0xad: {  	v1 =	vadd.f32 v11, v4;
	[tilespmem:s19+$0x161B0] =	vst v5  }
0xae: {  	[tilespmem:s19+$0x161C0] =	vst v3  }
0xaf: {  	s6 =	sadd.s32 $0x580, s19;
	[tilespmem:s19+$0x161D0] =	vst v1  }
0xb0: {  	[tilespmem:s16], [sflag:$0x4] =	stream.indirect.gather [hbm4b:s2+s9], $0x80, s6, s9, $0xb8;
	[tilespmem:$0x1E000] =	vst v63  }
0xb1: {  	_ =	swait.ge [sflag:s30], $0x1900  }
0xb2: {  	[sflag:s30] =	ssyncset.done $0x0  }
0xb3: {  	s6 =	simm.s32 $0x0;
	[sflag:s30] =	ssyncadd.s32 $0xFFFFE700  }
0xb4: {  	v0 =	vld [tilespmem:s6+$0xF070]  }
0xb5: {  	v2 =	vld [tilespmem:s6+$0xF000]  }
0xb6: {  	v3 =	vld [tilespmem:s6+$0xF010]  }
0xb7: {  	v11 =	vld [tilespmem:s6+$0xF020]  }
0xb8: {  	v10 =	vld [tilespmem:s6+$0xF030]  }
0xb9: {  	v8 =	vimm.f32 $0.0e+00;
	v1 =	vimm.f32 $0.0e+00;
	v7 =	vld [tilespmem:s6+$0xF040]  }
0xba: {  	v6 =	vimm.f32 $0.0e+00;
	v4 =	vimm.f32 $0.0e+00;
	v9 =	vld [tilespmem:s6+$0xF050];
	v0 =	vadd.f32 v0, v1  }
0xbb: {  	s11 =	simm.s32 $0x400;
	s23 =	simm.s32 $0x80;
	v12 =	vld [tilespmem:s6+$0xF060];
	v5 =	vadd.f32 v2, v1;
	v3 =	vadd.f32 v3, v1;
	v2 =	vimm.f32 $0.0e+00  }
.LBB2_11:
0xbc: {  	p0 =	sne.s32 s11, $0x6200;
	v13 =	vld [tilespmem:s23+$0xF070];
	v1 =	vadd.f32 v11, v1  }
0xbd: {  	v14 =	vld [tilespmem:s23+$0xF000];
	v6 =	vadd.f32 v10, v6  }
0xbe: {  	v15 =	vld [tilespmem:s23+$0xF010];
	v8 =	vadd.f32 v7, v8  }
.Ltmp4:
0xbf: {  	v11 =	vld [tilespmem:s23+$0xF020];
	v4 =	vadd.f32 v9, v4;
	(pc) =	sbr.rel @p0 .LBB2_11-.Ltmp4, $4  }
0xc0: {  	v10 =	vld [tilespmem:s23+$0xF030];
	v2 =	vadd.f32 v12, v2  }
0xc1: {  	v7 =	vld [tilespmem:s23+$0xF040];
	v0 =	vadd.f32 v13, v0  }
0xc2: {  	v5 =	vadd.f32 v14, v5;
	v9 =	vld [tilespmem:s23+$0xF050]  }
0xc3: {  	v3 =	vadd.f32 v15, v3;
	v12 =	vld [tilespmem:s23+$0xF060];
	s23 =	sshra.s32 s11, $0x2;
	s11 =	sadd.s32 $0x200, s11  }
0xc4: {  	v14 =	vld [tilespmem:s23+$0xF000]  }
0xc5: {  	v15 =	vld [tilespmem:s23+$0xF010]  }
0xc6: {  	v16 =	vld [tilespmem:s23+$0xF020]  }
0xc7: {  	v13 =	vld [tilespmem:s23+$0xF070]  }
0xc8: {  	v6 =	vadd.f32 v10, v6;
	v10 =	vld [tilespmem:s23+$0xF060]  }
0xc9: {  	v17 =	vld [tilespmem:s23+$0xF030];
	v1 =	vadd.f32 v11, v1;
	v5 =	vadd.f32 v14, v5  }
0xca: {  	v18 =	vld [tilespmem:s23+$0xF040];
	v3 =	vadd.f32 v15, v3  }
0xcb: {  	v11 =	vld [tilespmem:s23+$0xF050];
	v2 =	vadd.f32 v12, v2;
	v1 =	vadd.f32 v16, v1;
	[tilespmem:s19+$0x16200] =	vst v5  }
0xcc: {  	v0 =	vadd.f32 v13, v0;
	[tilespmem:s19+$0x16210] =	vst v3  }
0xcd: {  	v7 =	vadd.f32 v7, v8;
	v2 =	vadd.f32 v10, v2;
	[tilespmem:s19+$0x16220] =	vst v1  }
0xce: {  	v4 =	vadd.f32 v9, v4;
	v5 =	vadd.f32 v17, v6;
	[tilespmem:s19+$0x16270] =	vst v0  }
0xcf: {  	v3 =	vadd.f32 v18, v7;
	[tilespmem:s19+$0x16260] =	vst v2  }
0xd0: {  	v1 =	vadd.f32 v11, v4;
	[tilespmem:s19+$0x16230] =	vst v5  }
0xd1: {  	[tilespmem:s19+$0x16240] =	vst v3  }
0xd2: {  	s6 =	sadd.s32 $0x600, s19;
	[tilespmem:s19+$0x16250] =	vst v1  }
0xd3: {  	[tilespmem:s18], [sflag:$0x5] =	stream.indirect.gather [hbm4b:s2+s9], $0x80, s6, s9, $0xb8;
	[tilespmem:$0x1E000] =	vst v63  }
0xd4: {  	_ =	swait.ge [sflag:s31], $0x1900  }
0xd5: {  	[sflag:s31] =	ssyncset.done $0x0  }
0xd6: {  	s6 =	simm.s32 $0x0;
	[sflag:s31] =	ssyncadd.s32 $0xFFFFE700  }
0xd7: {  	v0 =	vld [tilespmem:s6+$0x10C70]  }
0xd8: {  	v2 =	vld [tilespmem:s6+$0x10C00]  }
0xd9: {  	v3 =	vld [tilespmem:s6+$0x10C10]  }
0xda: {  	v11 =	vld [tilespmem:s6+$0x10C20]  }
0xdb: {  	v10 =	vld [tilespmem:s6+$0x10C30]  }
0xdc: {  	v8 =	vimm.f32 $0.0e+00;
	v1 =	vimm.f32 $0.0e+00;
	v7 =	vld [tilespmem:s6+$0x10C40]  }
0xdd: {  	v6 =	vimm.f32 $0.0e+00;
	v4 =	vimm.f32 $0.0e+00;
	v9 =	vld [tilespmem:s6+$0x10C50];
	v0 =	vadd.f32 v0, v1  }
0xde: {  	s11 =	simm.s32 $0x400;
	s23 =	simm.s32 $0x80;
	v12 =	vld [tilespmem:s6+$0x10C60];
	v5 =	vadd.f32 v2, v1;
	v3 =	vadd.f32 v3, v1;
	v2 =	vimm.f32 $0.0e+00  }
.LBB2_13:
0xdf: {  	p0 =	sne.s32 s11, $0x6200;
	v13 =	vld [tilespmem:s23+$0x10C70];
	v1 =	vadd.f32 v11, v1  }
0xe0: {  	v14 =	vld [tilespmem:s23+$0x10C00];
	v6 =	vadd.f32 v10, v6  }
0xe1: {  	v15 =	vld [tilespmem:s23+$0x10C10];
	v8 =	vadd.f32 v7, v8  }
.Ltmp5:
0xe2: {  	v11 =	vld [tilespmem:s23+$0x10C20];
	v4 =	vadd.f32 v9, v4;
	(pc) =	sbr.rel @p0 .LBB2_13-.Ltmp5, $4  }
0xe3: {  	v10 =	vld [tilespmem:s23+$0x10C30];
	v2 =	vadd.f32 v12, v2  }
0xe4: {  	v7 =	vld [tilespmem:s23+$0x10C40];
	v0 =	vadd.f32 v13, v0  }
0xe5: {  	v5 =	vadd.f32 v14, v5;
	v9 =	vld [tilespmem:s23+$0x10C50]  }
0xe6: {  	v3 =	vadd.f32 v15, v3;
	v12 =	vld [tilespmem:s23+$0x10C60];
	s23 =	sshra.s32 s11, $0x2;
	s11 =	sadd.s32 $0x200, s11  }
0xe7: {  	v14 =	vld [tilespmem:s23+$0x10C00]  }
0xe8: {  	v15 =	vld [tilespmem:s23+$0x10C10]  }
0xe9: {  	v16 =	vld [tilespmem:s23+$0x10C20]  }
0xea: {  	v13 =	vld [tilespmem:s23+$0x10C70]  }
0xeb: {  	v6 =	vadd.f32 v10, v6;
	v10 =	vld [tilespmem:s23+$0x10C60]  }
0xec: {  	v17 =	vld [tilespmem:s23+$0x10C30];
	v1 =	vadd.f32 v11, v1;
	v5 =	vadd.f32 v14, v5  }
0xed: {  	v18 =	vld [tilespmem:s23+$0x10C40];
	v3 =	vadd.f32 v15, v3  }
0xee: {  	v11 =	vld [tilespmem:s23+$0x10C50];
	v2 =	vadd.f32 v12, v2;
	v1 =	vadd.f32 v16, v1;
	[tilespmem:s19+$0x16280] =	vst v5  }
0xef: {  	v0 =	vadd.f32 v13, v0;
	[tilespmem:s19+$0x16290] =	vst v3  }
0xf0: {  	v7 =	vadd.f32 v7, v8;
	v2 =	vadd.f32 v10, v2;
	[tilespmem:s19+$0x162A0] =	vst v1  }
0xf1: {  	v4 =	vadd.f32 v9, v4;
	v5 =	vadd.f32 v17, v6;
	[tilespmem:s19+$0x162F0] =	vst v0  }
0xf2: {  	v3 =	vadd.f32 v18, v7;
	[tilespmem:s19+$0x162E0] =	vst v2  }
0xf3: {  	v1 =	vadd.f32 v11, v4;
	[tilespmem:s19+$0x162B0] =	vst v5  }
0xf4: {  	[tilespmem:s19+$0x162C0] =	vst v3  }
0xf5: {  	s6 =	sadd.s32 $0x680, s19;
	[tilespmem:s19+$0x162D0] =	vst v1  }
0xf6: {  	[tilespmem:s20], [sflag:$0x6] =	stream.indirect.gather [hbm4b:s2+s9], $0x80, s6, s9, $0xb8;
	[tilespmem:$0x1E000] =	vst v63  }
0xf7: {  	_ =	swait.ge [sflag:s1], $0x1900  }
0xf8: {  	[sflag:s1] =	ssyncset.done $0x0  }
0xf9: {  	s6 =	simm.s32 $0x0;
	[sflag:s1] =	ssyncadd.s32 $0xFFFFE700  }
0xfa: {  	v0 =	vld [tilespmem:s6+$0x12870]  }
0xfb: {  	v2 =	vld [tilespmem:s6+$0x12800]  }
0xfc: {  	v3 =	vld [tilespmem:s6+$0x12810]  }
0xfd: {  	v11 =	vld [tilespmem:s6+$0x12820]  }
0xfe: {  	v10 =	vld [tilespmem:s6+$0x12830]  }
0xff: {  	v8 =	vimm.f32 $0.0e+00;
	v1 =	vimm.f32 $0.0e+00;
	v7 =	vld [tilespmem:s6+$0x12840]  }
0x100: {  	v6 =	vimm.f32 $0.0e+00;
	v4 =	vimm.f32 $0.0e+00;
	v9 =	vld [tilespmem:s6+$0x12850];
	v0 =	vadd.f32 v0, v1  }
0x101: {  	s11 =	simm.s32 $0x400;
	s23 =	simm.s32 $0x80;
	v12 =	vld [tilespmem:s6+$0x12860];
	v5 =	vadd.f32 v2, v1;
	v3 =	vadd.f32 v3, v1;
	v2 =	vimm.f32 $0.0e+00  }
.LBB2_15:
0x102: {  	p0 =	sne.s32 s11, $0x6200;
	v13 =	vld [tilespmem:s23+$0x12870];
	v1 =	vadd.f32 v11, v1  }
0x103: {  	v14 =	vld [tilespmem:s23+$0x12800];
	v6 =	vadd.f32 v10, v6  }
0x104: {  	v15 =	vld [tilespmem:s23+$0x12810];
	v8 =	vadd.f32 v7, v8  }
.Ltmp6:
0x105: {  	v11 =	vld [tilespmem:s23+$0x12820];
	v4 =	vadd.f32 v9, v4;
	(pc) =	sbr.rel @p0 .LBB2_15-.Ltmp6, $4  }
0x106: {  	v10 =	vld [tilespmem:s23+$0x12830];
	v2 =	vadd.f32 v12, v2  }
0x107: {  	v7 =	vld [tilespmem:s23+$0x12840];
	v0 =	vadd.f32 v13, v0  }
0x108: {  	v5 =	vadd.f32 v14, v5;
	v9 =	vld [tilespmem:s23+$0x12850]  }
0x109: {  	v3 =	vadd.f32 v15, v3;
	v12 =	vld [tilespmem:s23+$0x12860];
	s23 =	sshra.s32 s11, $0x2;
	s11 =	sadd.s32 $0x200, s11  }
0x10a: {  	v14 =	vld [tilespmem:s23+$0x12800]  }
0x10b: {  	v15 =	vld [tilespmem:s23+$0x12810]  }
0x10c: {  	v16 =	vld [tilespmem:s23+$0x12820]  }
0x10d: {  	v13 =	vld [tilespmem:s23+$0x12870]  }
0x10e: {  	v6 =	vadd.f32 v10, v6;
	v10 =	vld [tilespmem:s23+$0x12860]  }
0x10f: {  	v17 =	vld [tilespmem:s23+$0x12830];
	v1 =	vadd.f32 v11, v1;
	v5 =	vadd.f32 v14, v5  }
0x110: {  	v18 =	vld [tilespmem:s23+$0x12840];
	v3 =	vadd.f32 v15, v3  }
0x111: {  	v11 =	vld [tilespmem:s23+$0x12850];
	v2 =	vadd.f32 v12, v2;
	v1 =	vadd.f32 v16, v1;
	[tilespmem:s19+$0x16300] =	vst v5  }
0x112: {  	v0 =	vadd.f32 v13, v0;
	[tilespmem:s19+$0x16310] =	vst v3  }
0x113: {  	v7 =	vadd.f32 v7, v8;
	v2 =	vadd.f32 v10, v2;
	[tilespmem:s19+$0x16320] =	vst v1  }
0x114: {  	v4 =	vadd.f32 v9, v4;
	v5 =	vadd.f32 v17, v6;
	[tilespmem:s19+$0x16370] =	vst v0  }
0x115: {  	v3 =	vadd.f32 v18, v7;
	[tilespmem:s19+$0x16360] =	vst v2  }
0x116: {  	v1 =	vadd.f32 v11, v4;
	[tilespmem:s19+$0x16330] =	vst v5  }
0x117: {  	[tilespmem:s19+$0x16340] =	vst v3  }
0x118: {  	s6 =	sadd.s32 $0x700, s19;
	[tilespmem:s19+$0x16350] =	vst v1  }
0x119: {  	[tilespmem:s22], [sflag:$0x7] =	stream.indirect.gather [hbm4b:s2+s9], $0x80, s6, s9, $0xb8;
	[tilespmem:$0x1E000] =	vst v63  }
0x11a: {  	_ =	swait.ge [sflag:s0], $0x1900  }
0x11b: {  	[sflag:s0] =	ssyncset.done $0x0  }
0x11c: {  	s6 =	simm.s32 $0x0;
	[sflag:s0] =	ssyncadd.s32 $0xFFFFE700  }
0x11d: {  	v0 =	vld [tilespmem:s6+$0x14470]  }
0x11e: {  	v2 =	vld [tilespmem:s6+$0x14400]  }
0x11f: {  	v3 =	vld [tilespmem:s6+$0x14410]  }
0x120: {  	v11 =	vld [tilespmem:s6+$0x14420]  }
0x121: {  	v10 =	vld [tilespmem:s6+$0x14430]  }
0x122: {  	v8 =	vimm.f32 $0.0e+00;
	v1 =	vimm.f32 $0.0e+00;
	v7 =	vld [tilespmem:s6+$0x14440]  }
0x123: {  	v6 =	vimm.f32 $0.0e+00;
	v4 =	vimm.f32 $0.0e+00;
	v9 =	vld [tilespmem:s6+$0x14450];
	v0 =	vadd.f32 v0, v1  }
0x124: {  	s11 =	simm.s32 $0x400;
	s23 =	simm.s32 $0x80;
	v12 =	vld [tilespmem:s6+$0x14460];
	v5 =	vadd.f32 v2, v1;
	v3 =	vadd.f32 v3, v1;
	v2 =	vimm.f32 $0.0e+00  }
.LBB2_17:
0x125: {  	p0 =	sne.s32 s11, $0x6200;
	v13 =	vld [tilespmem:s23+$0x14470];
	v1 =	vadd.f32 v11, v1  }
0x126: {  	v14 =	vld [tilespmem:s23+$0x14400];
	v6 =	vadd.f32 v10, v6  }
0x127: {  	v15 =	vld [tilespmem:s23+$0x14410];
	v8 =	vadd.f32 v7, v8  }
.Ltmp7:
0x128: {  	v11 =	vld [tilespmem:s23+$0x14420];
	v4 =	vadd.f32 v9, v4;
	(pc) =	sbr.rel @p0 .LBB2_17-.Ltmp7, $4  }
0x129: {  	v10 =	vld [tilespmem:s23+$0x14430];
	v2 =	vadd.f32 v12, v2  }
0x12a: {  	v7 =	vld [tilespmem:s23+$0x14440];
	v0 =	vadd.f32 v13, v0  }
0x12b: {  	v5 =	vadd.f32 v14, v5;
	v9 =	vld [tilespmem:s23+$0x14450]  }
0x12c: {  	v3 =	vadd.f32 v15, v3;
	v12 =	vld [tilespmem:s23+$0x14460];
	s23 =	sshra.s32 s11, $0x2;
	s11 =	sadd.s32 $0x200, s11  }
0x12d: {  	v14 =	vld [tilespmem:s23+$0x14400]  }
0x12e: {  	v15 =	vld [tilespmem:s23+$0x14410]  }
0x12f: {  	v16 =	vld [tilespmem:s23+$0x14420]  }
0x130: {  	v17 =	vld [tilespmem:s23+$0x14430]  }
0x131: {  	v18 =	vld [tilespmem:s23+$0x14440]  }
0x132: {  	v1 =	vadd.f32 v11, v1;
	v59 =	vld [tilespmem:s23+$0x14450];
	v5 =	vadd.f32 v14, v5  }
0x133: {  	v13 =	vld [tilespmem:s23+$0x14470];
	v6 =	vadd.f32 v10, v6;
	v3 =	vadd.f32 v15, v3  }
0x134: {  	v60 =	vld [tilespmem:s23+$0x14460];
	v7 =	vadd.f32 v7, v8;
	v1 =	vadd.f32 v16, v1;
	[tilespmem:s19+$0x16380] =	vst v5  }
0x135: {  	v4 =	vadd.f32 v9, v4;
	v61 =	vadd.f32 v17, v6;
	[tilespmem:s19+$0x16390] =	vst v3  }
0x136: {  	v62 =	vadd.f32 v18, v7;
	[tilespmem:s19+$0x163A0] =	vst v1  }
0x137: {  	v2 =	vadd.f32 v12, v2;
	v63 =	vadd.f32 v59, v4;
	[tilespmem:s19+$0x163B0] =	vst v61  }
0x138: {  	s23 =	sshll.u32 s17, $0x7;
	s17 =	sadd.s32 $0x1, s17;
	v0 =	vadd.f32 v13, v0;
	[tilespmem:s19+$0x163C0] =	vst v62  }
0x139: {  	p0 =	sne.s32 s17, $0x1F;
	v2 =	vadd.f32 v60, v2;
	[tilespmem:s19+$0x163D0] =	vst v63  }
.Ltmp8:
0x13a: {  	[tilespmem:s19+$0x163F0] =	vst v0;
	(pc) =	sbr.rel @p0 .LBB2_2-.Ltmp8, $4  }
0x13b: {  	s6 =	sadd.s32 $0x780, s19;
	[tilespmem:s19+$0x163E0] =	vst v2  }
0x13c: {  	[tilespmem:s24], [sflag:$0x8] =	stream.indirect.gather [hbm4b:s2+s9], $0x80, s6, s9, $0xb8;
	[tilespmem:$0x1E000] =	vst v63  }
0x13d: {  	s6 =	sadd.s32 s23, s5  }
0x13e: {  	[hbm4b:s6+s3] =	stream.linear.scatter [tilespmem:s21], [sflag:$0x9], $0x400, $0x38;
	[tilespmem:$0x1E000] =	vst v63  }
0x13f: {  	_ =	swait.ge [sflag:s25], $0x1900  }
0x140: {  	[sflag:s25] =	ssyncset.done $0x0  }
0x141: {  	s6 =	simm.s32 $0x0;
	[sflag:s25] =	ssyncadd.s32 $0xFFFFE700  }
0x142: {  	v0 =	vld [tilespmem:s6+$0x8070]  }
0x143: {  	v2 =	vld [tilespmem:s6+$0x8000]  }
0x144: {  	v3 =	vld [tilespmem:s6+$0x8010]  }
0x145: {  	v11 =	vld [tilespmem:s6+$0x8020]  }
0x146: {  	v10 =	vld [tilespmem:s6+$0x8030]  }
0x147: {  	v1 =	vimm.f32 $0.0e+00;
	v6 =	vimm.f32 $0.0e+00;
	v7 =	vld [tilespmem:s6+$0x8040]  }
0x148: {  	v8 =	vimm.f32 $0.0e+00;
	v4 =	vimm.f32 $0.0e+00;
	v9 =	vld [tilespmem:s6+$0x8050];
	v0 =	vadd.f32 v0, v1  }
0x149: {  	s17 =	simm.s32 $0x80;
	s11 =	simm.s32 $0x400;
	v12 =	vld [tilespmem:s6+$0x8060];
	v5 =	vadd.f32 v2, v1;
	v3 =	vadd.f32 v3, v1;
	v2 =	vimm.f32 $0.0e+00  }
.LBB2_20:
0x14a: {  	p0 =	sne.s32 s11, $0x6200;
	v13 =	vld [tilespmem:s17+$0x8070];
	v1 =	vadd.f32 v11, v1  }
0x14b: {  	v14 =	vld [tilespmem:s17+$0x8000];
	v6 =	vadd.f32 v10, v6  }
0x14c: {  	v15 =	vld [tilespmem:s17+$0x8010];
	v8 =	vadd.f32 v7, v8  }
.Ltmp9:
0x14d: {  	v11 =	vld [tilespmem:s17+$0x8020];
	v4 =	vadd.f32 v9, v4;
	(pc) =	sbr.rel @p0 .LBB2_20-.Ltmp9, $4  }
0x14e: {  	v10 =	vld [tilespmem:s17+$0x8030];
	v2 =	vadd.f32 v12, v2  }
0x14f: {  	v7 =	vld [tilespmem:s17+$0x8040];
	v0 =	vadd.f32 v13, v0  }
0x150: {  	v5 =	vadd.f32 v14, v5;
	v9 =	vld [tilespmem:s17+$0x8050]  }
0x151: {  	v3 =	vadd.f32 v15, v3;
	v12 =	vld [tilespmem:s17+$0x8060];
	s17 =	sshra.s32 s11, $0x2;
	s11 =	sadd.s32 $0x200, s11  }
0x152: {  	v14 =	vld [tilespmem:s17+$0x8000]  }
0x153: {  	v15 =	vld [tilespmem:s17+$0x8010]  }
0x154: {  	v16 =	vld [tilespmem:s17+$0x8020]  }
0x155: {  	v13 =	vld [tilespmem:s17+$0x8070]  }
0x156: {  	v6 =	vadd.f32 v10, v6;
	v10 =	vld [tilespmem:s17+$0x8060]  }
0x157: {  	v17 =	vld [tilespmem:s17+$0x8030];
	v1 =	vadd.f32 v11, v1;
	v5 =	vadd.f32 v14, v5  }
0x158: {  	v18 =	vld [tilespmem:s17+$0x8040];
	v3 =	vadd.f32 v15, v3  }
0x159: {  	v11 =	vld [tilespmem:s17+$0x8050];
	v2 =	vadd.f32 v12, v2;
	v1 =	vadd.f32 v16, v1;
	[tilespmem:$0x1DC00] =	vst v5  }
0x15a: {  	v0 =	vadd.f32 v13, v0;
	[tilespmem:$0x1DC10] =	vst v3  }
0x15b: {  	v7 =	vadd.f32 v7, v8;
	v2 =	vadd.f32 v10, v2;
	[tilespmem:$0x1DC20] =	vst v1  }
0x15c: {  	v4 =	vadd.f32 v9, v4;
	v5 =	vadd.f32 v17, v6;
	[tilespmem:$0x1DC70] =	vst v0  }
0x15d: {  	v3 =	vadd.f32 v18, v7;
	[tilespmem:$0x1DC60] =	vst v2  }
0x15e: {  	v1 =	vadd.f32 v11, v4;
	[tilespmem:$0x1DC30] =	vst v5  }
0x15f: {  	[tilespmem:$0x1DC40] =	vst v3  }
0x160: {  	[tilespmem:$0x1DC50] =	vst v1  }
0x161: {  	_ =	swait.ge [sflag:s26], $0x1900  }
0x162: {  	[sflag:s26] =	ssyncset.done $0x0  }
0x163: {  	s6 =	simm.s32 $0x0;
	[sflag:s26] =	ssyncadd.s32 $0xFFFFE700  }
0x164: {  	v0 =	vld [tilespmem:s6+$0x9C70]  }
0x165: {  	v2 =	vld [tilespmem:s6+$0x9C00]  }
0x166: {  	v3 =	vld [tilespmem:s6+$0x9C10]  }
0x167: {  	v11 =	vld [tilespmem:s6+$0x9C20]  }
0x168: {  	v10 =	vld [tilespmem:s6+$0x9C30]  }
0x169: {  	v8 =	vimm.f32 $0.0e+00;
	v1 =	vimm.f32 $0.0e+00;
	v7 =	vld [tilespmem:s6+$0x9C40]  }
0x16a: {  	v6 =	vimm.f32 $0.0e+00;
	v4 =	vimm.f32 $0.0e+00;
	v9 =	vld [tilespmem:s6+$0x9C50];
	v0 =	vadd.f32 v0, v1  }
0x16b: {  	s11 =	simm.s32 $0x400;
	s17 =	simm.s32 $0x80;
	v12 =	vld [tilespmem:s6+$0x9C60];
	v5 =	vadd.f32 v2, v1;
	v3 =	vadd.f32 v3, v1;
	v2 =	vimm.f32 $0.0e+00  }
.LBB2_22:
0x16c: {  	p0 =	sne.s32 s11, $0x6200;
	v13 =	vld [tilespmem:s17+$0x9C70];
	v1 =	vadd.f32 v11, v1  }
0x16d: {  	v14 =	vld [tilespmem:s17+$0x9C00];
	v6 =	vadd.f32 v10, v6  }
0x16e: {  	v15 =	vld [tilespmem:s17+$0x9C10];
	v8 =	vadd.f32 v7, v8  }
.Ltmp10:
0x16f: {  	v11 =	vld [tilespmem:s17+$0x9C20];
	v4 =	vadd.f32 v9, v4;
	(pc) =	sbr.rel @p0 .LBB2_22-.Ltmp10, $4  }
0x170: {  	v10 =	vld [tilespmem:s17+$0x9C30];
	v2 =	vadd.f32 v12, v2  }
0x171: {  	v7 =	vld [tilespmem:s17+$0x9C40];
	v0 =	vadd.f32 v13, v0  }
0x172: {  	v5 =	vadd.f32 v14, v5;
	v9 =	vld [tilespmem:s17+$0x9C50]  }
0x173: {  	v3 =	vadd.f32 v15, v3;
	v12 =	vld [tilespmem:s17+$0x9C60];
	s17 =	sshra.s32 s11, $0x2;
	s11 =	sadd.s32 $0x200, s11  }
0x174: {  	v14 =	vld [tilespmem:s17+$0x9C00]  }
0x175: {  	v15 =	vld [tilespmem:s17+$0x9C10]  }
0x176: {  	v16 =	vld [tilespmem:s17+$0x9C20]  }
0x177: {  	v13 =	vld [tilespmem:s17+$0x9C70]  }
0x178: {  	v6 =	vadd.f32 v10, v6;
	v10 =	vld [tilespmem:s17+$0x9C60]  }
0x179: {  	v17 =	vld [tilespmem:s17+$0x9C30];
	v1 =	vadd.f32 v11, v1;
	v5 =	vadd.f32 v14, v5  }
0x17a: {  	v18 =	vld [tilespmem:s17+$0x9C40];
	v3 =	vadd.f32 v15, v3  }
0x17b: {  	v11 =	vld [tilespmem:s17+$0x9C50];
	v2 =	vadd.f32 v12, v2;
	v1 =	vadd.f32 v16, v1;
	[tilespmem:$0x1DC80] =	vst v5  }
0x17c: {  	v0 =	vadd.f32 v13, v0;
	[tilespmem:$0x1DC90] =	vst v3  }
0x17d: {  	v7 =	vadd.f32 v7, v8;
	v2 =	vadd.f32 v10, v2;
	[tilespmem:$0x1DCA0] =	vst v1  }
0x17e: {  	v4 =	vadd.f32 v9, v4;
	v5 =	vadd.f32 v17, v6;
	[tilespmem:$0x1DCF0] =	vst v0  }
0x17f: {  	v3 =	vadd.f32 v18, v7;
	[tilespmem:$0x1DCE0] =	vst v2  }
0x180: {  	v1 =	vadd.f32 v11, v4;
	[tilespmem:$0x1DCB0] =	vst v5  }
0x181: {  	[tilespmem:$0x1DCC0] =	vst v3  }
0x182: {  	[tilespmem:$0x1DCD0] =	vst v1  }
0x183: {  	_ =	swait.ge [sflag:s28], $0x1900  }
0x184: {  	[sflag:s28] =	ssyncset.done $0x0  }
0x185: {  	s6 =	simm.s32 $0x0;
	[sflag:s28] =	ssyncadd.s32 $0xFFFFE700  }
0x186: {  	v0 =	vld [tilespmem:s6+$0xB870]  }
0x187: {  	v2 =	vld [tilespmem:s6+$0xB800]  }
0x188: {  	v3 =	vld [tilespmem:s6+$0xB810]  }
0x189: {  	v11 =	vld [tilespmem:s6+$0xB820]  }
0x18a: {  	v10 =	vld [tilespmem:s6+$0xB830]  }
0x18b: {  	v8 =	vimm.f32 $0.0e+00;
	v1 =	vimm.f32 $0.0e+00;
	v7 =	vld [tilespmem:s6+$0xB840]  }
0x18c: {  	v6 =	vimm.f32 $0.0e+00;
	v4 =	vimm.f32 $0.0e+00;
	v9 =	vld [tilespmem:s6+$0xB850];
	v0 =	vadd.f32 v0, v1  }
0x18d: {  	s11 =	simm.s32 $0x400;
	s17 =	simm.s32 $0x80;
	v12 =	vld [tilespmem:s6+$0xB860];
	v5 =	vadd.f32 v2, v1;
	v3 =	vadd.f32 v3, v1;
	v2 =	vimm.f32 $0.0e+00  }
.LBB2_24:
0x18e: {  	p0 =	sne.s32 s11, $0x6200;
	v13 =	vld [tilespmem:s17+$0xB870];
	v1 =	vadd.f32 v11, v1  }
0x18f: {  	v14 =	vld [tilespmem:s17+$0xB800];
	v6 =	vadd.f32 v10, v6  }
0x190: {  	v15 =	vld [tilespmem:s17+$0xB810];
	v8 =	vadd.f32 v7, v8  }
.Ltmp11:
0x191: {  	v11 =	vld [tilespmem:s17+$0xB820];
	v4 =	vadd.f32 v9, v4;
	(pc) =	sbr.rel @p0 .LBB2_24-.Ltmp11, $4  }
0x192: {  	v10 =	vld [tilespmem:s17+$0xB830];
	v2 =	vadd.f32 v12, v2  }
0x193: {  	v7 =	vld [tilespmem:s17+$0xB840];
	v0 =	vadd.f32 v13, v0  }
0x194: {  	v5 =	vadd.f32 v14, v5;
	v9 =	vld [tilespmem:s17+$0xB850]  }
0x195: {  	v3 =	vadd.f32 v15, v3;
	v12 =	vld [tilespmem:s17+$0xB860];
	s17 =	sshra.s32 s11, $0x2;
	s11 =	sadd.s32 $0x200, s11  }
0x196: {  	v14 =	vld [tilespmem:s17+$0xB800]  }
0x197: {  	v15 =	vld [tilespmem:s17+$0xB810]  }
0x198: {  	v16 =	vld [tilespmem:s17+$0xB820]  }
0x199: {  	v13 =	vld [tilespmem:s17+$0xB870]  }
0x19a: {  	v6 =	vadd.f32 v10, v6;
	v10 =	vld [tilespmem:s17+$0xB860]  }
0x19b: {  	v17 =	vld [tilespmem:s17+$0xB830];
	v1 =	vadd.f32 v11, v1;
	v5 =	vadd.f32 v14, v5  }
0x19c: {  	v18 =	vld [tilespmem:s17+$0xB840];
	v3 =	vadd.f32 v15, v3  }
0x19d: {  	v11 =	vld [tilespmem:s17+$0xB850];
	v2 =	vadd.f32 v12, v2;
	v1 =	vadd.f32 v16, v1;
	[tilespmem:$0x1DD00] =	vst v5  }
0x19e: {  	v0 =	vadd.f32 v13, v0;
	[tilespmem:$0x1DD10] =	vst v3  }
0x19f: {  	v7 =	vadd.f32 v7, v8;
	v2 =	vadd.f32 v10, v2;
	[tilespmem:$0x1DD20] =	vst v1  }
0x1a0: {  	v4 =	vadd.f32 v9, v4;
	v5 =	vadd.f32 v17, v6;
	[tilespmem:$0x1DD70] =	vst v0  }
0x1a1: {  	v3 =	vadd.f32 v18, v7;
	[tilespmem:$0x1DD60] =	vst v2  }
0x1a2: {  	v1 =	vadd.f32 v11, v4;
	[tilespmem:$0x1DD30] =	vst v5  }
0x1a3: {  	[tilespmem:$0x1DD40] =	vst v3  }
0x1a4: {  	[tilespmem:$0x1DD50] =	vst v1  }
0x1a5: {  	_ =	swait.ge [sflag:s29], $0x1900  }
0x1a6: {  	[sflag:s29] =	ssyncset.done $0x0  }
0x1a7: {  	s6 =	simm.s32 $0x0;
	[sflag:s29] =	ssyncadd.s32 $0xFFFFE700  }
0x1a8: {  	v0 =	vld [tilespmem:s6+$0xD470]  }
0x1a9: {  	v2 =	vld [tilespmem:s6+$0xD400]  }
0x1aa: {  	v3 =	vld [tilespmem:s6+$0xD410]  }
0x1ab: {  	v11 =	vld [tilespmem:s6+$0xD420]  }
0x1ac: {  	v10 =	vld [tilespmem:s6+$0xD430]  }
0x1ad: {  	v8 =	vimm.f32 $0.0e+00;
	v1 =	vimm.f32 $0.0e+00;
	v7 =	vld [tilespmem:s6+$0xD440]  }
0x1ae: {  	v6 =	vimm.f32 $0.0e+00;
	v4 =	vimm.f32 $0.0e+00;
	v9 =	vld [tilespmem:s6+$0xD450];
	v0 =	vadd.f32 v0, v1  }
0x1af: {  	s11 =	simm.s32 $0x400;
	s17 =	simm.s32 $0x80;
	v12 =	vld [tilespmem:s6+$0xD460];
	v5 =	vadd.f32 v2, v1;
	v3 =	vadd.f32 v3, v1;
	v2 =	vimm.f32 $0.0e+00  }
.LBB2_26:
0x1b0: {  	p0 =	sne.s32 s11, $0x6200;
	v13 =	vld [tilespmem:s17+$0xD470];
	v1 =	vadd.f32 v11, v1  }
0x1b1: {  	v14 =	vld [tilespmem:s17+$0xD400];
	v6 =	vadd.f32 v10, v6  }
0x1b2: {  	v15 =	vld [tilespmem:s17+$0xD410];
	v8 =	vadd.f32 v7, v8  }
.Ltmp12:
0x1b3: {  	v11 =	vld [tilespmem:s17+$0xD420];
	v4 =	vadd.f32 v9, v4;
	(pc) =	sbr.rel @p0 .LBB2_26-.Ltmp12, $4  }
0x1b4: {  	v10 =	vld [tilespmem:s17+$0xD430];
	v2 =	vadd.f32 v12, v2  }
0x1b5: {  	v7 =	vld [tilespmem:s17+$0xD440];
	v0 =	vadd.f32 v13, v0  }
0x1b6: {  	v5 =	vadd.f32 v14, v5;
	v9 =	vld [tilespmem:s17+$0xD450]  }
0x1b7: {  	v3 =	vadd.f32 v15, v3;
	v12 =	vld [tilespmem:s17+$0xD460];
	s17 =	sshra.s32 s11, $0x2;
	s11 =	sadd.s32 $0x200, s11  }
0x1b8: {  	v14 =	vld [tilespmem:s17+$0xD400]  }
0x1b9: {  	v15 =	vld [tilespmem:s17+$0xD410]  }
0x1ba: {  	v16 =	vld [tilespmem:s17+$0xD420]  }
0x1bb: {  	v13 =	vld [tilespmem:s17+$0xD470]  }
0x1bc: {  	v6 =	vadd.f32 v10, v6;
	v10 =	vld [tilespmem:s17+$0xD460]  }
0x1bd: {  	v17 =	vld [tilespmem:s17+$0xD430];
	v1 =	vadd.f32 v11, v1;
	v5 =	vadd.f32 v14, v5  }
0x1be: {  	v18 =	vld [tilespmem:s17+$0xD440];
	v3 =	vadd.f32 v15, v3  }
0x1bf: {  	v11 =	vld [tilespmem:s17+$0xD450];
	v2 =	vadd.f32 v12, v2;
	v1 =	vadd.f32 v16, v1;
	[tilespmem:$0x1DD80] =	vst v5  }
0x1c0: {  	v0 =	vadd.f32 v13, v0;
	[tilespmem:$0x1DD90] =	vst v3  }
0x1c1: {  	v7 =	vadd.f32 v7, v8;
	v2 =	vadd.f32 v10, v2;
	[tilespmem:$0x1DDA0] =	vst v1  }
0x1c2: {  	v4 =	vadd.f32 v9, v4;
	v5 =	vadd.f32 v17, v6;
	[tilespmem:$0x1DDF0] =	vst v0  }
0x1c3: {  	v3 =	vadd.f32 v18, v7;
	[tilespmem:$0x1DDE0] =	vst v2  }
0x1c4: {  	v1 =	vadd.f32 v11, v4;
	[tilespmem:$0x1DDB0] =	vst v5  }
0x1c5: {  	[tilespmem:$0x1DDC0] =	vst v3  }
0x1c6: {  	[tilespmem:$0x1DDD0] =	vst v1  }
0x1c7: {  	_ =	swait.ge [sflag:s30], $0x1900  }
0x1c8: {  	[sflag:s30] =	ssyncset.done $0x0  }
0x1c9: {  	s6 =	simm.s32 $0x0;
	[sflag:s30] =	ssyncadd.s32 $0xFFFFE700  }
0x1ca: {  	v0 =	vld [tilespmem:s6+$0xF070]  }
0x1cb: {  	v2 =	vld [tilespmem:s6+$0xF000]  }
0x1cc: {  	v3 =	vld [tilespmem:s6+$0xF010]  }
0x1cd: {  	v11 =	vld [tilespmem:s6+$0xF020]  }
0x1ce: {  	v10 =	vld [tilespmem:s6+$0xF030]  }
0x1cf: {  	v8 =	vimm.f32 $0.0e+00;
	v1 =	vimm.f32 $0.0e+00;
	v7 =	vld [tilespmem:s6+$0xF040]  }
0x1d0: {  	v6 =	vimm.f32 $0.0e+00;
	v4 =	vimm.f32 $0.0e+00;
	v9 =	vld [tilespmem:s6+$0xF050];
	v0 =	vadd.f32 v0, v1  }
0x1d1: {  	s11 =	simm.s32 $0x400;
	s17 =	simm.s32 $0x80;
	v12 =	vld [tilespmem:s6+$0xF060];
	v5 =	vadd.f32 v2, v1;
	v3 =	vadd.f32 v3, v1;
	v2 =	vimm.f32 $0.0e+00  }
.LBB2_28:
0x1d2: {  	p0 =	sne.s32 s11, $0x6200;
	v13 =	vld [tilespmem:s17+$0xF070];
	v1 =	vadd.f32 v11, v1  }
0x1d3: {  	v14 =	vld [tilespmem:s17+$0xF000];
	v6 =	vadd.f32 v10, v6  }
0x1d4: {  	v15 =	vld [tilespmem:s17+$0xF010];
	v8 =	vadd.f32 v7, v8  }
.Ltmp13:
0x1d5: {  	v11 =	vld [tilespmem:s17+$0xF020];
	v4 =	vadd.f32 v9, v4;
	(pc) =	sbr.rel @p0 .LBB2_28-.Ltmp13, $4  }
0x1d6: {  	v10 =	vld [tilespmem:s17+$0xF030];
	v2 =	vadd.f32 v12, v2  }
0x1d7: {  	v7 =	vld [tilespmem:s17+$0xF040];
	v0 =	vadd.f32 v13, v0  }
0x1d8: {  	v5 =	vadd.f32 v14, v5;
	v9 =	vld [tilespmem:s17+$0xF050]  }
0x1d9: {  	v3 =	vadd.f32 v15, v3;
	v12 =	vld [tilespmem:s17+$0xF060];
	s17 =	sshra.s32 s11, $0x2;
	s11 =	sadd.s32 $0x200, s11  }
0x1da: {  	v14 =	vld [tilespmem:s17+$0xF000]  }
0x1db: {  	v15 =	vld [tilespmem:s17+$0xF010]  }
0x1dc: {  	v16 =	vld [tilespmem:s17+$0xF020]  }
0x1dd: {  	v13 =	vld [tilespmem:s17+$0xF070]  }
0x1de: {  	v6 =	vadd.f32 v10, v6;
	v10 =	vld [tilespmem:s17+$0xF060]  }
0x1df: {  	v17 =	vld [tilespmem:s17+$0xF030];
	v1 =	vadd.f32 v11, v1;
	v5 =	vadd.f32 v14, v5  }
0x1e0: {  	v18 =	vld [tilespmem:s17+$0xF040];
	v3 =	vadd.f32 v15, v3  }
0x1e1: {  	v11 =	vld [tilespmem:s17+$0xF050];
	v2 =	vadd.f32 v12, v2;
	v1 =	vadd.f32 v16, v1;
	[tilespmem:$0x1DE00] =	vst v5  }
0x1e2: {  	v0 =	vadd.f32 v13, v0;
	[tilespmem:$0x1DE10] =	vst v3  }
0x1e3: {  	v7 =	vadd.f32 v7, v8;
	v2 =	vadd.f32 v10, v2;
	[tilespmem:$0x1DE20] =	vst v1  }
0x1e4: {  	v4 =	vadd.f32 v9, v4;
	v5 =	vadd.f32 v17, v6;
	[tilespmem:$0x1DE70] =	vst v0  }
0x1e5: {  	v3 =	vadd.f32 v18, v7;
	[tilespmem:$0x1DE60] =	vst v2  }
0x1e6: {  	v1 =	vadd.f32 v11, v4;
	[tilespmem:$0x1DE30] =	vst v5  }
0x1e7: {  	[tilespmem:$0x1DE40] =	vst v3  }
0x1e8: {  	[tilespmem:$0x1DE50] =	vst v1  }
0x1e9: {  	_ =	swait.ge [sflag:s31], $0x1900  }
0x1ea: {  	[sflag:s31] =	ssyncset.done $0x0  }
0x1eb: {  	s6 =	simm.s32 $0x0;
	[sflag:s31] =	ssyncadd.s32 $0xFFFFE700  }
0x1ec: {  	v0 =	vld [tilespmem:s6+$0x10C70]  }
0x1ed: {  	v2 =	vld [tilespmem:s6+$0x10C00]  }
0x1ee: {  	v3 =	vld [tilespmem:s6+$0x10C10]  }
0x1ef: {  	v11 =	vld [tilespmem:s6+$0x10C20]  }
0x1f0: {  	v10 =	vld [tilespmem:s6+$0x10C30]  }
0x1f1: {  	v8 =	vimm.f32 $0.0e+00;
	v1 =	vimm.f32 $0.0e+00;
	v7 =	vld [tilespmem:s6+$0x10C40]  }
0x1f2: {  	v6 =	vimm.f32 $0.0e+00;
	v4 =	vimm.f32 $0.0e+00;
	v9 =	vld [tilespmem:s6+$0x10C50];
	v0 =	vadd.f32 v0, v1  }
0x1f3: {  	s11 =	simm.s32 $0x400;
	s17 =	simm.s32 $0x80;
	v12 =	vld [tilespmem:s6+$0x10C60];
	v5 =	vadd.f32 v2, v1;
	v3 =	vadd.f32 v3, v1;
	v2 =	vimm.f32 $0.0e+00  }
.LBB2_30:
0x1f4: {  	p0 =	sne.s32 s11, $0x6200;
	v13 =	vld [tilespmem:s17+$0x10C70];
	v1 =	vadd.f32 v11, v1  }
0x1f5: {  	v14 =	vld [tilespmem:s17+$0x10C00];
	v6 =	vadd.f32 v10, v6  }
0x1f6: {  	v15 =	vld [tilespmem:s17+$0x10C10];
	v8 =	vadd.f32 v7, v8  }
.Ltmp14:
0x1f7: {  	v11 =	vld [tilespmem:s17+$0x10C20];
	v4 =	vadd.f32 v9, v4;
	(pc) =	sbr.rel @p0 .LBB2_30-.Ltmp14, $4  }
0x1f8: {  	v10 =	vld [tilespmem:s17+$0x10C30];
	v2 =	vadd.f32 v12, v2  }
0x1f9: {  	v7 =	vld [tilespmem:s17+$0x10C40];
	v0 =	vadd.f32 v13, v0  }
0x1fa: {  	v5 =	vadd.f32 v14, v5;
	v9 =	vld [tilespmem:s17+$0x10C50]  }
0x1fb: {  	v3 =	vadd.f32 v15, v3;
	v12 =	vld [tilespmem:s17+$0x10C60];
	s17 =	sshra.s32 s11, $0x2;
	s11 =	sadd.s32 $0x200, s11  }
0x1fc: {  	v14 =	vld [tilespmem:s17+$0x10C00]  }
0x1fd: {  	v15 =	vld [tilespmem:s17+$0x10C10]  }
0x1fe: {  	v16 =	vld [tilespmem:s17+$0x10C20]  }
0x1ff: {  	v13 =	vld [tilespmem:s17+$0x10C70]  }
0x200: {  	v6 =	vadd.f32 v10, v6;
	v10 =	vld [tilespmem:s17+$0x10C60]  }
0x201: {  	v17 =	vld [tilespmem:s17+$0x10C30];
	v1 =	vadd.f32 v11, v1;
	v5 =	vadd.f32 v14, v5  }
0x202: {  	v18 =	vld [tilespmem:s17+$0x10C40];
	v3 =	vadd.f32 v15, v3  }
0x203: {  	v11 =	vld [tilespmem:s17+$0x10C50];
	v2 =	vadd.f32 v12, v2;
	v1 =	vadd.f32 v16, v1;
	[tilespmem:$0x1DE80] =	vst v5  }
0x204: {  	v0 =	vadd.f32 v13, v0;
	[tilespmem:$0x1DE90] =	vst v3  }
0x205: {  	v7 =	vadd.f32 v7, v8;
	v2 =	vadd.f32 v10, v2;
	[tilespmem:$0x1DEA0] =	vst v1  }
0x206: {  	v4 =	vadd.f32 v9, v4;
	v5 =	vadd.f32 v17, v6;
	[tilespmem:$0x1DEF0] =	vst v0  }
0x207: {  	v3 =	vadd.f32 v18, v7;
	[tilespmem:$0x1DEE0] =	vst v2  }
0x208: {  	v1 =	vadd.f32 v11, v4;
	[tilespmem:$0x1DEB0] =	vst v5  }
0x209: {  	[tilespmem:$0x1DEC0] =	vst v3  }
0x20a: {  	[tilespmem:$0x1DED0] =	vst v1  }
0x20b: {  	_ =	swait.ge [sflag:s1], $0x1900  }
0x20c: {  	[sflag:s1] =	ssyncset.done $0x0  }
0x20d: {  	s6 =	simm.s32 $0x0;
	[sflag:s1] =	ssyncadd.s32 $0xFFFFE700  }
0x20e: {  	v0 =	vld [tilespmem:s6+$0x12870]  }
0x20f: {  	v2 =	vld [tilespmem:s6+$0x12800]  }
0x210: {  	v3 =	vld [tilespmem:s6+$0x12810]  }
0x211: {  	v11 =	vld [tilespmem:s6+$0x12820]  }
0x212: {  	v10 =	vld [tilespmem:s6+$0x12830]  }
0x213: {  	v8 =	vimm.f32 $0.0e+00;
	v1 =	vimm.f32 $0.0e+00;
	v7 =	vld [tilespmem:s6+$0x12840]  }
0x214: {  	v6 =	vimm.f32 $0.0e+00;
	v4 =	vimm.f32 $0.0e+00;
	v9 =	vld [tilespmem:s6+$0x12850];
	v0 =	vadd.f32 v0, v1  }
0x215: {  	s11 =	simm.s32 $0x400;
	s17 =	simm.s32 $0x80;
	v12 =	vld [tilespmem:s6+$0x12860];
	v5 =	vadd.f32 v2, v1;
	v3 =	vadd.f32 v3, v1;
	v2 =	vimm.f32 $0.0e+00  }
.LBB2_32:
0x216: {  	p0 =	sne.s32 s11, $0x6200;
	v13 =	vld [tilespmem:s17+$0x12870];
	v1 =	vadd.f32 v11, v1  }
0x217: {  	v14 =	vld [tilespmem:s17+$0x12800];
	v6 =	vadd.f32 v10, v6  }
0x218: {  	v15 =	vld [tilespmem:s17+$0x12810];
	v8 =	vadd.f32 v7, v8  }
.Ltmp15:
0x219: {  	v11 =	vld [tilespmem:s17+$0x12820];
	v4 =	vadd.f32 v9, v4;
	(pc) =	sbr.rel @p0 .LBB2_32-.Ltmp15, $4  }
0x21a: {  	v10 =	vld [tilespmem:s17+$0x12830];
	v2 =	vadd.f32 v12, v2  }
0x21b: {  	v7 =	vld [tilespmem:s17+$0x12840];
	v0 =	vadd.f32 v13, v0  }
0x21c: {  	v5 =	vadd.f32 v14, v5;
	v9 =	vld [tilespmem:s17+$0x12850]  }
0x21d: {  	v3 =	vadd.f32 v15, v3;
	v12 =	vld [tilespmem:s17+$0x12860];
	s17 =	sshra.s32 s11, $0x2;
	s11 =	sadd.s32 $0x200, s11  }
0x21e: {  	v14 =	vld [tilespmem:s17+$0x12800]  }
0x21f: {  	v15 =	vld [tilespmem:s17+$0x12810]  }
0x220: {  	v16 =	vld [tilespmem:s17+$0x12820]  }
0x221: {  	v13 =	vld [tilespmem:s17+$0x12870]  }
0x222: {  	v6 =	vadd.f32 v10, v6;
	v10 =	vld [tilespmem:s17+$0x12860]  }
0x223: {  	v17 =	vld [tilespmem:s17+$0x12830];
	v1 =	vadd.f32 v11, v1;
	v5 =	vadd.f32 v14, v5  }
0x224: {  	v18 =	vld [tilespmem:s17+$0x12840];
	v3 =	vadd.f32 v15, v3  }
0x225: {  	v11 =	vld [tilespmem:s17+$0x12850];
	v2 =	vadd.f32 v12, v2;
	v1 =	vadd.f32 v16, v1;
	[tilespmem:$0x1DF00] =	vst v5  }
0x226: {  	v0 =	vadd.f32 v13, v0;
	[tilespmem:$0x1DF10] =	vst v3  }
0x227: {  	v7 =	vadd.f32 v7, v8;
	v2 =	vadd.f32 v10, v2;
	[tilespmem:$0x1DF20] =	vst v1  }
0x228: {  	v4 =	vadd.f32 v9, v4;
	v5 =	vadd.f32 v17, v6;
	[tilespmem:$0x1DF70] =	vst v0  }
0x229: {  	v3 =	vadd.f32 v18, v7;
	[tilespmem:$0x1DF60] =	vst v2  }
0x22a: {  	v1 =	vadd.f32 v11, v4;
	[tilespmem:$0x1DF30] =	vst v5  }
0x22b: {  	[tilespmem:$0x1DF40] =	vst v3  }
0x22c: {  	[tilespmem:$0x1DF50] =	vst v1  }
0x22d: {  	_ =	swait.ge [sflag:s0], $0x1900  }
0x22e: {  	[sflag:s0] =	ssyncset.done $0x0  }
0x22f: {  	s6 =	simm.s32 $0x0;
	[sflag:s0] =	ssyncadd.s32 $0xFFFFE700  }
0x230: {  	v0 =	vld [tilespmem:s6+$0x14470]  }
0x231: {  	v2 =	vld [tilespmem:s6+$0x14400]  }
0x232: {  	v3 =	vld [tilespmem:s6+$0x14410]  }
0x233: {  	v11 =	vld [tilespmem:s6+$0x14420]  }
0x234: {  	v10 =	vld [tilespmem:s6+$0x14430]  }
0x235: {  	v8 =	vimm.f32 $0.0e+00;
	v1 =	vimm.f32 $0.0e+00;
	v7 =	vld [tilespmem:s6+$0x14440]  }
0x236: {  	v6 =	vimm.f32 $0.0e+00;
	v4 =	vimm.f32 $0.0e+00;
	v9 =	vld [tilespmem:s6+$0x14450];
	v0 =	vadd.f32 v0, v1  }
0x237: {  	s11 =	simm.s32 $0x400;
	s17 =	simm.s32 $0x80;
	v12 =	vld [tilespmem:s6+$0x14460];
	v5 =	vadd.f32 v2, v1;
	v3 =	vadd.f32 v3, v1;
	v2 =	vimm.f32 $0.0e+00  }
.LBB2_34:
0x238: {  	p0 =	sne.s32 s11, $0x6200;
	v13 =	vld [tilespmem:s17+$0x14470];
	v1 =	vadd.f32 v11, v1  }
0x239: {  	v14 =	vld [tilespmem:s17+$0x14400];
	v6 =	vadd.f32 v10, v6  }
0x23a: {  	v15 =	vld [tilespmem:s17+$0x14410];
	v8 =	vadd.f32 v7, v8  }
.Ltmp16:
0x23b: {  	v11 =	vld [tilespmem:s17+$0x14420];
	v4 =	vadd.f32 v9, v4;
	(pc) =	sbr.rel @p0 .LBB2_34-.Ltmp16, $4  }
0x23c: {  	v10 =	vld [tilespmem:s17+$0x14430];
	v2 =	vadd.f32 v12, v2  }
0x23d: {  	v7 =	vld [tilespmem:s17+$0x14440];
	v0 =	vadd.f32 v13, v0  }
0x23e: {  	v5 =	vadd.f32 v14, v5;
	v9 =	vld [tilespmem:s17+$0x14450]  }
0x23f: {  	v3 =	vadd.f32 v15, v3;
	v12 =	vld [tilespmem:s17+$0x14460];
	s17 =	sshra.s32 s11, $0x2;
	s11 =	sadd.s32 $0x200, s11  }
0x240: {  	v14 =	vld [tilespmem:s17+$0x14400]  }
0x241: {  	v15 =	vld [tilespmem:s17+$0x14410]  }
0x242: {  	v16 =	vld [tilespmem:s17+$0x14420]  }
0x243: {  	v17 =	vld [tilespmem:s17+$0x14430]  }
0x244: {  	v18 =	vld [tilespmem:s17+$0x14440]  }
0x245: {  	v1 =	vadd.f32 v11, v1;
	v59 =	vld [tilespmem:s17+$0x14450];
	v5 =	vadd.f32 v14, v5  }
0x246: {  	v13 =	vld [tilespmem:s17+$0x14470];
	v6 =	vadd.f32 v10, v6;
	v3 =	vadd.f32 v15, v3  }
0x247: {  	v60 =	vld [tilespmem:s17+$0x14460];
	v7 =	vadd.f32 v7, v8;
	v1 =	vadd.f32 v16, v1;
	[tilespmem:$0x1DF80] =	vst v5  }
0x248: {  	v4 =	vadd.f32 v9, v4;
	v61 =	vadd.f32 v17, v6;
	[tilespmem:$0x1DF90] =	vst v3  }
0x249: {  	v62 =	vadd.f32 v18, v7;
	[tilespmem:$0x1DFA0] =	vst v1  }
0x24a: {  	v2 =	vadd.f32 v12, v2;
	v63 =	vadd.f32 v59, v4;
	[tilespmem:$0x1DFB0] =	vst v61  }
0x24b: {  	v0 =	vadd.f32 v13, v0;
	[tilespmem:$0x1DFC0] =	vst v62  }
0x24c: {  	s15 =	sadd.s32 $0x1, s15;
	v2 =	vadd.f32 v60, v2;
	[tilespmem:$0x1DFD0] =	vst v63  }
0x24d: {  	p0 =	sne.s32 s15, s7;
	[tilespmem:$0x1DFF0] =	vst v0  }
.Ltmp17:
0x24e: {  	s6 =	rddreg [dreg:$0x3];
	s11 =	simm.s32 $0x1DC00;
	[tilespmem:$0x1DFE0] =	vst v2;
	(pc) =	sbr.rel @p0 .LBB2_1-.Ltmp17, $4  }
0x24f: {  	[hbm4b:s6+s3] =	stream.linear.scatter [tilespmem:s11], [sflag:$0x9], $0x400, $0x38;
	[tilespmem:$0x1E000] =	vst v63  }
0x250: {  	_ =	swait.ge [sflag:s13], $0x8000  }
0x251: {  	[sflag:s13] =	ssyncset.done $0x0  }
0x252: {  	[sflag:s13] =	ssyncadd.s32 $0xFFFF8000  }
0x253: {  	_ =	sfence.sel $0x180000  }
0x254: {  	[bflag:$0x0] =	sbarrier.arrive $0xFFFF  }
0x255: {  	_ =	strace $0x90000047  }
0x256: {  	s0 =	stileid.u32;
	[bflag:$0x2] =	sbarrier.arrive $0xFFFF  }
0x257: {  	p0 =	sne.s32 s0, $0x0;
	s0 =	rddreg [dreg:$0x2]  }
0x258: {  	s0 =	sadd.s32 @!p0 $0x100000, s0  }
0x259: {  	[sflag:s0] =	ssyncadd.tile.s32 @!p0 $0x1;
	_ =	shalt  }
.Lfunc_end2:
_tile_overlayer_lowered:
.L_overlay_start_2:
0x25a: {  	(tag) =	ssettag $0x2  }
0x25b: {  	s0 =	rddreg [dreg:$0x0];
	s2 =	stileid.u32  }
0x25c: {  	s1 =	rddreg [dreg:$0x1];
	p0 =	sne.s32 s2, $0x0  }
0x25d: {  	s3 =	rddreg [dreg:$0x2];
	[bflag:$0x3] =	sbarrier.arrive $0xFFFF;
	s2 =	simm.s32 @!p0 $0x1C0A  }
0x25e: {  	[timem:s3], [sflag:s2] =	dma.local @!p0 [hbm:s0], s1  }
0x25f: {  	s0 =	simm.s32 @!p0 $0xA  }
0x260: {  	_ =	swait.ge @!p0 [sflag:s0], s1  }
0x261: {  	s1 =	ssub.s32 @!p0 $0x0, s1;
	[sflag:s0] =	ssyncset.done @!p0 $0x0  }
0x262: {  	[sflag:s0] =	ssyncadd.s32 @!p0 s1  }
0x263: {  	[bflag:$0x3] =	sbarrier.arrive $0xFFFF  }
0x264: {  	_ =	shalt  }

</sc_bundles>
